<compile_context>
chip_gen: v7x
topology: tpu7x:2x2x1
jax: 0.10.2.dev20260603
libtpu: 0.0.44.dev20260713+nightly
codegen_flags: <defaults>
</compile_context>

<pallas_src>
import functools

import jax
import jax.numpy as jnp
from jax import lax
from jax.experimental import pallas as pl
from jax.experimental.pallas import tpu as pltpu
from jax.experimental.pallas import tpu_sc as plsc

N = 10000
E = 320000
G = 64
D = 32

NC = 2
NS = 16
NW = NC * NS
CH = 128
PERW = 80
NCHT = NW * PERW
EPAD = NCHT * CH - E
RPT = 632
KB = 16
HB = KB // 2
NP = RPT * NS


def _segsum_body(h_hbm, edges_hbm, out_hbm,
                 acc_sh, h_sh, src_v, dst_v, rows_a, zblk, gsem, psem, sem):
    c = lax.axis_index("c")
    s = lax.axis_index("s")
    wid = c * NS + s
    cbase = wid * PERW

    hd = pltpu.async_copy(h_hbm.at[pl.ds(s * RPT, RPT)],
                          h_sh.at[pl.ds(s * RPT, RPT)], psem.at[0])
    ed = pltpu.async_copy(edges_hbm.at[pl.ds(cbase, PERW)], src_v, psem.at[1])

    def zrow(i, carry):
        zblk[i, pl.ds(0, 16)] = jnp.zeros((16,), jnp.float32)
        zblk[i, pl.ds(16, 16)] = jnp.zeros((16,), jnp.float32)
        return carry

    lax.fori_loop(0, CH, zrow, 0, unroll=False)
    for r in range(4):
        pltpu.sync_copy(zblk, acc_sh.at[pl.ds(s * RPT + r * CH, CH)])
    pltpu.sync_copy(zblk.at[pl.ds(0, RPT - 4 * CH)],
                    acc_sh.at[pl.ds(s * RPT + 4 * CH, RPT - 4 * CH)])
    ed.wait()

    def unpack(i, carry):
        for k in range(CH // 16):
            p = src_v[i, pl.ds(16 * k, 16)]
            src_v[i, pl.ds(16 * k, 16)] = lax.bitwise_and(p, 0xFFFF)
            dst_v[i, pl.ds(16 * k, 16)] = lax.shift_right_logical(p, 16)
        return carry

    lax.fori_loop(0, PERW, unpack, 0, unroll=False)
    hd.wait()

    plsc.subcore_barrier()

    def fire_half(g, off):
        for b in range(HB):
            pltpu.async_copy(h_sh.at[src_v.at[g * HB + b]],
                             rows_a.at[off + b], gsem.at[off + b])

    def drain_half(g, off):
        sds = []
        for b in range(HB):
            pltpu.make_async_copy(h_sh.at[src_v.at[g * HB + b]],
                                  rows_a.at[off + b],
                                  gsem.at[off + b]).wait()
            sds.append(
                pltpu.async_copy(rows_a.at[off + b],
                                 acc_sh.at[dst_v.at[g * HB + b]],
                                 sem, add=True))
        return sds

    NG2 = PERW // KB
    fire_half(0, 0)

    def ring(j, carry):
        fire_half(2 * j + 1, HB)
        for sd in drain_half(2 * j, 0):
            sd.wait()

        @pl.when(j < NG2 - 1)
        def _():
            fire_half(2 * j + 2, 0)

        for sd in drain_half(2 * j + 1, HB):
            sd.wait()
        return carry

    lax.fori_loop(0, NG2, ring, 0, unroll=False)

    plsc.subcore_barrier()

    pltpu.sync_copy(acc_sh.at[pl.ds(s * RPT, RPT)],
                    out_hbm.at[c, pl.ds(s * RPT, RPT)])


@functools.partial(jax.jit, static_argnums=())
def _segsum(h, edges):
    mesh = plsc.VectorSubcoreMesh(
        core_axis_name="c", subcore_axis_name="s",
        num_cores=NC, num_subcores=NS)
    fn = pl.kernel(
        _segsum_body,
        out_type=jax.ShapeDtypeStruct((NC, NP, D), jnp.float32),
        mesh=mesh,
        scratch_types=[
            pltpu.VMEM_SHARED((NP, D), jnp.float32),
            pltpu.VMEM_SHARED((NP, D), jnp.float32),
            pltpu.VMEM((PERW, CH), jnp.int32),
            pltpu.VMEM((PERW, CH), jnp.int32),
            pltpu.VMEM((KB, CH, D), jnp.float32),
            pltpu.VMEM((CH, D), jnp.float32),
            pltpu.SemaphoreType.DMA((KB,)),
            pltpu.SemaphoreType.DMA((2,)),
            pltpu.SemaphoreType.DMA,
        ],
        compiler_params=pltpu.CompilerParams(use_tc_tiling_on_sc=False),
    )
    return fn(h, edges)


PK = 4
PR = N // PK
PRP = NP // PK


def _fold_norm_relu(u, dh, g_t, be_t):
    L = u.shape[1]
    us = u[:PR]
    csum = jnp.sum(us, axis=0, keepdims=True)
    ii = lax.broadcasted_iota(jnp.int32, (L, L), 0) % dh
    jj = lax.broadcasted_iota(jnp.int32, (L, L), 1) % dh
    fold = (ii == jj).astype(jnp.float32)
    mu = jnp.dot(csum, fold, preferred_element_type=jnp.float32) / N
    d = u - mu
    ds = d[:PR]
    c2 = jnp.sum(ds * ds, axis=0, keepdims=True)
    var = jnp.dot(c2, fold, preferred_element_type=jnp.float32) / N
    return jnp.maximum(d / jnp.sqrt(var + 1e-5) * g_t + be_t, 0.0)


def _proj_body(x_ref, w_ref, o_ref):
    o_ref[...] = jnp.dot(x_ref[...], w_ref[...],
                         preferred_element_type=jnp.float32)


def _proj(x_pad, w_bd):
    return pl.pallas_call(
        _proj_body,
        out_shape=jax.ShapeDtypeStruct((PRP, PK * D), jnp.float32),
    )(x_pad, w_bd)


def _mlp1_body(y_ref, agg_ref, eps_ref, ba_ref, g_ref, be_ref, wb_ref,
               bb_ref, o_ref):
    u = ((1.0 + eps_ref[0, 0]) * y_ref[...] + agg_ref[0] + agg_ref[1]
         + ba_ref[...])
    h = _fold_norm_relu(u, D, g_ref[...], be_ref[...])
    o_ref[...] = jnp.dot(h, wb_ref[...],
                         preferred_element_type=jnp.float32) + bb_ref[...]


def _mlp1(y, agg, eps, ba_t, g_t, be_t, wb_bd, bb_t):
    return pl.pallas_call(
        _mlp1_body,
        out_shape=jax.ShapeDtypeStruct((PRP, PK * D), jnp.float32),
    )(y, agg, eps.reshape(1, 1), ba_t, g_t, be_t, wb_bd, bb_t)


def _mlp_body(h_ref, agg_ref, eps_ref, wa_ref, ba_ref, g_ref, be_ref,
              wb_ref, bb_ref, o_ref):
    t = (1.0 + eps_ref[0, 0]) * h_ref[...] + agg_ref[0] + agg_ref[1]
    y = jnp.dot(t, wa_ref[...],
                preferred_element_type=jnp.float32) + ba_ref[...]
    h = _fold_norm_relu(y, 64, g_ref[...], be_ref[...])
    o_ref[...] = jnp.dot(h, wb_ref[...],
                         preferred_element_type=jnp.float32) + bb_ref[...]


def _mlp(h, agg, eps, wa_bd, ba_t, g_t, be_t, wb_bd, bb_t):
    return pl.pallas_call(
        _mlp_body,
        out_shape=jax.ShapeDtypeStruct((PRP, PK * D), jnp.float32),
    )(h, agg, eps.reshape(1, 1), wa_bd, ba_t, g_t, be_t, wb_bd, bb_t)


def _final_body(h_ref, agg_ref, eps_ref, wa_ref, ba_ref, g_ref, be_ref,
                wb_ref, bb_ref, batch_ref, wl_ref, bl_ref, o_ref):
    t = (1.0 + eps_ref[0, 0]) * h_ref[...] + agg_ref[0] + agg_ref[1]
    y = jnp.dot(t, wa_ref[...],
                preferred_element_type=jnp.float32) + ba_ref[...]
    h = _fold_norm_relu(y, 64, g_ref[...], be_ref[...])
    h4 = jnp.dot(h, wb_ref[...],
                 preferred_element_type=jnp.float32) + bb_ref[...]
    gids = lax.broadcasted_iota(jnp.int32, (PR, G), 1)
    sums = jnp.zeros((G, 16), jnp.float32)
    counts = jnp.zeros((G, 1), jnp.float32)
    for k in range(PK):
        oh = (batch_ref[:, k:k + 1] == gids).astype(jnp.float32)
        sums = sums + lax.dot_general(
            oh, h4[:PR, 16 * k:16 * k + 16], (((0,), (0,)), ((), ())),
            preferred_element_type=jnp.float32)
        counts = counts + jnp.sum(oh, axis=0)[:, None]
    pooled = sums / jnp.maximum(counts, 1.0)
    logit = jnp.dot(pooled, wl_ref[...],
                    preferred_element_type=jnp.float32) + bl_ref[...]
    o_ref[...] = jax.nn.sigmoid(logit)


def _final(h, agg, eps, wa_bd, ba_t, g_t, be_t, wb_bd, bb_t, batch_p,
           Wl, bl):
    return pl.pallas_call(
        _final_body,
        out_shape=jax.ShapeDtypeStruct((G, 1), jnp.float32),
    )(h, agg, eps.reshape(1, 1), wa_bd, ba_t, g_t, be_t, wb_bd, bb_t,
      batch_p, Wl, bl.reshape(1, 1))


def _pack_body(e_ref, o_ref):
    o_ref[2496:] = jnp.full((NCHT - 2496, CH), N << 16, jnp.int32)
    o_ref[:2500] = jnp.bitwise_or(e_ref[0], jnp.left_shift(e_ref[1], 16))


def _pack(edge_index):
    return pl.pallas_call(
        _pack_body,
        out_shape=jax.ShapeDtypeStruct((NCHT, CH), jnp.int32),
    )(edge_index.reshape(2, E // CH, CH))


def _bd(W):
    return jnp.kron(jnp.eye(PK, dtype=jnp.float32), W)


def _t4(v):
    return jnp.tile(v, PK)[None, :]


def kernel(x, edge_index, batch, eps1, Wa1, ba1, g1, be1, Wb1, bb1,
           eps2, Wa2, ba2, g2, be2, Wb2, bb2,
           eps3, Wa3, ba3, g3, be3, Wb3, bb3,
           eps4, Wa4, ba4, g4, be4, Wb4, bb4, Wl, bl):
    edges = _pack(edge_index)
    x_pad = jnp.concatenate(
        [x, jnp.zeros((NP - N, x.shape[1]), jnp.float32)]).reshape(PRP, -1)
    batch_p = batch.reshape(PR, PK)

    y1 = _proj(x_pad, _bd(Wa1))
    a1 = _segsum(y1.reshape(NP, D), edges)
    h1 = _mlp1(y1, a1.reshape(NC, PRP, PK * D), eps1, _t4(ba1), _t4(g1),
               _t4(be1), _bd(Wb1), _t4(bb1))

    a2 = _segsum(h1.reshape(NP, D), edges)
    h2 = _mlp(h1, a2.reshape(NC, PRP, PK * D), eps2, _bd(Wa2), _t4(ba2),
              _t4(g2), _t4(be2), _bd(Wb2), _t4(bb2))

    a3 = _segsum(h2.reshape(NP, D), edges)
    h3 = _mlp(h2, a3.reshape(NC, PRP, PK * D), eps3, _bd(Wa3), _t4(ba3),
              _t4(g3), _t4(be3), _bd(Wb3), _t4(bb3))

    a4 = _segsum(h3.reshape(NP, D), edges)
    return _final(h3, a4.reshape(NC, PRP, PK * D), eps4, _bd(Wa4),
                  _t4(ba4), _t4(g4), _t4(be4), _bd(Wb4), _t4(bb4),
                  batch_p, Wl, bl)

# --- scband reference (transcript-rebuilt; emitter-appended) ---
"""Pipeline reference for scband-gnn-61418032333092 (READ-ONLY COPY).

The authoritative reference and input builder live on the scoring server;
editing this copy changes nothing except your own understanding.
"""

import jax, jax.numpy as jnp
import numpy as np

N = 10000
E = 320000
F = 128
G = 64

def _mlp(h, Wa, ba, g, be, Wb, bb):
    h = h @ Wa + ba
    mu = jnp.mean(h, axis=0)
    var = jnp.var(h, axis=0)
    h = (h - mu) / jnp.sqrt(var + 1e-5) * g + be
    h = jax.nn.relu(h)
    return h @ Wb + bb

def _gin(x, src, dst, eps, Wa, ba, g, be, Wb, bb):
    agg = jax.ops.segment_sum(x[src], dst, num_segments=N)
    return _mlp((1.0 + eps) * x + agg, Wa, ba, g, be, Wb, bb)

def setup_inputs(seed: int = 0):
    key = jax.random.key(seed)
    ks = jax.random.split(key, 32)
    inp = {}
    inp["x"] = jax.random.normal(ks[0], (N, F), dtype=jnp.float32)
    inp["edge_index"] = jax.random.randint(ks[1], (2, E), 0, N, dtype=jnp.int32)
    inp["batch"] = jnp.sort(jax.random.randint(ks[2], (N,), 0, G, dtype=jnp.int32))
    dims = [(F, 32, 32), (32, 64, 32), (32, 64, 32), (32, 64, 16)]
    k = 3
    for i, (din, dh, dout) in enumerate(dims, start=1):
        inp["eps%d" % i] = jnp.zeros((), dtype=jnp.float32)
        inp["Wa%d" % i] = jax.random.normal(ks[k], (din, dh), dtype=jnp.float32) * (1.0 / np.sqrt(din)); k += 1
        inp["ba%d" % i] = jnp.zeros((dh,), dtype=jnp.float32)
        inp["g%d" % i] = jnp.ones((dh,), dtype=jnp.float32)
        inp["be%d" % i] = jnp.zeros((dh,), dtype=jnp.float32)
        inp["Wb%d" % i] = jax.random.normal(ks[k], (dh, dout), dtype=jnp.float32) * (1.0 / np.sqrt(dh)); k += 1
        inp["bb%d" % i] = jnp.zeros((dout,), dtype=jnp.float32)
    inp["Wl"] = jax.random.normal(ks[k], (16, 1), dtype=jnp.float32) * 0.25
    inp["bl"] = jnp.zeros((1,), dtype=jnp.float32)
    return inp

def reference(x, edge_index, batch, eps1, Wa1, ba1, g1, be1, Wb1, bb1, eps2, Wa2, ba2, g2, be2, Wb2, bb2, eps3, Wa3, ba3, g3, be3, Wb3, bb3, eps4, Wa4, ba4, g4, be4, Wb4, bb4, Wl, bl):
    src, dst = edge_index[0], edge_index[1]
    h = _gin(x, src, dst, eps1, Wa1, ba1, g1, be1, Wb1, bb1)
    h = _gin(h, src, dst, eps2, Wa2, ba2, g2, be2, Wb2, bb2)
    h = _gin(h, src, dst, eps3, Wa3, ba3, g3, be3, Wb3, bb3)
    h = _gin(h, src, dst, eps4, Wa4, ba4, g4, be4, Wb4, bb4)
    sums = jax.ops.segment_sum(h, batch, num_segments=G)
    counts = jax.ops.segment_sum(jnp.ones((N,), dtype=jnp.float32), batch, num_segments=G)
    pooled = sums / jnp.maximum(counts, 1.0)[:, None]
    return jax.nn.sigmoid(pooled @ Wl + bl)

if __name__ == "__main__":
    import jax
    _d = setup_inputs()
    print(jax.jit(kernel)(*tuple(_d.values())))

</pallas_src>

<mosaic_0001>
#map = affine_map<(d0, d1) -> (0, 0)>
#map1 = affine_map<(d0, d1) -> (0, 0, 0)>
module attributes {stable_mosaic.version = 14 : i64} {
  func.func @_segsum_body(%arg0: i32, %arg1: i32, %arg2: memref<10112x32xf32, #tpu.memory_space<hbm>>, %arg3: memref<2560x128xi32, #tpu.memory_space<hbm>>, %arg4: memref<2x10112x32xf32, #tpu.memory_space<hbm>>, %arg5: memref<10112x32xf32, #tpu.memory_space<vmem_shared>>, %arg6: memref<10112x32xf32, #tpu.memory_space<vmem_shared>>, %arg7: memref<80x128xi32, #tpu.memory_space<vmem>>, %arg8: memref<80x128xi32, #tpu.memory_space<vmem>>, %arg9: memref<16x128x32xf32, #tpu.memory_space<vmem>>, %arg10: memref<128x32xf32, #tpu.memory_space<vmem>>, %arg11: memref<16x!tpu.dma_semaphore, #tpu.memory_space<semaphore_mem>>, %arg12: memref<2x!tpu.dma_semaphore, #tpu.memory_space<semaphore_mem>>, %arg13: memref<!tpu.dma_semaphore, #tpu.memory_space<semaphore_mem>>) attributes {dimension_semantics = [#tpu.dimension_semantics<core_parallel>, #tpu.dimension_semantics<subcore_parallel>], iteration_bounds = array<i64: 2, 16>, scalar_prefetch = 0 : i64, scratch_operands = 9 : i64, tpu.core_type = #tpu.core_type<sc_vector_subcore>, window_params = [{transform_indices = #map}, {transform_indices = #map}, {transform_indices = #map1}]} {
    %mul3A = arith.constant 16 : i32
    %mul3A_0 = arith.muli %arg0, %mul3A : i32
    %add3A = arith.addi %mul3A_0, %arg1 : i32
    %mul3A_1 = arith.constant 80 : i32
    %mul3A_2 = arith.muli %add3A, %mul3A_1 : i32
    %mul3A_3 = arith.constant 632 : i32
    %mul3A_4 = arith.muli %arg1, %mul3A_3 : i32
    %mul3A_5 = arith.constant 632 : i32
    %mul3A_6 = arith.muli %arg1, %mul3A_5 : i32
    %dma_start3A = arith.constant 0 : i32
    %dma_start3A_7 = tpu.memref_slice %arg12[%dma_start3A] : memref<2x!tpu.dma_semaphore, #tpu.memory_space<semaphore_mem>> -> memref<1x!tpu.dma_semaphore, #tpu.memory_space<semaphore_mem>>
    %dma_start3A_8 = tpu.memref_squeeze %dma_start3A_7 : memref<1x!tpu.dma_semaphore, #tpu.memory_space<semaphore_mem>> -> memref<!tpu.dma_semaphore, #tpu.memory_space<semaphore_mem>>
    %dma_start3A_9 = arith.constant 0 : i32
    %dma_start3A_10 = tpu.memref_slice %arg6[%mul3A_6, %dma_start3A_9] : memref<10112x32xf32, #tpu.memory_space<vmem_shared>> -> memref<632x32xf32, #tpu.memory_space<vmem_shared>>
    %dma_start3A_11 = arith.constant 0 : i32
    %dma_start3A_12 = tpu.memref_slice %arg2[%mul3A_4, %dma_start3A_11] : memref<10112x32xf32, #tpu.memory_space<hbm>> -> memref<632x32xf32, #tpu.memory_space<hbm>>
    tpu.enqueue_dma source(%dma_start3A_12 : memref<632x32xf32, #tpu.memory_space<hbm>>) target(%dma_start3A_10 : memref<632x32xf32, #tpu.memory_space<vmem_shared>>) target_semaphore(%dma_start3A_8 : memref<!tpu.dma_semaphore, #tpu.memory_space<semaphore_mem>>)
    %dma_start3A_13 = arith.constant 1 : i32
    %dma_start3A_14 = arith.constant 0 : i32
    %dma_start3A_15 = tpu.memref_slice %arg3[%mul3A_2, %dma_start3A_14] : memref<2560x128xi32, #tpu.memory_space<hbm>> -> memref<80x128xi32, #tpu.memory_space<hbm>>
    %dma_start3A_16 = tpu.memref_slice %arg12[%dma_start3A_13] : memref<2x!tpu.dma_semaphore, #tpu.memory_space<semaphore_mem>> -> memref<1x!tpu.dma_semaphore, #tpu.memory_space<semaphore_mem>>
    %dma_start3A_17 = tpu.memref_squeeze %dma_start3A_16 : memref<1x!tpu.dma_semaphore, #tpu.memory_space<semaphore_mem>> -> memref<!tpu.dma_semaphore, #tpu.memory_space<semaphore_mem>>
    %dma_start3A_18 = arith.constant 0 : i32
    %dma_start3A_19 = tpu.memref_slice %arg3[%mul3A_2, %dma_start3A_18] : memref<2560x128xi32, #tpu.memory_space<hbm>> -> memref<80x128xi32, #tpu.memory_space<hbm>>
    tpu.enqueue_dma source(%dma_start3A_19 : memref<80x128xi32, #tpu.memory_space<hbm>>) target(%arg7 : memref<80x128xi32, #tpu.memory_space<vmem>>) target_semaphore(%dma_start3A_17 : memref<!tpu.dma_semaphore, #tpu.memory_space<semaphore_mem>>)
    %scan3A = arith.constant 0 : i32
    %scan3A_20 = arith.constant 0 : i32
    %scan3A_21 = arith.constant 128 : i32
    %scan3A_22 = arith.addi %scan3A_20, %scan3A_21 : i32
    %scan3A_23 = arith.constant 1 : i32
    scf.for %scan3A_195 = %scan3A_20 to %scan3A_22 step %scan3A_23  : i32 {
      %broadcast_in_dim3A = arith.constant 0.000000e+00 : f32
      %broadcast_in_dim3A_196 = vector.broadcast %broadcast_in_dim3A : f32 to vector<16xf32>
      %swap3A = arith.index_cast %scan3A_195 : i32 to index
      %swap3A_197 = arith.constant 0 : index
      %swap3A_198 = tpu.vector_load %arg10[%swap3A, %swap3A_197] {strides = array<i32>} : memref<128x32xf32, #tpu.memory_space<vmem>>, vector<1x16xf32>,
      %swap3A_199 = vector.shape_cast %swap3A_198 : vector<1x16xf32> to vector<16xf32>
      %swap3A_200 = vector.shape_cast %broadcast_in_dim3A_196 : vector<16xf32> to vector<1x16xf32>
      tpu.vector_store %arg10[%swap3A, %swap3A_197], %swap3A_200 {strides = array<i32>} : memref<128x32xf32, #tpu.memory_space<vmem>>, vector<1x16xf32>,
      %broadcast_in_dim3A_201 = arith.constant 0.000000e+00 : f32
      %broadcast_in_dim3A_202 = vector.broadcast %broadcast_in_dim3A_201 : f32 to vector<16xf32>
      %swap3A_203 = arith.index_cast %scan3A_195 : i32 to index
      %swap3A_204 = arith.constant 16 : index
      %swap3A_205 = tpu.vector_load %arg10[%swap3A_203, %swap3A_204] {strides = array<i32>} : memref<128x32xf32, #tpu.memory_space<vmem>>, vector<1x16xf32>,
      %swap3A_206 = vector.shape_cast %swap3A_205 : vector<1x16xf32> to vector<16xf32>
      %swap3A_207 = vector.shape_cast %broadcast_in_dim3A_202 : vector<16xf32> to vector<1x16xf32>
      tpu.vector_store %arg10[%swap3A_203, %swap3A_204], %swap3A_207 {strides = array<i32>} : memref<128x32xf32, #tpu.memory_space<vmem>>, vector<1x16xf32>,
    }
    %scan3A_24 = arith.constant 128 : i32
    %mul3A_25 = arith.constant 632 : i32
    %mul3A_26 = arith.muli %arg1, %mul3A_25 : i32
    %add3A_27 = arith.constant 0 : i32
    %add3A_28 = arith.addi %mul3A_26, %add3A_27 : i32
    "tpu.region"() ({
      %run_scoped3A = tpu.sem_alloc : memref<!tpu.dma_semaphore, #tpu.memory_space<semaphore_mem>>
      %dma_start3A_195 = arith.constant 0 : i32
      %dma_start3A_196 = tpu.memref_slice %arg5[%add3A_28, %dma_start3A_195] : memref<10112x32xf32, #tpu.memory_space<vmem_shared>> -> memref<128x32xf32, #tpu.memory_space<vmem_shared>>
      %dma_start3A_197 = arith.constant 0 : i32
      %dma_start3A_198 = tpu.memref_slice %arg5[%add3A_28, %dma_start3A_197] : memref<10112x32xf32, #tpu.memory_space<vmem_shared>> -> memref<128x32xf32, #tpu.memory_space<vmem_shared>>
      tpu.enqueue_dma source(%arg10 : memref<128x32xf32, #tpu.memory_space<vmem>>) target(%dma_start3A_198 : memref<128x32xf32, #tpu.memory_space<vmem_shared>>) target_semaphore(%run_scoped3A : memref<!tpu.dma_semaphore, #tpu.memory_space<semaphore_mem>>)
      %dma_wait3A_199 = arith.constant 0 : i32
      %dma_wait3A_200 = tpu.memref_slice %arg5[%add3A_28, %dma_wait3A_199] : memref<10112x32xf32, #tpu.memory_space<vmem_shared>> -> memref<128x32xf32, #tpu.memory_space<vmem_shared>>
      %dma_wait3A_201 = arith.constant 0 : i32
      %dma_wait3A_202 = tpu.memref_slice %arg5[%add3A_28, %dma_wait3A_201] : memref<10112x32xf32, #tpu.memory_space<vmem_shared>> -> memref<128x32xf32, #tpu.memory_space<vmem_shared>>
      tpu.wait_dma2 semaphore(%run_scoped3A : memref<!tpu.dma_semaphore, #tpu.memory_space<semaphore_mem>>) src(%arg10 : memref<128x32xf32, #tpu.memory_space<vmem>>) dst(%dma_wait3A_202 : memref<128x32xf32, #tpu.memory_space<vmem_shared>>)
      tpu.yield
    }) : () -> ()
    %mul3A_29 = arith.constant 632 : i32
    %mul3A_30 = arith.muli %arg1, %mul3A_29 : i32
    %add3A_31 = arith.constant 128 : i32
    %add3A_32 = arith.addi %mul3A_30, %add3A_31 : i32
    "tpu.region"() ({
      %run_scoped3A = tpu.sem_alloc : memref<!tpu.dma_semaphore, #tpu.memory_space<semaphore_mem>>
      %dma_start3A_195 = arith.constant 0 : i32
      %dma_start3A_196 = tpu.memref_slice %arg5[%add3A_32, %dma_start3A_195] : memref<10112x32xf32, #tpu.memory_space<vmem_shared>> -> memref<128x32xf32, #tpu.memory_space<vmem_shared>>
      %dma_start3A_197 = arith.constant 0 : i32
      %dma_start3A_198 = tpu.memref_slice %arg5[%add3A_32, %dma_start3A_197] : memref<10112x32xf32, #tpu.memory_space<vmem_shared>> -> memref<128x32xf32, #tpu.memory_space<vmem_shared>>
      tpu.enqueue_dma source(%arg10 : memref<128x32xf32, #tpu.memory_space<vmem>>) target(%dma_start3A_198 : memref<128x32xf32, #tpu.memory_space<vmem_shared>>) target_semaphore(%run_scoped3A : memref<!tpu.dma_semaphore, #tpu.memory_space<semaphore_mem>>)
      %dma_wait3A_199 = arith.constant 0 : i32
      %dma_wait3A_200 = tpu.memref_slice %arg5[%add3A_32, %dma_wait3A_199] : memref<10112x32xf32, #tpu.memory_space<vmem_shared>> -> memref<128x32xf32, #tpu.memory_space<vmem_shared>>
      %dma_wait3A_201 = arith.constant 0 : i32
      %dma_wait3A_202 = tpu.memref_slice %arg5[%add3A_32, %dma_wait3A_201] : memref<10112x32xf32, #tpu.memory_space<vmem_shared>> -> memref<128x32xf32, #tpu.memory_space<vmem_shared>>
      tpu.wait_dma2 semaphore(%run_scoped3A : memref<!tpu.dma_semaphore, #tpu.memory_space<semaphore_mem>>) src(%arg10 : memref<128x32xf32, #tpu.memory_space<vmem>>) dst(%dma_wait3A_202 : memref<128x32xf32, #tpu.memory_space<vmem_shared>>)
      tpu.yield
    }) : () -> ()
    %mul3A_33 = arith.constant 632 : i32
    %mul3A_34 = arith.muli %arg1, %mul3A_33 : i32
    %add3A_35 = arith.constant 256 : i32
    %add3A_36 = arith.addi %mul3A_34, %add3A_35 : i32
    "tpu.region"() ({
      %run_scoped3A = tpu.sem_alloc : memref<!tpu.dma_semaphore, #tpu.memory_space<semaphore_mem>>
      %dma_start3A_195 = arith.constant 0 : i32
      %dma_start3A_196 = tpu.memref_slice %arg5[%add3A_36, %dma_start3A_195] : memref<10112x32xf32, #tpu.memory_space<vmem_shared>> -> memref<128x32xf32, #tpu.memory_space<vmem_shared>>
      %dma_start3A_197 = arith.constant 0 : i32
      %dma_start3A_198 = tpu.memref_slice %arg5[%add3A_36, %dma_start3A_197] : memref<10112x32xf32, #tpu.memory_space<vmem_shared>> -> memref<128x32xf32, #tpu.memory_space<vmem_shared>>
      tpu.enqueue_dma source(%arg10 : memref<128x32xf32, #tpu.memory_space<vmem>>) target(%dma_start3A_198 : memref<128x32xf32, #tpu.memory_space<vmem_shared>>) target_semaphore(%run_scoped3A : memref<!tpu.dma_semaphore, #tpu.memory_space<semaphore_mem>>)
      %dma_wait3A_199 = arith.constant 0 : i32
      %dma_wait3A_200 = tpu.memref_slice %arg5[%add3A_36, %dma_wait3A_199] : memref<10112x32xf32, #tpu.memory_space<vmem_shared>> -> memref<128x32xf32, #tpu.memory_space<vmem_shared>>
      %dma_wait3A_201 = arith.constant 0 : i32
      %dma_wait3A_202 = tpu.memref_slice %arg5[%add3A_36, %dma_wait3A_201] : memref<10112x32xf32, #tpu.memory_space<vmem_shared>> -> memref<128x32xf32, #tpu.memory_space<vmem_shared>>
      tpu.wait_dma2 semaphore(%run_scoped3A : memref<!tpu.dma_semaphore, #tpu.memory_space<semaphore_mem>>) src(%arg10 : memref<128x32xf32, #tpu.memory_space<vmem>>) dst(%dma_wait3A_202 : memref<128x32xf32, #tpu.memory_space<vmem_shared>>)
      tpu.yield
    }) : () -> ()
    %mul3A_37 = arith.constant 632 : i32
    %mul3A_38 = arith.muli %arg1, %mul3A_37 : i32
    %add3A_39 = arith.constant 384 : i32
    %add3A_40 = arith.addi %mul3A_38, %add3A_39 : i32
    "tpu.region"() ({
      %run_scoped3A = tpu.sem_alloc : memref<!tpu.dma_semaphore, #tpu.memory_space<semaphore_mem>>
      %dma_start3A_195 = arith.constant 0 : i32
      %dma_start3A_196 = tpu.memref_slice %arg5[%add3A_40, %dma_start3A_195] : memref<10112x32xf32, #tpu.memory_space<vmem_shared>> -> memref<128x32xf32, #tpu.memory_space<vmem_shared>>
      %dma_start3A_197 = arith.constant 0 : i32
      %dma_start3A_198 = tpu.memref_slice %arg5[%add3A_40, %dma_start3A_197] : memref<10112x32xf32, #tpu.memory_space<vmem_shared>> -> memref<128x32xf32, #tpu.memory_space<vmem_shared>>
      tpu.enqueue_dma source(%arg10 : memref<128x32xf32, #tpu.memory_space<vmem>>) target(%dma_start3A_198 : memref<128x32xf32, #tpu.memory_space<vmem_shared>>) target_semaphore(%run_scoped3A : memref<!tpu.dma_semaphore, #tpu.memory_space<semaphore_mem>>)
      %dma_wait3A_199 = arith.constant 0 : i32
      %dma_wait3A_200 = tpu.memref_slice %arg5[%add3A_40, %dma_wait3A_199] : memref<10112x32xf32, #tpu.memory_space<vmem_shared>> -> memref<128x32xf32, #tpu.memory_space<vmem_shared>>
      %dma_wait3A_201 = arith.constant 0 : i32
      %dma_wait3A_202 = tpu.memref_slice %arg5[%add3A_40, %dma_wait3A_201] : memref<10112x32xf32, #tpu.memory_space<vmem_shared>> -> memref<128x32xf32, #tpu.memory_space<vmem_shared>>
      tpu.wait_dma2 semaphore(%run_scoped3A : memref<!tpu.dma_semaphore, #tpu.memory_space<semaphore_mem>>) src(%arg10 : memref<128x32xf32, #tpu.memory_space<vmem>>) dst(%dma_wait3A_202 : memref<128x32xf32, #tpu.memory_space<vmem_shared>>)
      tpu.yield
    }) : () -> ()
    %mul3A_41 = arith.constant 632 : i32
    %mul3A_42 = arith.muli %arg1, %mul3A_41 : i32
    %add3A_43 = arith.constant 512 : i32
    %add3A_44 = arith.addi %mul3A_42, %add3A_43 : i32
    "tpu.region"() ({
      %run_scoped3A = tpu.sem_alloc : memref<!tpu.dma_semaphore, #tpu.memory_space<semaphore_mem>>
      %dma_start3A_195 = arith.constant 0 : i32
      %dma_start3A_196 = arith.constant 0 : i32
      %dma_start3A_197 = tpu.memref_slice %arg10[%dma_start3A_195, %dma_start3A_196] : memref<128x32xf32, #tpu.memory_space<vmem>> -> memref<120x32xf32, #tpu.memory_space<vmem>>
      %dma_start3A_198 = arith.constant 0 : i32
      %dma_start3A_199 = tpu.memref_slice %arg5[%add3A_44, %dma_start3A_198] : memref<10112x32xf32, #tpu.memory_space<vmem_shared>> -> memref<120x32xf32, #tpu.memory_space<vmem_shared>>
      %dma_start3A_200 = arith.constant 0 : i32
      %dma_start3A_201 = tpu.memref_slice %arg5[%add3A_44, %dma_start3A_200] : memref<10112x32xf32, #tpu.memory_space<vmem_shared>> -> memref<120x32xf32, #tpu.memory_space<vmem_shared>>
      %dma_start3A_202 = arith.constant 0 : i32
      %dma_start3A_203 = arith.constant 0 : i32
      %dma_start3A_204 = tpu.memref_slice %arg10[%dma_start3A_202, %dma_start3A_203] : memref<128x32xf32, #tpu.memory_space<vmem>> -> memref<120x32xf32, #tpu.memory_space<vmem>>
      tpu.enqueue_dma source(%dma_start3A_204 : memref<120x32xf32, #tpu.memory_space<vmem>>) target(%dma_start3A_201 : memref<120x32xf32, #tpu.memory_space<vmem_shared>>) target_semaphore(%run_scoped3A : memref<!tpu.dma_semaphore, #tpu.memory_space<semaphore_mem>>)
      %dma_wait3A_205 = arith.constant 0 : i32
      %dma_wait3A_206 = arith.constant 0 : i32
      %dma_wait3A_207 = tpu.memref_slice %arg10[%dma_wait3A_205, %dma_wait3A_206] : memref<128x32xf32, #tpu.memory_space<vmem>> -> memref<120x32xf32, #tpu.memory_space<vmem>>
      %dma_wait3A_208 = arith.constant 0 : i32
      %dma_wait3A_209 = tpu.memref_slice %arg5[%add3A_44, %dma_wait3A_208] : memref<10112x32xf32, #tpu.memory_space<vmem_shared>> -> memref<120x32xf32, #tpu.memory_space<vmem_shared>>
      %dma_wait3A_210 = arith.constant 0 : i32
      %dma_wait3A_211 = tpu.memref_slice %arg5[%add3A_44, %dma_wait3A_210] : memref<10112x32xf32, #tpu.memory_space<vmem_shared>> -> memref<120x32xf32, #tpu.memory_space<vmem_shared>>
      %dma_wait3A_212 = arith.constant 0 : i32
      %dma_wait3A_213 = arith.constant 0 : i32
      %dma_wait3A_214 = tpu.memref_slice %arg10[%dma_wait3A_212, %dma_wait3A_213] : memref<128x32xf32, #tpu.memory_space<vmem>> -> memref<120x32xf32, #tpu.memory_space<vmem>>
      tpu.wait_dma2 semaphore(%run_scoped3A : memref<!tpu.dma_semaphore, #tpu.memory_space<semaphore_mem>>) src(%dma_wait3A_214 : memref<120x32xf32, #tpu.memory_space<vmem>>) dst(%dma_wait3A_211 : memref<120x32xf32, #tpu.memory_space<vmem_shared>>)
      tpu.yield
    }) : () -> ()
    %dma_wait3A = arith.constant 1 : i32
    %dma_wait3A_45 = arith.constant 0 : i32
    %dma_wait3A_46 = tpu.memref_slice %arg3[%mul3A_2, %dma_wait3A_45] : memref<2560x128xi32, #tpu.memory_space<hbm>> -> memref<80x128xi32, #tpu.memory_space<hbm>>
    %dma_wait3A_47 = tpu.memref_slice %arg12[%dma_wait3A] : memref<2x!tpu.dma_semaphore, #tpu.memory_space<semaphore_mem>> -> memref<1x!tpu.dma_semaphore, #tpu.memory_space<semaphore_mem>>
    %dma_wait3A_48 = tpu.memref_squeeze %dma_wait3A_47 : memref<1x!tpu.dma_semaphore, #tpu.memory_space<semaphore_mem>> -> memref<!tpu.dma_semaphore, #tpu.memory_space<semaphore_mem>>
    %dma_wait3A_49 = arith.constant 0 : i32
    %dma_wait3A_50 = tpu.memref_slice %arg3[%mul3A_2, %dma_wait3A_49] : memref<2560x128xi32, #tpu.memory_space<hbm>> -> memref<80x128xi32, #tpu.memory_space<hbm>>
    tpu.wait_dma2 semaphore(%dma_wait3A_48 : memref<!tpu.dma_semaphore, #tpu.memory_space<semaphore_mem>>) src(%dma_wait3A_50 : memref<80x128xi32, #tpu.memory_space<hbm>>) dst(%arg7 : memref<80x128xi32, #tpu.memory_space<vmem>>)
    %scan3A_51 = arith.constant 0 : i32
    %scan3A_52 = arith.constant 0 : i32
    %scan3A_53 = arith.constant 80 : i32
    %scan3A_54 = arith.addi %scan3A_52, %scan3A_53 : i32
    %scan3A_55 = arith.constant 1 : i32
    scf.for %scan3A_195 = %scan3A_52 to %scan3A_54 step %scan3A_55  : i32 {
      %get3A = arith.index_cast %scan3A_195 : i32 to index
      %get3A_196 = arith.constant 0 : index
      %get3A_197 = tpu.vector_load %arg7[%get3A, %get3A_196] {strides = array<i32>} : memref<80x128xi32, #tpu.memory_space<vmem>>, vector<1x16xi32>,
      %get3A_198 = vector.shape_cast %get3A_197 : vector<1x16xi32> to vector<16xi32>
      %and3A = arith.constant 65535 : i32
      %and3A_199 = vector.broadcast %and3A : i32 to vector<16xi32>
      %and3A_200 = arith.andi %get3A_198, %and3A_199 : vector<16xi32>
      %swap3A = arith.index_cast %scan3A_195 : i32 to index
      %swap3A_201 = arith.constant 0 : index
      %swap3A_202 = tpu.vector_load %arg7[%swap3A, %swap3A_201] {strides = array<i32>} : memref<80x128xi32, #tpu.memory_space<vmem>>, vector<1x16xi32>,
      %swap3A_203 = vector.shape_cast %swap3A_202 : vector<1x16xi32> to vector<16xi32>
      %swap3A_204 = vector.shape_cast %and3A_200 : vector<16xi32> to vector<1x16xi32>
      tpu.vector_store %arg7[%swap3A, %swap3A_201], %swap3A_204 {strides = array<i32>} : memref<80x128xi32, #tpu.memory_space<vmem>>, vector<1x16xi32>,
      %shift_right_logical3A = arith.constant 16 : i32
      %shift_right_logical3A_205 = vector.broadcast %shift_right_logical3A : i32 to vector<16xi32>
      %shift_right_logical3A_206 = arith.shrui %get3A_198, %shift_right_logical3A_205 : vector<16xi32>
      %swap3A_207 = arith.index_cast %scan3A_195 : i32 to index
      %swap3A_208 = arith.constant 0 : index
      %swap3A_209 = tpu.vector_load %arg8[%swap3A_207, %swap3A_208] {strides = array<i32>} : memref<80x128xi32, #tpu.memory_space<vmem>>, vector<1x16xi32>,
      %swap3A_210 = vector.shape_cast %swap3A_209 : vector<1x16xi32> to vector<16xi32>
      %swap3A_211 = vector.shape_cast %shift_right_logical3A_206 : vector<16xi32> to vector<1x16xi32>
      tpu.vector_store %arg8[%swap3A_207, %swap3A_208], %swap3A_211 {strides = array<i32>} : memref<80x128xi32, #tpu.memory_space<vmem>>, vector<1x16xi32>,
      %get3A_212 = arith.index_cast %scan3A_195 : i32 to index
      %get3A_213 = arith.constant 16 : index
      %get3A_214 = tpu.vector_load %arg7[%get3A_212, %get3A_213] {strides = array<i32>} : memref<80x128xi32, #tpu.memory_space<vmem>>, vector<1x16xi32>,
      %get3A_215 = vector.shape_cast %get3A_214 : vector<1x16xi32> to vector<16xi32>
      %and3A_216 = arith.constant 65535 : i32
      %and3A_217 = vector.broadcast %and3A_216 : i32 to vector<16xi32>
      %and3A_218 = arith.andi %get3A_215, %and3A_217 : vector<16xi32>
      %swap3A_219 = arith.index_cast %scan3A_195 : i32 to index
      %swap3A_220 = arith.constant 16 : index
      %swap3A_221 = tpu.vector_load %arg7[%swap3A_219, %swap3A_220] {strides = array<i32>} : memref<80x128xi32, #tpu.memory_space<vmem>>, vector<1x16xi32>,
      %swap3A_222 = vector.shape_cast %swap3A_221 : vector<1x16xi32> to vector<16xi32>
      %swap3A_223 = vector.shape_cast %and3A_218 : vector<16xi32> to vector<1x16xi32>
      tpu.vector_store %arg7[%swap3A_219, %swap3A_220], %swap3A_223 {strides = array<i32>} : memref<80x128xi32, #tpu.memory_space<vmem>>, vector<1x16xi32>,
      %shift_right_logical3A_224 = arith.constant 16 : i32
      %shift_right_logical3A_225 = vector.broadcast %shift_right_logical3A_224 : i32 to vector<16xi32>
      %shift_right_logical3A_226 = arith.shrui %get3A_215, %shift_right_logical3A_225 : vector<16xi32>
      %swap3A_227 = arith.index_cast %scan3A_195 : i32 to index
      %swap3A_228 = arith.constant 16 : index
      %swap3A_229 = tpu.vector_load %arg8[%swap3A_227, %swap3A_228] {strides = array<i32>} : memref<80x128xi32, #tpu.memory_space<vmem>>, vector<1x16xi32>,
      %swap3A_230 = vector.shape_cast %swap3A_229 : vector<1x16xi32> to vector<16xi32>
      %swap3A_231 = vector.shape_cast %shift_right_logical3A_226 : vector<16xi32> to vector<1x16xi32>
      tpu.vector_store %arg8[%swap3A_227, %swap3A_228], %swap3A_231 {strides = array<i32>} : memref<80x128xi32, #tpu.memory_space<vmem>>, vector<1x16xi32>,
      %get3A_232 = arith.index_cast %scan3A_195 : i32 to index
      %get3A_233 = arith.constant 32 : index
      %get3A_234 = tpu.vector_load %arg7[%get3A_232, %get3A_233] {strides = array<i32>} : memref<80x128xi32, #tpu.memory_space<vmem>>, vector<1x16xi32>,
      %get3A_235 = vector.shape_cast %get3A_234 : vector<1x16xi32> to vector<16xi32>
      %and3A_236 = arith.constant 65535 : i32
      %and3A_237 = vector.broadcast %and3A_236 : i32 to vector<16xi32>
      %and3A_238 = arith.andi %get3A_235, %and3A_237 : vector<16xi32>
      %swap3A_239 = arith.index_cast %scan3A_195 : i32 to index
      %swap3A_240 = arith.constant 32 : index
      %swap3A_241 = tpu.vector_load %arg7[%swap3A_239, %swap3A_240] {strides = array<i32>} : memref<80x128xi32, #tpu.memory_space<vmem>>, vector<1x16xi32>,
      %swap3A_242 = vector.shape_cast %swap3A_241 : vector<1x16xi32> to vector<16xi32>
      %swap3A_243 = vector.shape_cast %and3A_238 : vector<16xi32> to vector<1x16xi32>
      tpu.vector_store %arg7[%swap3A_239, %swap3A_240], %swap3A_243 {strides = array<i32>} : memref<80x128xi32, #tpu.memory_space<vmem>>, vector<1x16xi32>,
      %shift_right_logical3A_244 = arith.constant 16 : i32
      %shift_right_logical3A_245 = vector.broadcast %shift_right_logical3A_244 : i32 to vector<16xi32>
      %shift_right_logical3A_246 = arith.shrui %get3A_235, %shift_right_logical3A_245 : vector<16xi32>
      %swap3A_247 = arith.index_cast %scan3A_195 : i32 to index
      %swap3A_248 = arith.constant 32 : index
      %swap3A_249 = tpu.vector_load %arg8[%swap3A_247, %swap3A_248] {strides = array<i32>} : memref<80x128xi32, #tpu.memory_space<vmem>>, vector<1x16xi32>,
      %swap3A_250 = vector.shape_cast %swap3A_249 : vector<1x16xi32> to vector<16xi32>
      %swap3A_251 = vector.shape_cast %shift_right_logical3A_246 : vector<16xi32> to vector<1x16xi32>
      tpu.vector_store %arg8[%swap3A_247, %swap3A_248], %swap3A_251 {strides = array<i32>} : memref<80x128xi32, #tpu.memory_space<vmem>>, vector<1x16xi32>,
      %get3A_252 = arith.index_cast %scan3A_195 : i32 to index
      %get3A_253 = arith.constant 48 : index
      %get3A_254 = tpu.vector_load %arg7[%get3A_252, %get3A_253] {strides = array<i32>} : memref<80x128xi32, #tpu.memory_space<vmem>>, vector<1x16xi32>,
      %get3A_255 = vector.shape_cast %get3A_254 : vector<1x16xi32> to vector<16xi32>
      %and3A_256 = arith.constant 65535 : i32
      %and3A_257 = vector.broadcast %and3A_256 : i32 to vector<16xi32>
      %and3A_258 = arith.andi %get3A_255, %and3A_257 : vector<16xi32>
      %swap3A_259 = arith.index_cast %scan3A_195 : i32 to index
      %swap3A_260 = arith.constant 48 : index
      %swap3A_261 = tpu.vector_load %arg7[%swap3A_259, %swap3A_260] {strides = array<i32>} : memref<80x128xi32, #tpu.memory_space<vmem>>, vector<1x16xi32>,
      %swap3A_262 = vector.shape_cast %swap3A_261 : vector<1x16xi32> to vector<16xi32>
      %swap3A_263 = vector.shape_cast %and3A_258 : vector<16xi32> to vector<1x16xi32>
      tpu.vector_store %arg7[%swap3A_259, %swap3A_260], %swap3A_263 {strides = array<i32>} : memref<80x128xi32, #tpu.memory_space<vmem>>, vector<1x16xi32>,
      %shift_right_logical3A_264 = arith.constant 16 : i32
      %shift_right_logical3A_265 = vector.broadcast %shift_right_logical3A_264 : i32 to vector<16xi32>
      %shift_right_logical3A_266 = arith.shrui %get3A_255, %shift_right_logical3A_265 : vector<16xi32>
      %swap3A_267 = arith.index_cast %scan3A_195 : i32 to index
      %swap3A_268 = arith.constant 48 : index
      %swap3A_269 = tpu.vector_load %arg8[%swap3A_267, %swap3A_268] {strides = array<i32>} : memref<80x128xi32, #tpu.memory_space<vmem>>, vector<1x16xi32>,
      %swap3A_270 = vector.shape_cast %swap3A_269 : vector<1x16xi32> to vector<16xi32>
      %swap3A_271 = vector.shape_cast %shift_right_logical3A_266 : vector<16xi32> to vector<1x16xi32>
      tpu.vector_store %arg8[%swap3A_267, %swap3A_268], %swap3A_271 {strides = array<i32>} : memref<80x128xi32, #tpu.memory_space<vmem>>, vector<1x16xi32>,
      %get3A_272 = arith.index_cast %scan3A_195 : i32 to index
      %get3A_273 = arith.constant 64 : index
      %get3A_274 = tpu.vector_load %arg7[%get3A_272, %get3A_273] {strides = array<i32>} : memref<80x128xi32, #tpu.memory_space<vmem>>, vector<1x16xi32>,
      %get3A_275 = vector.shape_cast %get3A_274 : vector<1x16xi32> to vector<16xi32>
      %and3A_276 = arith.constant 65535 : i32
      %and3A_277 = vector.broadcast %and3A_276 : i32 to vector<16xi32>
      %and3A_278 = arith.andi %get3A_275, %and3A_277 : vector<16xi32>
      %swap3A_279 = arith.index_cast %scan3A_195 : i32 to index
      %swap3A_280 = arith.constant 64 : index
      %swap3A_281 = tpu.vector_load %arg7[%swap3A_279, %swap3A_280] {strides = array<i32>} : memref<80x128xi32, #tpu.memory_space<vmem>>, vector<1x16xi32>,
      %swap3A_282 = vector.shape_cast %swap3A_281 : vector<1x16xi32> to vector<16xi32>
      %swap3A_283 = vector.shape_cast %and3A_278 : vector<16xi32> to vector<1x16xi32>
      tpu.vector_store %arg7[%swap3A_279, %swap3A_280], %swap3A_283 {strides = array<i32>} : memref<80x128xi32, #tpu.memory_space<vmem>>, vector<1x16xi32>,
      %shift_right_logical3A_284 = arith.constant 16 : i32
      %shift_right_logical3A_285 = vector.broadcast %shift_right_logical3A_284 : i32 to vector<16xi32>
      %shift_right_logical3A_286 = arith.shrui %get3A_275, %shift_right_logical3A_285 : vector<16xi32>
      %swap3A_287 = arith.index_cast %scan3A_195 : i32 to index
      %swap3A_288 = arith.constant 64 : index
      %swap3A_289 = tpu.vector_load %arg8[%swap3A_287, %swap3A_288] {strides = array<i32>} : memref<80x128xi32, #tpu.memory_space<vmem>>, vector<1x16xi32>,
      %swap3A_290 = vector.shape_cast %swap3A_289 : vector<1x16xi32> to vector<16xi32>
      %swap3A_291 = vector.shape_cast %shift_right_logical3A_286 : vector<16xi32> to vector<1x16xi32>
      tpu.vector_store %arg8[%swap3A_287, %swap3A_288], %swap3A_291 {strides = array<i32>} : memref<80x128xi32, #tpu.memory_space<vmem>>, vector<1x16xi32>,
      %get3A_292 = arith.index_cast %scan3A_195 : i32 to index
      %get3A_293 = arith.constant 80 : index
      %get3A_294 = tpu.vector_load %arg7[%get3A_292, %get3A_293] {strides = array<i32>} : memref<80x128xi32, #tpu.memory_space<vmem>>, vector<1x16xi32>,
      %get3A_295 = vector.shape_cast %get3A_294 : vector<1x16xi32> to vector<16xi32>
      %and3A_296 = arith.constant 65535 : i32
      %and3A_297 = vector.broadcast %and3A_296 : i32 to vector<16xi32>
      %and3A_298 = arith.andi %get3A_295, %and3A_297 : vector<16xi32>
      %swap3A_299 = arith.index_cast %scan3A_195 : i32 to index
      %swap3A_300 = arith.constant 80 : index
      %swap3A_301 = tpu.vector_load %arg7[%swap3A_299, %swap3A_300] {strides = array<i32>} : memref<80x128xi32, #tpu.memory_space<vmem>>, vector<1x16xi32>,
      %swap3A_302 = vector.shape_cast %swap3A_301 : vector<1x16xi32> to vector<16xi32>
      %swap3A_303 = vector.shape_cast %and3A_298 : vector<16xi32> to vector<1x16xi32>
      tpu.vector_store %arg7[%swap3A_299, %swap3A_300], %swap3A_303 {strides = array<i32>} : memref<80x128xi32, #tpu.memory_space<vmem>>, vector<1x16xi32>,
      %shift_right_logical3A_304 = arith.constant 16 : i32
      %shift_right_logical3A_305 = vector.broadcast %shift_right_logical3A_304 : i32 to vector<16xi32>
      %shift_right_logical3A_306 = arith.shrui %get3A_295, %shift_right_logical3A_305 : vector<16xi32>
      %swap3A_307 = arith.index_cast %scan3A_195 : i32 to index
      %swap3A_308 = arith.constant 80 : index
      %swap3A_309 = tpu.vector_load %arg8[%swap3A_307, %swap3A_308] {strides = array<i32>} : memref<80x128xi32, #tpu.memory_space<vmem>>, vector<1x16xi32>,
      %swap3A_310 = vector.shape_cast %swap3A_309 : vector<1x16xi32> to vector<16xi32>
      %swap3A_311 = vector.shape_cast %shift_right_logical3A_306 : vector<16xi32> to vector<1x16xi32>
      tpu.vector_store %arg8[%swap3A_307, %swap3A_308], %swap3A_311 {strides = array<i32>} : memref<80x128xi32, #tpu.memory_space<vmem>>, vector<1x16xi32>,
      %get3A_312 = arith.index_cast %scan3A_195 : i32 to index
      %get3A_313 = arith.constant 96 : index
      %get3A_314 = tpu.vector_load %arg7[%get3A_312, %get3A_313] {strides = array<i32>} : memref<80x128xi32, #tpu.memory_space<vmem>>, vector<1x16xi32>,
      %get3A_315 = vector.shape_cast %get3A_314 : vector<1x16xi32> to vector<16xi32>
      %and3A_316 = arith.constant 65535 : i32
      %and3A_317 = vector.broadcast %and3A_316 : i32 to vector<16xi32>
      %and3A_318 = arith.andi %get3A_315, %and3A_317 : vector<16xi32>
      %swap3A_319 = arith.index_cast %scan3A_195 : i32 to index
      %swap3A_320 = arith.constant 96 : index
      %swap3A_321 = tpu.vector_load %arg7[%swap3A_319, %swap3A_320] {strides = array<i32>} : memref<80x128xi32, #tpu.memory_space<vmem>>, vector<1x16xi32>,
      %swap3A_322 = vector.shape_cast %swap3A_321 : vector<1x16xi32> to vector<16xi32>
      %swap3A_323 = vector.shape_cast %and3A_318 : vector<16xi32> to vector<1x16xi32>
      tpu.vector_store %arg7[%swap3A_319, %swap3A_320], %swap3A_323 {strides = array<i32>} : memref<80x128xi32, #tpu.memory_space<vmem>>, vector<1x16xi32>,
      %shift_right_logical3A_324 = arith.constant 16 : i32
      %shift_right_logical3A_325 = vector.broadcast %shift_right_logical3A_324 : i32 to vector<16xi32>
      %shift_right_logical3A_326 = arith.shrui %get3A_315, %shift_right_logical3A_325 : vector<16xi32>
      %swap3A_327 = arith.index_cast %scan3A_195 : i32 to index
      %swap3A_328 = arith.constant 96 : index
      %swap3A_329 = tpu.vector_load %arg8[%swap3A_327, %swap3A_328] {strides = array<i32>} : memref<80x128xi32, #tpu.memory_space<vmem>>, vector<1x16xi32>,
      %swap3A_330 = vector.shape_cast %swap3A_329 : vector<1x16xi32> to vector<16xi32>
      %swap3A_331 = vector.shape_cast %shift_right_logical3A_326 : vector<16xi32> to vector<1x16xi32>
      tpu.vector_store %arg8[%swap3A_327, %swap3A_328], %swap3A_331 {strides = array<i32>} : memref<80x128xi32, #tpu.memory_space<vmem>>, vector<1x16xi32>,
      %get3A_332 = arith.index_cast %scan3A_195 : i32 to index
      %get3A_333 = arith.constant 112 : index
      %get3A_334 = tpu.vector_load %arg7[%get3A_332, %get3A_333] {strides = array<i32>} : memref<80x128xi32, #tpu.memory_space<vmem>>, vector<1x16xi32>,
      %get3A_335 = vector.shape_cast %get3A_334 : vector<1x16xi32> to vector<16xi32>
      %and3A_336 = arith.constant 65535 : i32
      %and3A_337 = vector.broadcast %and3A_336 : i32 to vector<16xi32>
      %and3A_338 = arith.andi %get3A_335, %and3A_337 : vector<16xi32>
      %swap3A_339 = arith.index_cast %scan3A_195 : i32 to index
      %swap3A_340 = arith.constant 112 : index
      %swap3A_341 = tpu.vector_load %arg7[%swap3A_339, %swap3A_340] {strides = array<i32>} : memref<80x128xi32, #tpu.memory_space<vmem>>, vector<1x16xi32>,
      %swap3A_342 = vector.shape_cast %swap3A_341 : vector<1x16xi32> to vector<16xi32>
      %swap3A_343 = vector.shape_cast %and3A_338 : vector<16xi32> to vector<1x16xi32>
      tpu.vector_store %arg7[%swap3A_339, %swap3A_340], %swap3A_343 {strides = array<i32>} : memref<80x128xi32, #tpu.memory_space<vmem>>, vector<1x16xi32>,
      %shift_right_logical3A_344 = arith.constant 16 : i32
      %shift_right_logical3A_345 = vector.broadcast %shift_right_logical3A_344 : i32 to vector<16xi32>
      %shift_right_logical3A_346 = arith.shrui %get3A_335, %shift_right_logical3A_345 : vector<16xi32>
      %swap3A_347 = arith.index_cast %scan3A_195 : i32 to index
      %swap3A_348 = arith.constant 112 : index
      %swap3A_349 = tpu.vector_load %arg8[%swap3A_347, %swap3A_348] {strides = array<i32>} : memref<80x128xi32, #tpu.memory_space<vmem>>, vector<1x16xi32>,
      %swap3A_350 = vector.shape_cast %swap3A_349 : vector<1x16xi32> to vector<16xi32>
      %swap3A_351 = vector.shape_cast %shift_right_logical3A_346 : vector<16xi32> to vector<1x16xi32>
      tpu.vector_store %arg8[%swap3A_347, %swap3A_348], %swap3A_351 {strides = array<i32>} : memref<80x128xi32, #tpu.memory_space<vmem>>, vector<1x16xi32>,
    }
    %scan3A_56 = arith.constant 80 : i32
    %dma_wait3A_57 = arith.constant 0 : i32
    %dma_wait3A_58 = tpu.memref_slice %arg12[%dma_wait3A_57] : memref<2x!tpu.dma_semaphore, #tpu.memory_space<semaphore_mem>> -> memref<1x!tpu.dma_semaphore, #tpu.memory_space<semaphore_mem>>
    %dma_wait3A_59 = tpu.memref_squeeze %dma_wait3A_58 : memref<1x!tpu.dma_semaphore, #tpu.memory_space<semaphore_mem>> -> memref<!tpu.dma_semaphore, #tpu.memory_space<semaphore_mem>>
    %dma_wait3A_60 = arith.constant 0 : i32
    %dma_wait3A_61 = tpu.memref_slice %arg6[%mul3A_6, %dma_wait3A_60] : memref<10112x32xf32, #tpu.memory_space<vmem_shared>> -> memref<632x32xf32, #tpu.memory_space<vmem_shared>>
    %dma_wait3A_62 = arith.constant 0 : i32
    %dma_wait3A_63 = tpu.memref_slice %arg2[%mul3A_4, %dma_wait3A_62] : memref<10112x32xf32, #tpu.memory_space<hbm>> -> memref<632x32xf32, #tpu.memory_space<hbm>>
    tpu.wait_dma2 semaphore(%dma_wait3A_59 : memref<!tpu.dma_semaphore, #tpu.memory_space<semaphore_mem>>) src(%dma_wait3A_63 : memref<632x32xf32, #tpu.memory_space<hbm>>) dst(%dma_wait3A_61 : memref<632x32xf32, #tpu.memory_space<vmem_shared>>)
    %barrier3A = arith.constant 0 : index
    tpu.barrier barrier_id(%barrier3A)
    %dma_start3A_64 = arith.constant 0 : i32
    %dma_start3A_65 = arith.constant 0 : i32
    %dma_start3A_66 = arith.constant 0 : i32
    %dma_start3A_67 = arith.constant 0 : i32
    %dma_start3A_68 = arith.constant 0 : i32
    %dma_start3A_69 = tpu.memref_slice %arg9[%dma_start3A_65, %dma_start3A_67, %dma_start3A_68] : memref<16x128x32xf32, #tpu.memory_space<vmem>> -> memref<1x128x32xf32, #tpu.memory_space<vmem>>
    %dma_start3A_70 = tpu.memref_squeeze %dma_start3A_69 : memref<1x128x32xf32, #tpu.memory_space<vmem>> -> memref<128x32xf32, #tpu.memory_space<vmem>>
    %dma_start3A_71 = arith.constant 0 : i32
    %dma_start3A_72 = tpu.memref_slice %arg7[%dma_start3A_64, %dma_start3A_71] : memref<80x128xi32, #tpu.memory_space<vmem>> -> memref<1x128xi32, #tpu.memory_space<vmem>>
    %dma_start3A_73 = tpu.memref_squeeze %dma_start3A_72 : memref<1x128xi32, #tpu.memory_space<vmem>> -> memref<128xi32, #tpu.memory_space<vmem>>
    %dma_start3A_74 = arith.constant 0 : i32
    %dma_start3A_75 = arith.constant 0 : i32
    %dma_start3A_76 = tpu.memref_slice %arg6[%dma_start3A_74, %dma_start3A_75] : memref<10112x32xf32, #tpu.memory_space<vmem_shared>> -> memref<10112x32xf32, #tpu.memory_space<vmem_shared>>
    %dma_start3A_77 = tpu.memref_slice %arg11[%dma_start3A_66] : memref<16x!tpu.dma_semaphore, #tpu.memory_space<semaphore_mem>> -> memref<1x!tpu.dma_semaphore, #tpu.memory_space<semaphore_mem>>
    %dma_start3A_78 = tpu.memref_squeeze %dma_start3A_77 : memref<1x!tpu.dma_semaphore, #tpu.memory_space<semaphore_mem>> -> memref<!tpu.dma_semaphore, #tpu.memory_space<semaphore_mem>>
    tpu.enqueue_indirect_dma source(%dma_start3A_76 : memref<10112x32xf32, #tpu.memory_space<vmem_shared>>) target(%dma_start3A_70 : memref<128x32xf32, #tpu.memory_space<vmem>>) offsets(%dma_start3A_73 : memref<128xi32, #tpu.memory_space<vmem>>) semaphore(%dma_start3A_78 : memref<!tpu.dma_semaphore, #tpu.memory_space<semaphore_mem>>)
    %dma_start3A_79 = arith.constant 1 : i32
    %dma_start3A_80 = arith.constant 1 : i32
    %dma_start3A_81 = arith.constant 1 : i32
    %dma_start3A_82 = arith.constant 0 : i32
    %dma_start3A_83 = arith.constant 0 : i32
    %dma_start3A_84 = tpu.memref_slice %arg9[%dma_start3A_80, %dma_start3A_82, %dma_start3A_83] : memref<16x128x32xf32, #tpu.memory_space<vmem>> -> memref<1x128x32xf32, #tpu.memory_space<vmem>>
    %dma_start3A_85 = tpu.memref_squeeze %dma_start3A_84 : memref<1x128x32xf32, #tpu.memory_space<vmem>> -> memref<128x32xf32, #tpu.memory_space<vmem>>
    %dma_start3A_86 = arith.constant 0 : i32
    %dma_start3A_87 = tpu.memref_slice %arg7[%dma_start3A_79, %dma_start3A_86] : memref<80x128xi32, #tpu.memory_space<vmem>> -> memref<1x128xi32, #tpu.memory_space<vmem>>
    %dma_start3A_88 = tpu.memref_squeeze %dma_start3A_87 : memref<1x128xi32, #tpu.memory_space<vmem>> -> memref<128xi32, #tpu.memory_space<vmem>>
    %dma_start3A_89 = arith.constant 0 : i32
    %dma_start3A_90 = arith.constant 0 : i32
    %dma_start3A_91 = tpu.memref_slice %arg6[%dma_start3A_89, %dma_start3A_90] : memref<10112x32xf32, #tpu.memory_space<vmem_shared>> -> memref<10112x32xf32, #tpu.memory_space<vmem_shared>>
    %dma_start3A_92 = tpu.memref_slice %arg11[%dma_start3A_81] : memref<16x!tpu.dma_semaphore, #tpu.memory_space<semaphore_mem>> -> memref<1x!tpu.dma_semaphore, #tpu.memory_space<semaphore_mem>>
    %dma_start3A_93 = tpu.memref_squeeze %dma_start3A_92 : memref<1x!tpu.dma_semaphore, #tpu.memory_space<semaphore_mem>> -> memref<!tpu.dma_semaphore, #tpu.memory_space<semaphore_mem>>
    tpu.enqueue_indirect_dma source(%dma_start3A_91 : memref<10112x32xf32, #tpu.memory_space<vmem_shared>>) target(%dma_start3A_85 : memref<128x32xf32, #tpu.memory_space<vmem>>) offsets(%dma_start3A_88 : memref<128xi32, #tpu.memory_space<vmem>>) semaphore(%dma_start3A_93 : memref<!tpu.dma_semaphore, #tpu.memory_space<semaphore_mem>>)
    %dma_start3A_94 = arith.constant 2 : i32
    %dma_start3A_95 = arith.constant 2 : i32
    %dma_start3A_96 = arith.constant 2 : i32
    %dma_start3A_97 = arith.constant 0 : i32
    %dma_start3A_98 = arith.constant 0 : i32
    %dma_start3A_99 = tpu.memref_slice %arg9[%dma_start3A_95, %dma_start3A_97, %dma_start3A_98] : memref<16x128x32xf32, #tpu.memory_space<vmem>> -> memref<1x128x32xf32, #tpu.memory_space<vmem>>
    %dma_start3A_100 = tpu.memref_squeeze %dma_start3A_99 : memref<1x128x32xf32, #tpu.memory_space<vmem>> -> memref<128x32xf32, #tpu.memory_space<vmem>>
    %dma_start3A_101 = arith.constant 0 : i32
    %dma_start3A_102 = tpu.memref_slice %arg7[%dma_start3A_94, %dma_start3A_101] : memref<80x128xi32, #tpu.memory_space<vmem>> -> memref<1x128xi32, #tpu.memory_space<vmem>>
    %dma_start3A_103 = tpu.memref_squeeze %dma_start3A_102 : memref<1x128xi32, #tpu.memory_space<vmem>> -> memref<128xi32, #tpu.memory_space<vmem>>
    %dma_start3A_104 = arith.constant 0 : i32
    %dma_start3A_105 = arith.constant 0 : i32
    %dma_start3A_106 = tpu.memref_slice %arg6[%dma_start3A_104, %dma_start3A_105] : memref<10112x32xf32, #tpu.memory_space<vmem_shared>> -> memref<10112x32xf32, #tpu.memory_space<vmem_shared>>
    %dma_start3A_107 = tpu.memref_slice %arg11[%dma_start3A_96] : memref<16x!tpu.dma_semaphore, #tpu.memory_space<semaphore_mem>> -> memref<1x!tpu.dma_semaphore, #tpu.memory_space<semaphore_mem>>
    %dma_start3A_108 = tpu.memref_squeeze %dma_start3A_107 : memref<1x!tpu.dma_semaphore, #tpu.memory_space<semaphore_mem>> -> memref<!tpu.dma_semaphore, #tpu.memory_space<semaphore_mem>>
    tpu.enqueue_indirect_dma source(%dma_start3A_106 : memref<10112x32xf32, #tpu.memory_space<vmem_shared>>) target(%dma_start3A_100 : memref<128x32xf32, #tpu.memory_space<vmem>>) offsets(%dma_start3A_103 : memref<128xi32, #tpu.memory_space<vmem>>) semaphore(%dma_start3A_108 : memref<!tpu.dma_semaphore, #tpu.memory_space<semaphore_mem>>)
    %dma_start3A_109 = arith.constant 3 : i32
    %dma_start3A_110 = arith.constant 3 : i32
    %dma_start3A_111 = arith.constant 3 : i32
    %dma_start3A_112 = arith.constant 0 : i32
    %dma_start3A_113 = arith.constant 0 : i32
    %dma_start3A_114 = tpu.memref_slice %arg9[%dma_start3A_110, %dma_start3A_112, %dma_start3A_113] : memref<16x128x32xf32, #tpu.memory_space<vmem>> -> memref<1x128x32xf32, #tpu.memory_space<vmem>>
    %dma_start3A_115 = tpu.memref_squeeze %dma_start3A_114 : memref<1x128x32xf32, #tpu.memory_space<vmem>> -> memref<128x32xf32, #tpu.memory_space<vmem>>
    %dma_start3A_116 = arith.constant 0 : i32
    %dma_start3A_117 = tpu.memref_slice %arg7[%dma_start3A_109, %dma_start3A_116] : memref<80x128xi32, #tpu.memory_space<vmem>> -> memref<1x128xi32, #tpu.memory_space<vmem>>
    %dma_start3A_118 = tpu.memref_squeeze %dma_start3A_117 : memref<1x128xi32, #tpu.memory_space<vmem>> -> memref<128xi32, #tpu.memory_space<vmem>>
    %dma_start3A_119 = arith.constant 0 : i32
    %dma_start3A_120 = arith.constant 0 : i32
    %dma_start3A_121 = tpu.memref_slice %arg6[%dma_start3A_119, %dma_start3A_120] : memref<10112x32xf32, #tpu.memory_space<vmem_shared>> -> memref<10112x32xf32, #tpu.memory_space<vmem_shared>>
    %dma_start3A_122 = tpu.memref_slice %arg11[%dma_start3A_111] : memref<16x!tpu.dma_semaphore, #tpu.memory_space<semaphore_mem>> -> memref<1x!tpu.dma_semaphore, #tpu.memory_space<semaphore_mem>>
    %dma_start3A_123 = tpu.memref_squeeze %dma_start3A_122 : memref<1x!tpu.dma_semaphore, #tpu.memory_space<semaphore_mem>> -> memref<!tpu.dma_semaphore, #tpu.memory_space<semaphore_mem>>
    tpu.enqueue_indirect_dma source(%dma_start3A_121 : memref<10112x32xf32, #tpu.memory_space<vmem_shared>>) target(%dma_start3A_115 : memref<128x32xf32, #tpu.memory_space<vmem>>) offsets(%dma_start3A_118 : memref<128xi32, #tpu.memory_space<vmem>>) semaphore(%dma_start3A_123 : memref<!tpu.dma_semaphore, #tpu.memory_space<semaphore_mem>>)
    %dma_start3A_124 = arith.constant 4 : i32
    %dma_start3A_125 = arith.constant 4 : i32
    %dma_start3A_126 = arith.constant 4 : i32
    %dma_start3A_127 = arith.constant 0 : i32
    %dma_start3A_128 = arith.constant 0 : i32
    %dma_start3A_129 = tpu.memref_slice %arg9[%dma_start3A_125, %dma_start3A_127, %dma_start3A_128] : memref<16x128x32xf32, #tpu.memory_space<vmem>> -> memref<1x128x32xf32, #tpu.memory_space<vmem>>
    %dma_start3A_130 = tpu.memref_squeeze %dma_start3A_129 : memref<1x128x32xf32, #tpu.memory_space<vmem>> -> memref<128x32xf32, #tpu.memory_space<vmem>>
    %dma_start3A_131 = arith.constant 0 : i32
    %dma_start3A_132 = tpu.memref_slice %arg7[%dma_start3A_124, %dma_start3A_131] : memref<80x128xi32, #tpu.memory_space<vmem>> -> memref<1x128xi32, #tpu.memory_space<vmem>>
    %dma_start3A_133 = tpu.memref_squeeze %dma_start3A_132 : memref<1x128xi32, #tpu.memory_space<vmem>> -> memref<128xi32, #tpu.memory_space<vmem>>
    %dma_start3A_134 = arith.constant 0 : i32
    %dma_start3A_135 = arith.constant 0 : i32
    %dma_start3A_136 = tpu.memref_slice %arg6[%dma_start3A_134, %dma_start3A_135] : memref<10112x32xf32, #tpu.memory_space<vmem_shared>> -> memref<10112x32xf32, #tpu.memory_space<vmem_shared>>
    %dma_start3A_137 = tpu.memref_slice %arg11[%dma_start3A_126] : memref<16x!tpu.dma_semaphore, #tpu.memory_space<semaphore_mem>> -> memref<1x!tpu.dma_semaphore, #tpu.memory_space<semaphore_mem>>
    %dma_start3A_138 = tpu.memref_squeeze %dma_start3A_137 : memref<1x!tpu.dma_semaphore, #tpu.memory_space<semaphore_mem>> -> memref<!tpu.dma_semaphore, #tpu.memory_space<semaphore_mem>>
    tpu.enqueue_indirect_dma source(%dma_start3A_136 : memref<10112x32xf32, #tpu.memory_space<vmem_shared>>) target(%dma_start3A_130 : memref<128x32xf32, #tpu.memory_space<vmem>>) offsets(%dma_start3A_133 : memref<128xi32, #tpu.memory_space<vmem>>) semaphore(%dma_start3A_138 : memref<!tpu.dma_semaphore, #tpu.memory_space<semaphore_mem>>)
    %dma_start3A_139 = arith.constant 5 : i32
    %dma_start3A_140 = arith.constant 5 : i32
    %dma_start3A_141 = arith.constant 5 : i32
    %dma_start3A_142 = arith.constant 0 : i32
    %dma_start3A_143 = arith.constant 0 : i32
    %dma_start3A_144 = tpu.memref_slice %arg9[%dma_start3A_140, %dma_start3A_142, %dma_start3A_143] : memref<16x128x32xf32, #tpu.memory_space<vmem>> -> memref<1x128x32xf32, #tpu.memory_space<vmem>>
    %dma_start3A_145 = tpu.memref_squeeze %dma_start3A_144 : memref<1x128x32xf32, #tpu.memory_space<vmem>> -> memref<128x32xf32, #tpu.memory_space<vmem>>
    %dma_start3A_146 = arith.constant 0 : i32
    %dma_start3A_147 = tpu.memref_slice %arg7[%dma_start3A_139, %dma_start3A_146] : memref<80x128xi32, #tpu.memory_space<vmem>> -> memref<1x128xi32, #tpu.memory_space<vmem>>
    %dma_start3A_148 = tpu.memref_squeeze %dma_start3A_147 : memref<1x128xi32, #tpu.memory_space<vmem>> -> memref<128xi32, #tpu.memory_space<vmem>>
    %dma_start3A_149 = arith.constant 0 : i32
    %dma_start3A_150 = arith.constant 0 : i32
    %dma_start3A_151 = tpu.memref_slice %arg6[%dma_start3A_149, %dma_start3A_150] : memref<10112x32xf32, #tpu.memory_space<vmem_shared>> -> memref<10112x32xf32, #tpu.memory_space<vmem_shared>>
    %dma_start3A_152 = tpu.memref_slice %arg11[%dma_start3A_141] : memref<16x!tpu.dma_semaphore, #tpu.memory_space<semaphore_mem>> -> memref<1x!tpu.dma_semaphore, #tpu.memory_space<semaphore_mem>>
    %dma_start3A_153 = tpu.memref_squeeze %dma_start3A_152 : memref<1x!tpu.dma_semaphore, #tpu.memory_space<semaphore_mem>> -> memref<!tpu.dma_semaphore, #tpu.memory_space<semaphore_mem>>
    tpu.enqueue_indirect_dma source(%dma_start3A_151 : memref<10112x32xf32, #tpu.memory_space<vmem_shared>>) target(%dma_start3A_145 : memref<128x32xf32, #tpu.memory_space<vmem>>) offsets(%dma_start3A_148 : memref<128xi32, #tpu.memory_space<vmem>>) semaphore(%dma_start3A_153 : memref<!tpu.dma_semaphore, #tpu.memory_space<semaphore_mem>>)
    %dma_start3A_154 = arith.constant 6 : i32
    %dma_start3A_155 = arith.constant 6 : i32
    %dma_start3A_156 = arith.constant 6 : i32
    %dma_start3A_157 = arith.constant 0 : i32
    %dma_start3A_158 = arith.constant 0 : i32
    %dma_start3A_159 = tpu.memref_slice %arg9[%dma_start3A_155, %dma_start3A_157, %dma_start3A_158] : memref<16x128x32xf32, #tpu.memory_space<vmem>> -> memref<1x128x32xf32, #tpu.memory_space<vmem>>
    %dma_start3A_160 = tpu.memref_squeeze %dma_start3A_159 : memref<1x128x32xf32, #tpu.memory_space<vmem>> -> memref<128x32xf32, #tpu.memory_space<vmem>>
    %dma_start3A_161 = arith.constant 0 : i32
    %dma_start3A_162 = tpu.memref_slice %arg7[%dma_start3A_154, %dma_start3A_161] : memref<80x128xi32, #tpu.memory_space<vmem>> -> memref<1x128xi32, #tpu.memory_space<vmem>>
    %dma_start3A_163 = tpu.memref_squeeze %dma_start3A_162 : memref<1x128xi32, #tpu.memory_space<vmem>> -> memref<128xi32, #tpu.memory_space<vmem>>
    %dma_start3A_164 = arith.constant 0 : i32
    %dma_start3A_165 = arith.constant 0 : i32
    %dma_start3A_166 = tpu.memref_slice %arg6[%dma_start3A_164, %dma_start3A_165] : memref<10112x32xf32, #tpu.memory_space<vmem_shared>> -> memref<10112x32xf32, #tpu.memory_space<vmem_shared>>
    %dma_start3A_167 = tpu.memref_slice %arg11[%dma_start3A_156] : memref<16x!tpu.dma_semaphore, #tpu.memory_space<semaphore_mem>> -> memref<1x!tpu.dma_semaphore, #tpu.memory_space<semaphore_mem>>
    %dma_start3A_168 = tpu.memref_squeeze %dma_start3A_167 : memref<1x!tpu.dma_semaphore, #tpu.memory_space<semaphore_mem>> -> memref<!tpu.dma_semaphore, #tpu.memory_space<semaphore_mem>>
    tpu.enqueue_indirect_dma source(%dma_start3A_166 : memref<10112x32xf32, #tpu.memory_space<vmem_shared>>) target(%dma_start3A_160 : memref<128x32xf32, #tpu.memory_space<vmem>>) offsets(%dma_start3A_163 : memref<128xi32, #tpu.memory_space<vmem>>) semaphore(%dma_start3A_168 : memref<!tpu.dma_semaphore, #tpu.memory_space<semaphore_mem>>)
    %dma_start3A_169 = arith.constant 7 : i32
    %dma_start3A_170 = arith.constant 7 : i32
    %dma_start3A_171 = arith.constant 7 : i32
    %dma_start3A_172 = arith.constant 0 : i32
    %dma_start3A_173 = arith.constant 0 : i32
    %dma_start3A_174 = tpu.memref_slice %arg9[%dma_start3A_170, %dma_start3A_172, %dma_start3A_173] : memref<16x128x32xf32, #tpu.memory_space<vmem>> -> memref<1x128x32xf32, #tpu.memory_space<vmem>>
    %dma_start3A_175 = tpu.memref_squeeze %dma_start3A_174 : memref<1x128x32xf32, #tpu.memory_space<vmem>> -> memref<128x32xf32, #tpu.memory_space<vmem>>
    %dma_start3A_176 = arith.constant 0 : i32
    %dma_start3A_177 = tpu.memref_slice %arg7[%dma_start3A_169, %dma_start3A_176] : memref<80x128xi32, #tpu.memory_space<vmem>> -> memref<1x128xi32, #tpu.memory_space<vmem>>
    %dma_start3A_178 = tpu.memref_squeeze %dma_start3A_177 : memref<1x128xi32, #tpu.memory_space<vmem>> -> memref<128xi32, #tpu.memory_space<vmem>>
    %dma_start3A_179 = arith.constant 0 : i32
    %dma_start3A_180 = arith.constant 0 : i32
    %dma_start3A_181 = tpu.memref_slice %arg6[%dma_start3A_179, %dma_start3A_180] : memref<10112x32xf32, #tpu.memory_space<vmem_shared>> -> memref<10112x32xf32, #tpu.memory_space<vmem_shared>>
    %dma_start3A_182 = tpu.memref_slice %arg11[%dma_start3A_171] : memref<16x!tpu.dma_semaphore, #tpu.memory_space<semaphore_mem>> -> memref<1x!tpu.dma_semaphore, #tpu.memory_space<semaphore_mem>>
    %dma_start3A_183 = tpu.memref_squeeze %dma_start3A_182 : memref<1x!tpu.dma_semaphore, #tpu.memory_space<semaphore_mem>> -> memref<!tpu.dma_semaphore, #tpu.memory_space<semaphore_mem>>
    tpu.enqueue_indirect_dma source(%dma_start3A_181 : memref<10112x32xf32, #tpu.memory_space<vmem_shared>>) target(%dma_start3A_175 : memref<128x32xf32, #tpu.memory_space<vmem>>) offsets(%dma_start3A_178 : memref<128xi32, #tpu.memory_space<vmem>>) semaphore(%dma_start3A_183 : memref<!tpu.dma_semaphore, #tpu.memory_space<semaphore_mem>>)
    %scan3A_184 = arith.constant 0 : i32
    %scan3A_185 = arith.constant 0 : i32
    %scan3A_186 = arith.constant 5 : i32
    %scan3A_187 = arith.addi %scan3A_185, %scan3A_186 : i32
    %scan3A_188 = arith.constant 1 : i32
    scf.for %scan3A_195 = %scan3A_185 to %scan3A_187 step %scan3A_188  : i32 {
      %mul3A_196 = arith.constant 2 : i32
      %mul3A_197 = arith.muli %mul3A_196, %scan3A_195 : i32
      %add3A_198 = arith.constant 1 : i32
      %add3A_199 = arith.addi %mul3A_197, %add3A_198 : i32
      %mul3A_200 = arith.constant 8 : i32
      %mul3A_201 = arith.muli %add3A_199, %mul3A_200 : i32
      %add3A_202 = arith.constant 0 : i32
      %add3A_203 = arith.addi %mul3A_201, %add3A_202 : i32
      %dma_start3A_204 = arith.constant 8 : i32
      %dma_start3A_205 = arith.constant 8 : i32
      %dma_start3A_206 = arith.constant 0 : i32
      %dma_start3A_207 = arith.constant 0 : i32
      %dma_start3A_208 = tpu.memref_slice %arg9[%dma_start3A_204, %dma_start3A_206, %dma_start3A_207] : memref<16x128x32xf32, #tpu.memory_space<vmem>> -> memref<1x128x32xf32, #tpu.memory_space<vmem>>
      %dma_start3A_209 = tpu.memref_squeeze %dma_start3A_208 : memref<1x128x32xf32, #tpu.memory_space<vmem>> -> memref<128x32xf32, #tpu.memory_space<vmem>>
      %dma_start3A_210 = arith.constant 0 : i32
      %dma_start3A_211 = tpu.memref_slice %arg7[%add3A_203, %dma_start3A_210] : memref<80x128xi32, #tpu.memory_space<vmem>> -> memref<1x128xi32, #tpu.memory_space<vmem>>
      %dma_start3A_212 = tpu.memref_squeeze %dma_start3A_211 : memref<1x128xi32, #tpu.memory_space<vmem>> -> memref<128xi32, #tpu.memory_space<vmem>>
      %dma_start3A_213 = arith.constant 0 : i32
      %dma_start3A_214 = arith.constant 0 : i32
      %dma_start3A_215 = tpu.memref_slice %arg6[%dma_start3A_213, %dma_start3A_214] : memref<10112x32xf32, #tpu.memory_space<vmem_shared>> -> memref<10112x32xf32, #tpu.memory_space<vmem_shared>>
      %dma_start3A_216 = tpu.memref_slice %arg11[%dma_start3A_205] : memref<16x!tpu.dma_semaphore, #tpu.memory_space<semaphore_mem>> -> memref<1x!tpu.dma_semaphore, #tpu.memory_space<semaphore_mem>>
      %dma_start3A_217 = tpu.memref_squeeze %dma_start3A_216 : memref<1x!tpu.dma_semaphore, #tpu.memory_space<semaphore_mem>> -> memref<!tpu.dma_semaphore, #tpu.memory_space<semaphore_mem>>
      tpu.enqueue_indirect_dma source(%dma_start3A_215 : memref<10112x32xf32, #tpu.memory_space<vmem_shared>>) target(%dma_start3A_209 : memref<128x32xf32, #tpu.memory_space<vmem>>) offsets(%dma_start3A_212 : memref<128xi32, #tpu.memory_space<vmem>>) semaphore(%dma_start3A_217 : memref<!tpu.dma_semaphore, #tpu.memory_space<semaphore_mem>>)
      %mul3A_218 = arith.constant 8 : i32
      %mul3A_219 = arith.muli %add3A_199, %mul3A_218 : i32
      %add3A_220 = arith.constant 1 : i32
      %add3A_221 = arith.addi %mul3A_219, %add3A_220 : i32
      %dma_start3A_222 = arith.constant 9 : i32
      %dma_start3A_223 = arith.constant 9 : i32
      %dma_start3A_224 = arith.constant 0 : i32
      %dma_start3A_225 = arith.constant 0 : i32
      %dma_start3A_226 = tpu.memref_slice %arg9[%dma_start3A_222, %dma_start3A_224, %dma_start3A_225] : memref<16x128x32xf32, #tpu.memory_space<vmem>> -> memref<1x128x32xf32, #tpu.memory_space<vmem>>
      %dma_start3A_227 = tpu.memref_squeeze %dma_start3A_226 : memref<1x128x32xf32, #tpu.memory_space<vmem>> -> memref<128x32xf32, #tpu.memory_space<vmem>>
      %dma_start3A_228 = arith.constant 0 : i32
      %dma_start3A_229 = tpu.memref_slice %arg7[%add3A_221, %dma_start3A_228] : memref<80x128xi32, #tpu.memory_space<vmem>> -> memref<1x128xi32, #tpu.memory_space<vmem>>
      %dma_start3A_230 = tpu.memref_squeeze %dma_start3A_229 : memref<1x128xi32, #tpu.memory_space<vmem>> -> memref<128xi32, #tpu.memory_space<vmem>>
      %dma_start3A_231 = arith.constant 0 : i32
      %dma_start3A_232 = arith.constant 0 : i32
      %dma_start3A_233 = tpu.memref_slice %arg6[%dma_start3A_231, %dma_start3A_232] : memref<10112x32xf32, #tpu.memory_space<vmem_shared>> -> memref<10112x32xf32, #tpu.memory_space<vmem_shared>>
      %dma_start3A_234 = tpu.memref_slice %arg11[%dma_start3A_223] : memref<16x!tpu.dma_semaphore, #tpu.memory_space<semaphore_mem>> -> memref<1x!tpu.dma_semaphore, #tpu.memory_space<semaphore_mem>>
      %dma_start3A_235 = tpu.memref_squeeze %dma_start3A_234 : memref<1x!tpu.dma_semaphore, #tpu.memory_space<semaphore_mem>> -> memref<!tpu.dma_semaphore, #tpu.memory_space<semaphore_mem>>
      tpu.enqueue_indirect_dma source(%dma_start3A_233 : memref<10112x32xf32, #tpu.memory_space<vmem_shared>>) target(%dma_start3A_227 : memref<128x32xf32, #tpu.memory_space<vmem>>) offsets(%dma_start3A_230 : memref<128xi32, #tpu.memory_space<vmem>>) semaphore(%dma_start3A_235 : memref<!tpu.dma_semaphore, #tpu.memory_space<semaphore_mem>>)
      %mul3A_236 = arith.constant 8 : i32
      %mul3A_237 = arith.muli %add3A_199, %mul3A_236 : i32
      %add3A_238 = arith.constant 2 : i32
      %add3A_239 = arith.addi %mul3A_237, %add3A_238 : i32
      %dma_start3A_240 = arith.constant 10 : i32
      %dma_start3A_241 = arith.constant 10 : i32
      %dma_start3A_242 = arith.constant 0 : i32
      %dma_start3A_243 = arith.constant 0 : i32
      %dma_start3A_244 = tpu.memref_slice %arg9[%dma_start3A_240, %dma_start3A_242, %dma_start3A_243] : memref<16x128x32xf32, #tpu.memory_space<vmem>> -> memref<1x128x32xf32, #tpu.memory_space<vmem>>
      %dma_start3A_245 = tpu.memref_squeeze %dma_start3A_244 : memref<1x128x32xf32, #tpu.memory_space<vmem>> -> memref<128x32xf32, #tpu.memory_space<vmem>>
      %dma_start3A_246 = arith.constant 0 : i32
      %dma_start3A_247 = tpu.memref_slice %arg7[%add3A_239, %dma_start3A_246] : memref<80x128xi32, #tpu.memory_space<vmem>> -> memref<1x128xi32, #tpu.memory_space<vmem>>
      %dma_start3A_248 = tpu.memref_squeeze %dma_start3A_247 : memref<1x128xi32, #tpu.memory_space<vmem>> -> memref<128xi32, #tpu.memory_space<vmem>>
      %dma_start3A_249 = arith.constant 0 : i32
      %dma_start3A_250 = arith.constant 0 : i32
      %dma_start3A_251 = tpu.memref_slice %arg6[%dma_start3A_249, %dma_start3A_250] : memref<10112x32xf32, #tpu.memory_space<vmem_shared>> -> memref<10112x32xf32, #tpu.memory_space<vmem_shared>>
      %dma_start3A_252 = tpu.memref_slice %arg11[%dma_start3A_241] : memref<16x!tpu.dma_semaphore, #tpu.memory_space<semaphore_mem>> -> memref<1x!tpu.dma_semaphore, #tpu.memory_space<semaphore_mem>>
      %dma_start3A_253 = tpu.memref_squeeze %dma_start3A_252 : memref<1x!tpu.dma_semaphore, #tpu.memory_space<semaphore_mem>> -> memref<!tpu.dma_semaphore, #tpu.memory_space<semaphore_mem>>
      tpu.enqueue_indirect_dma source(%dma_start3A_251 : memref<10112x32xf32, #tpu.memory_space<vmem_shared>>) target(%dma_start3A_245 : memref<128x32xf32, #tpu.memory_space<vmem>>) offsets(%dma_start3A_248 : memref<128xi32, #tpu.memory_space<vmem>>) semaphore(%dma_start3A_253 : memref<!tpu.dma_semaphore, #tpu.memory_space<semaphore_mem>>)
      %mul3A_254 = arith.constant 8 : i32
      %mul3A_255 = arith.muli %add3A_199, %mul3A_254 : i32
      %add3A_256 = arith.constant 3 : i32
      %add3A_257 = arith.addi %mul3A_255, %add3A_256 : i32
      %dma_start3A_258 = arith.constant 11 : i32
      %dma_start3A_259 = arith.constant 11 : i32
      %dma_start3A_260 = arith.constant 0 : i32
      %dma_start3A_261 = arith.constant 0 : i32
      %dma_start3A_262 = tpu.memref_slice %arg9[%dma_start3A_258, %dma_start3A_260, %dma_start3A_261] : memref<16x128x32xf32, #tpu.memory_space<vmem>> -> memref<1x128x32xf32, #tpu.memory_space<vmem>>
      %dma_start3A_263 = tpu.memref_squeeze %dma_start3A_262 : memref<1x128x32xf32, #tpu.memory_space<vmem>> -> memref<128x32xf32, #tpu.memory_space<vmem>>
      %dma_start3A_264 = arith.constant 0 : i32
      %dma_start3A_265 = tpu.memref_slice %arg7[%add3A_257, %dma_start3A_264] : memref<80x128xi32, #tpu.memory_space<vmem>> -> memref<1x128xi32, #tpu.memory_space<vmem>>
      %dma_start3A_266 = tpu.memref_squeeze %dma_start3A_265 : memref<1x128xi32, #tpu.memory_space<vmem>> -> memref<128xi32, #tpu.memory_space<vmem>>
      %dma_start3A_267 = arith.constant 0 : i32
      %dma_start3A_268 = arith.constant 0 : i32
      %dma_start3A_269 = tpu.memref_slice %arg6[%dma_start3A_267, %dma_start3A_268] : memref<10112x32xf32, #tpu.memory_space<vmem_shared>> -> memref<10112x32xf32, #tpu.memory_space<vmem_shared>>
      %dma_start3A_270 = tpu.memref_slice %arg11[%dma_start3A_259] : memref<16x!tpu.dma_semaphore, #tpu.memory_space<semaphore_mem>> -> memref<1x!tpu.dma_semaphore, #tpu.memory_space<semaphore_mem>>
      %dma_start3A_271 = tpu.memref_squeeze %dma_start3A_270 : memref<1x!tpu.dma_semaphore, #tpu.memory_space<semaphore_mem>> -> memref<!tpu.dma_semaphore, #tpu.memory_space<semaphore_mem>>
      tpu.enqueue_indirect_dma source(%dma_start3A_269 : memref<10112x32xf32, #tpu.memory_space<vmem_shared>>) target(%dma_start3A_263 : memref<128x32xf32, #tpu.memory_space<vmem>>) offsets(%dma_start3A_266 : memref<128xi32, #tpu.memory_space<vmem>>) semaphore(%dma_start3A_271 : memref<!tpu.dma_semaphore, #tpu.memory_space<semaphore_mem>>)
      %mul3A_272 = arith.constant 8 : i32
      %mul3A_273 = arith.muli %add3A_199, %mul3A_272 : i32
      %add3A_274 = arith.constant 4 : i32
      %add3A_275 = arith.addi %mul3A_273, %add3A_274 : i32
      %dma_start3A_276 = arith.constant 12 : i32
      %dma_start3A_277 = arith.constant 12 : i32
      %dma_start3A_278 = arith.constant 0 : i32
      %dma_start3A_279 = arith.constant 0 : i32
      %dma_start3A_280 = tpu.memref_slice %arg9[%dma_start3A_276, %dma_start3A_278, %dma_start3A_279] : memref<16x128x32xf32, #tpu.memory_space<vmem>> -> memref<1x128x32xf32, #tpu.memory_space<vmem>>
      %dma_start3A_281 = tpu.memref_squeeze %dma_start3A_280 : memref<1x128x32xf32, #tpu.memory_space<vmem>> -> memref<128x32xf32, #tpu.memory_space<vmem>>
      %dma_start3A_282 = arith.constant 0 : i32
      %dma_start3A_283 = tpu.memref_slice %arg7[%add3A_275, %dma_start3A_282] : memref<80x128xi32, #tpu.memory_space<vmem>> -> memref<1x128xi32, #tpu.memory_space<vmem>>
      %dma_start3A_284 = tpu.memref_squeeze %dma_start3A_283 : memref<1x128xi32, #tpu.memory_space<vmem>> -> memref<128xi32, #tpu.memory_space<vmem>>
      %dma_start3A_285 = arith.constant 0 : i32
      %dma_start3A_286 = arith.constant 0 : i32
      %dma_start3A_287 = tpu.memref_slice %arg6[%dma_start3A_285, %dma_start3A_286] : memref<10112x32xf32, #tpu.memory_space<vmem_shared>> -> memref<10112x32xf32, #tpu.memory_space<vmem_shared>>
      %dma_start3A_288 = tpu.memref_slice %arg11[%dma_start3A_277] : memref<16x!tpu.dma_semaphore, #tpu.memory_space<semaphore_mem>> -> memref<1x!tpu.dma_semaphore, #tpu.memory_space<semaphore_mem>>
      %dma_start3A_289 = tpu.memref_squeeze %dma_start3A_288 : memref<1x!tpu.dma_semaphore, #tpu.memory_space<semaphore_mem>> -> memref<!tpu.dma_semaphore, #tpu.memory_space<semaphore_mem>>
      tpu.enqueue_indirect_dma source(%dma_start3A_287 : memref<10112x32xf32, #tpu.memory_space<vmem_shared>>) target(%dma_start3A_281 : memref<128x32xf32, #tpu.memory_space<vmem>>) offsets(%dma_start3A_284 : memref<128xi32, #tpu.memory_space<vmem>>) semaphore(%dma_start3A_289 : memref<!tpu.dma_semaphore, #tpu.memory_space<semaphore_mem>>)
      %mul3A_290 = arith.constant 8 : i32
      %mul3A_291 = arith.muli %add3A_199, %mul3A_290 : i32
      %add3A_292 = arith.constant 5 : i32
      %add3A_293 = arith.addi %mul3A_291, %add3A_292 : i32
      %dma_start3A_294 = arith.constant 13 : i32
      %dma_start3A_295 = arith.constant 13 : i32
      %dma_start3A_296 = arith.constant 0 : i32
      %dma_start3A_297 = arith.constant 0 : i32
      %dma_start3A_298 = tpu.memref_slice %arg9[%dma_start3A_294, %dma_start3A_296, %dma_start3A_297] : memref<16x128x32xf32, #tpu.memory_space<vmem>> -> memref<1x128x32xf32, #tpu.memory_space<vmem>>
      %dma_start3A_299 = tpu.memref_squeeze %dma_start3A_298 : memref<1x128x32xf32, #tpu.memory_space<vmem>> -> memref<128x32xf32, #tpu.memory_space<vmem>>
      %dma_start3A_300 = arith.constant 0 : i32
      %dma_start3A_301 = tpu.memref_slice %arg7[%add3A_293, %dma_start3A_300] : memref<80x128xi32, #tpu.memory_space<vmem>> -> memref<1x128xi32, #tpu.memory_space<vmem>>
      %dma_start3A_302 = tpu.memref_squeeze %dma_start3A_301 : memref<1x128xi32, #tpu.memory_space<vmem>> -> memref<128xi32, #tpu.memory_space<vmem>>
      %dma_start3A_303 = arith.constant 0 : i32
      %dma_start3A_304 = arith.constant 0 : i32
      %dma_start3A_305 = tpu.memref_slice %arg6[%dma_start3A_303, %dma_start3A_304] : memref<10112x32xf32, #tpu.memory_space<vmem_shared>> -> memref<10112x32xf32, #tpu.memory_space<vmem_shared>>
      %dma_start3A_306 = tpu.memref_slice %arg11[%dma_start3A_295] : memref<16x!tpu.dma_semaphore, #tpu.memory_space<semaphore_mem>> -> memref<1x!tpu.dma_semaphore, #tpu.memory_space<semaphore_mem>>
      %dma_start3A_307 = tpu.memref_squeeze %dma_start3A_306 : memref<1x!tpu.dma_semaphore, #tpu.memory_space<semaphore_mem>> -> memref<!tpu.dma_semaphore, #tpu.memory_space<semaphore_mem>>
      tpu.enqueue_indirect_dma source(%dma_start3A_305 : memref<10112x32xf32, #tpu.memory_space<vmem_shared>>) target(%dma_start3A_299 : memref<128x32xf32, #tpu.memory_space<vmem>>) offsets(%dma_start3A_302 : memref<128xi32, #tpu.memory_space<vmem>>) semaphore(%dma_start3A_307 : memref<!tpu.dma_semaphore, #tpu.memory_space<semaphore_mem>>)
      %mul3A_308 = arith.constant 8 : i32
      %mul3A_309 = arith.muli %add3A_199, %mul3A_308 : i32
      %add3A_310 = arith.constant 6 : i32
      %add3A_311 = arith.addi %mul3A_309, %add3A_310 : i32
      %dma_start3A_312 = arith.constant 14 : i32
      %dma_start3A_313 = arith.constant 14 : i32
      %dma_start3A_314 = arith.constant 0 : i32
      %dma_start3A_315 = arith.constant 0 : i32
      %dma_start3A_316 = tpu.memref_slice %arg9[%dma_start3A_312, %dma_start3A_314, %dma_start3A_315] : memref<16x128x32xf32, #tpu.memory_space<vmem>> -> memref<1x128x32xf32, #tpu.memory_space<vmem>>
      %dma_start3A_317 = tpu.memref_squeeze %dma_start3A_316 : memref<1x128x32xf32, #tpu.memory_space<vmem>> -> memref<128x32xf32, #tpu.memory_space<vmem>>
      %dma_start3A_318 = arith.constant 0 : i32
      %dma_start3A_319 = tpu.memref_slice %arg7[%add3A_311, %dma_start3A_318] : memref<80x128xi32, #tpu.memory_space<vmem>> -> memref<1x128xi32, #tpu.memory_space<vmem>>
      %dma_start3A_320 = tpu.memref_squeeze %dma_start3A_319 : memref<1x128xi32, #tpu.memory_space<vmem>> -> memref<128xi32, #tpu.memory_space<vmem>>
      %dma_start3A_321 = arith.constant 0 : i32
      %dma_start3A_322 = arith.constant 0 : i32
      %dma_start3A_323 = tpu.memref_slice %arg6[%dma_start3A_321, %dma_start3A_322] : memref<10112x32xf32, #tpu.memory_space<vmem_shared>> -> memref<10112x32xf32, #tpu.memory_space<vmem_shared>>
      %dma_start3A_324 = tpu.memref_slice %arg11[%dma_start3A_313] : memref<16x!tpu.dma_semaphore, #tpu.memory_space<semaphore_mem>> -> memref<1x!tpu.dma_semaphore, #tpu.memory_space<semaphore_mem>>
      %dma_start3A_325 = tpu.memref_squeeze %dma_start3A_324 : memref<1x!tpu.dma_semaphore, #tpu.memory_space<semaphore_mem>> -> memref<!tpu.dma_semaphore, #tpu.memory_space<semaphore_mem>>
      tpu.enqueue_indirect_dma source(%dma_start3A_323 : memref<10112x32xf32, #tpu.memory_space<vmem_shared>>) target(%dma_start3A_317 : memref<128x32xf32, #tpu.memory_space<vmem>>) offsets(%dma_start3A_320 : memref<128xi32, #tpu.memory_space<vmem>>) semaphore(%dma_start3A_325 : memref<!tpu.dma_semaphore, #tpu.memory_space<semaphore_mem>>)
      %mul3A_326 = arith.constant 8 : i32
      %mul3A_327 = arith.muli %add3A_199, %mul3A_326 : i32
      %add3A_328 = arith.constant 7 : i32
      %add3A_329 = arith.addi %mul3A_327, %add3A_328 : i32
      %dma_start3A_330 = arith.constant 15 : i32
      %dma_start3A_331 = arith.constant 15 : i32
      %dma_start3A_332 = arith.constant 0 : i32
      %dma_start3A_333 = arith.constant 0 : i32
      %dma_start3A_334 = tpu.memref_slice %arg9[%dma_start3A_330, %dma_start3A_332, %dma_start3A_333] : memref<16x128x32xf32, #tpu.memory_space<vmem>> -> memref<1x128x32xf32, #tpu.memory_space<vmem>>
      %dma_start3A_335 = tpu.memref_squeeze %dma_start3A_334 : memref<1x128x32xf32, #tpu.memory_space<vmem>> -> memref<128x32xf32, #tpu.memory_space<vmem>>
      %dma_start3A_336 = arith.constant 0 : i32
      %dma_start3A_337 = tpu.memref_slice %arg7[%add3A_329, %dma_start3A_336] : memref<80x128xi32, #tpu.memory_space<vmem>> -> memref<1x128xi32, #tpu.memory_space<vmem>>
      %dma_start3A_338 = tpu.memref_squeeze %dma_start3A_337 : memref<1x128xi32, #tpu.memory_space<vmem>> -> memref<128xi32, #tpu.memory_space<vmem>>
      %dma_start3A_339 = arith.constant 0 : i32
      %dma_start3A_340 = arith.constant 0 : i32
      %dma_start3A_341 = tpu.memref_slice %arg6[%dma_start3A_339, %dma_start3A_340] : memref<10112x32xf32, #tpu.memory_space<vmem_shared>> -> memref<10112x32xf32, #tpu.memory_space<vmem_shared>>
      %dma_start3A_342 = tpu.memref_slice %arg11[%dma_start3A_331] : memref<16x!tpu.dma_semaphore, #tpu.memory_space<semaphore_mem>> -> memref<1x!tpu.dma_semaphore, #tpu.memory_space<semaphore_mem>>
      %dma_start3A_343 = tpu.memref_squeeze %dma_start3A_342 : memref<1x!tpu.dma_semaphore, #tpu.memory_space<semaphore_mem>> -> memref<!tpu.dma_semaphore, #tpu.memory_space<semaphore_mem>>
      tpu.enqueue_indirect_dma source(%dma_start3A_341 : memref<10112x32xf32, #tpu.memory_space<vmem_shared>>) target(%dma_start3A_335 : memref<128x32xf32, #tpu.memory_space<vmem>>) offsets(%dma_start3A_338 : memref<128xi32, #tpu.memory_space<vmem>>) semaphore(%dma_start3A_343 : memref<!tpu.dma_semaphore, #tpu.memory_space<semaphore_mem>>)
      %mul3A_344 = arith.constant 2 : i32
      %mul3A_345 = arith.muli %mul3A_344, %scan3A_195 : i32
      %mul3A_346 = arith.constant 8 : i32
      %mul3A_347 = arith.muli %mul3A_345, %mul3A_346 : i32
      %add3A_348 = arith.constant 0 : i32
      %add3A_349 = arith.addi %mul3A_347, %add3A_348 : i32
      %dma_wait3A_350 = arith.constant 0 : i32
      %dma_wait3A_351 = arith.constant 0 : i32
      %dma_wait3A_352 = arith.constant 0 : i32
      %dma_wait3A_353 = arith.constant 0 : i32
      %dma_wait3A_354 = tpu.memref_slice %arg9[%dma_wait3A_350, %dma_wait3A_352, %dma_wait3A_353] : memref<16x128x32xf32, #tpu.memory_space<vmem>> -> memref<1x128x32xf32, #tpu.memory_space<vmem>>
      %dma_wait3A_355 = tpu.memref_squeeze %dma_wait3A_354 : memref<1x128x32xf32, #tpu.memory_space<vmem>> -> memref<128x32xf32, #tpu.memory_space<vmem>>
      %dma_wait3A_356 = arith.constant 0 : i32
      %dma_wait3A_357 = tpu.memref_slice %arg7[%add3A_349, %dma_wait3A_356] : memref<80x128xi32, #tpu.memory_space<vmem>> -> memref<1x128xi32, #tpu.memory_space<vmem>>
      %dma_wait3A_358 = tpu.memref_squeeze %dma_wait3A_357 : memref<1x128xi32, #tpu.memory_space<vmem>> -> memref<128xi32, #tpu.memory_space<vmem>>
      %dma_wait3A_359 = arith.constant 0 : i32
      %dma_wait3A_360 = arith.constant 0 : i32
      %dma_wait3A_361 = tpu.memref_slice %arg6[%dma_wait3A_359, %dma_wait3A_360] : memref<10112x32xf32, #tpu.memory_space<vmem_shared>> -> memref<10112x32xf32, #tpu.memory_space<vmem_shared>>
      %dma_wait3A_362 = tpu.memref_slice %arg11[%dma_wait3A_351] : memref<16x!tpu.dma_semaphore, #tpu.memory_space<semaphore_mem>> -> memref<1x!tpu.dma_semaphore, #tpu.memory_space<semaphore_mem>>
      %dma_wait3A_363 = tpu.memref_squeeze %dma_wait3A_362 : memref<1x!tpu.dma_semaphore, #tpu.memory_space<semaphore_mem>> -> memref<!tpu.dma_semaphore, #tpu.memory_space<semaphore_mem>>
      tpu.wait_indirect_dma semaphore(%dma_wait3A_363 : memref<!tpu.dma_semaphore, #tpu.memory_space<semaphore_mem>>) src(%dma_wait3A_361 : memref<10112x32xf32, #tpu.memory_space<vmem_shared>>) dst(%dma_wait3A_355 : memref<128x32xf32, #tpu.memory_space<vmem>>)
      %mul3A_364 = arith.constant 8 : i32
      %mul3A_365 = arith.muli %mul3A_345, %mul3A_364 : i32
      %add3A_366 = arith.constant 0 : i32
      %add3A_367 = arith.addi %mul3A_365, %add3A_366 : i32
      %dma_start3A_368 = arith.constant 0 : i32
      %dma_start3A_369 = arith.constant 0 : i32
      %dma_start3A_370 = arith.constant 0 : i32
      %dma_start3A_371 = tpu.memref_slice %arg9[%dma_start3A_368, %dma_start3A_369, %dma_start3A_370] : memref<16x128x32xf32, #tpu.memory_space<vmem>> -> memref<1x128x32xf32, #tpu.memory_space<vmem>>
      %dma_start3A_372 = tpu.memref_squeeze %dma_start3A_371 : memref<1x128x32xf32, #tpu.memory_space<vmem>> -> memref<128x32xf32, #tpu.memory_space<vmem>>
      %dma_start3A_373 = arith.constant 0 : i32
      %dma_start3A_374 = tpu.memref_slice %arg8[%add3A_367, %dma_start3A_373] : memref<80x128xi32, #tpu.memory_space<vmem>> -> memref<1x128xi32, #tpu.memory_space<vmem>>
      %dma_start3A_375 = tpu.memref_squeeze %dma_start3A_374 : memref<1x128xi32, #tpu.memory_space<vmem>> -> memref<128xi32, #tpu.memory_space<vmem>>
      %dma_start3A_376 = arith.constant 0 : i32
      %dma_start3A_377 = arith.constant 0 : i32
      %dma_start3A_378 = tpu.memref_slice %arg5[%dma_start3A_376, %dma_start3A_377] : memref<10112x32xf32, #tpu.memory_space<vmem_shared>> -> memref<10112x32xf32, #tpu.memory_space<vmem_shared>>
      tpu.enqueue_indirect_dma source(%dma_start3A_372 : memref<128x32xf32, #tpu.memory_space<vmem>>) target(%dma_start3A_378 : memref<10112x32xf32, #tpu.memory_space<vmem_shared>>) offsets(%dma_start3A_375 : memref<128xi32, #tpu.memory_space<vmem>>) semaphore(%arg13 : memref<!tpu.dma_semaphore, #tpu.memory_space<semaphore_mem>>) {add = true}
      %mul3A_379 = arith.constant 8 : i32
      %mul3A_380 = arith.muli %mul3A_345, %mul3A_379 : i32
      %add3A_381 = arith.constant 1 : i32
      %add3A_382 = arith.addi %mul3A_380, %add3A_381 : i32
      %dma_wait3A_383 = arith.constant 1 : i32
      %dma_wait3A_384 = arith.constant 1 : i32
      %dma_wait3A_385 = arith.constant 0 : i32
      %dma_wait3A_386 = arith.constant 0 : i32
      %dma_wait3A_387 = tpu.memref_slice %arg9[%dma_wait3A_383, %dma_wait3A_385, %dma_wait3A_386] : memref<16x128x32xf32, #tpu.memory_space<vmem>> -> memref<1x128x32xf32, #tpu.memory_space<vmem>>
      %dma_wait3A_388 = tpu.memref_squeeze %dma_wait3A_387 : memref<1x128x32xf32, #tpu.memory_space<vmem>> -> memref<128x32xf32, #tpu.memory_space<vmem>>
      %dma_wait3A_389 = arith.constant 0 : i32
      %dma_wait3A_390 = tpu.memref_slice %arg7[%add3A_382, %dma_wait3A_389] : memref<80x128xi32, #tpu.memory_space<vmem>> -> memref<1x128xi32, #tpu.memory_space<vmem>>
      %dma_wait3A_391 = tpu.memref_squeeze %dma_wait3A_390 : memref<1x128xi32, #tpu.memory_space<vmem>> -> memref<128xi32, #tpu.memory_space<vmem>>
      %dma_wait3A_392 = arith.constant 0 : i32
      %dma_wait3A_393 = arith.constant 0 : i32
      %dma_wait3A_394 = tpu.memref_slice %arg6[%dma_wait3A_392, %dma_wait3A_393] : memref<10112x32xf32, #tpu.memory_space<vmem_shared>> -> memref<10112x32xf32, #tpu.memory_space<vmem_shared>>
      %dma_wait3A_395 = tpu.memref_slice %arg11[%dma_wait3A_384] : memref<16x!tpu.dma_semaphore, #tpu.memory_space<semaphore_mem>> -> memref<1x!tpu.dma_semaphore, #tpu.memory_space<semaphore_mem>>
      %dma_wait3A_396 = tpu.memref_squeeze %dma_wait3A_395 : memref<1x!tpu.dma_semaphore, #tpu.memory_space<semaphore_mem>> -> memref<!tpu.dma_semaphore, #tpu.memory_space<semaphore_mem>>
      tpu.wait_indirect_dma semaphore(%dma_wait3A_396 : memref<!tpu.dma_semaphore, #tpu.memory_space<semaphore_mem>>) src(%dma_wait3A_394 : memref<10112x32xf32, #tpu.memory_space<vmem_shared>>) dst(%dma_wait3A_388 : memref<128x32xf32, #tpu.memory_space<vmem>>)
      %mul3A_397 = arith.constant 8 : i32
      %mul3A_398 = arith.muli %mul3A_345, %mul3A_397 : i32
      %add3A_399 = arith.constant 1 : i32
      %add3A_400 = arith.addi %mul3A_398, %add3A_399 : i32
      %dma_start3A_401 = arith.constant 1 : i32
      %dma_start3A_402 = arith.constant 0 : i32
      %dma_start3A_403 = arith.constant 0 : i32
      %dma_start3A_404 = tpu.memref_slice %arg9[%dma_start3A_401, %dma_start3A_402, %dma_start3A_403] : memref<16x128x32xf32, #tpu.memory_space<vmem>> -> memref<1x128x32xf32, #tpu.memory_space<vmem>>
      %dma_start3A_405 = tpu.memref_squeeze %dma_start3A_404 : memref<1x128x32xf32, #tpu.memory_space<vmem>> -> memref<128x32xf32, #tpu.memory_space<vmem>>
      %dma_start3A_406 = arith.constant 0 : i32
      %dma_start3A_407 = tpu.memref_slice %arg8[%add3A_400, %dma_start3A_406] : memref<80x128xi32, #tpu.memory_space<vmem>> -> memref<1x128xi32, #tpu.memory_space<vmem>>
      %dma_start3A_408 = tpu.memref_squeeze %dma_start3A_407 : memref<1x128xi32, #tpu.memory_space<vmem>> -> memref<128xi32, #tpu.memory_space<vmem>>
      %dma_start3A_409 = arith.constant 0 : i32
      %dma_start3A_410 = arith.constant 0 : i32
      %dma_start3A_411 = tpu.memref_slice %arg5[%dma_start3A_409, %dma_start3A_410] : memref<10112x32xf32, #tpu.memory_space<vmem_shared>> -> memref<10112x32xf32, #tpu.memory_space<vmem_shared>>
      tpu.enqueue_indirect_dma source(%dma_start3A_405 : memref<128x32xf32, #tpu.memory_space<vmem>>) target(%dma_start3A_411 : memref<10112x32xf32, #tpu.memory_space<vmem_shared>>) offsets(%dma_start3A_408 : memref<128xi32, #tpu.memory_space<vmem>>) semaphore(%arg13 : memref<!tpu.dma_semaphore, #tpu.memory_space<semaphore_mem>>) {add = true}
      %mul3A_412 = arith.constant 8 : i32
      %mul3A_413 = arith.muli %mul3A_345, %mul3A_412 : i32
      %add3A_414 = arith.constant 2 : i32
      %add3A_415 = arith.addi %mul3A_413, %add3A_414 : i32
      %dma_wait3A_416 = arith.constant 2 : i32
      %dma_wait3A_417 = arith.constant 2 : i32
      %dma_wait3A_418 = arith.constant 0 : i32
      %dma_wait3A_419 = arith.constant 0 : i32
      %dma_wait3A_420 = tpu.memref_slice %arg9[%dma_wait3A_416, %dma_wait3A_418, %dma_wait3A_419] : memref<16x128x32xf32, #tpu.memory_space<vmem>> -> memref<1x128x32xf32, #tpu.memory_space<vmem>>
      %dma_wait3A_421 = tpu.memref_squeeze %dma_wait3A_420 : memref<1x128x32xf32, #tpu.memory_space<vmem>> -> memref<128x32xf32, #tpu.memory_space<vmem>>
      %dma_wait3A_422 = arith.constant 0 : i32
      %dma_wait3A_423 = tpu.memref_slice %arg7[%add3A_415, %dma_wait3A_422] : memref<80x128xi32, #tpu.memory_space<vmem>> -> memref<1x128xi32, #tpu.memory_space<vmem>>
      %dma_wait3A_424 = tpu.memref_squeeze %dma_wait3A_423 : memref<1x128xi32, #tpu.memory_space<vmem>> -> memref<128xi32, #tpu.memory_space<vmem>>
      %dma_wait3A_425 = arith.constant 0 : i32
      %dma_wait3A_426 = arith.constant 0 : i32
      %dma_wait3A_427 = tpu.memref_slice %arg6[%dma_wait3A_425, %dma_wait3A_426] : memref<10112x32xf32, #tpu.memory_space<vmem_shared>> -> memref<10112x32xf32, #tpu.memory_space<vmem_shared>>
      %dma_wait3A_428 = tpu.memref_slice %arg11[%dma_wait3A_417] : memref<16x!tpu.dma_semaphore, #tpu.memory_space<semaphore_mem>> -> memref<1x!tpu.dma_semaphore, #tpu.memory_space<semaphore_mem>>
      %dma_wait3A_429 = tpu.memref_squeeze %dma_wait3A_428 : memref<1x!tpu.dma_semaphore, #tpu.memory_space<semaphore_mem>> -> memref<!tpu.dma_semaphore, #tpu.memory_space<semaphore_mem>>
      tpu.wait_indirect_dma semaphore(%dma_wait3A_429 : memref<!tpu.dma_semaphore, #tpu.memory_space<semaphore_mem>>) src(%dma_wait3A_427 : memref<10112x32xf32, #tpu.memory_space<vmem_shared>>) dst(%dma_wait3A_421 : memref<128x32xf32, #tpu.memory_space<vmem>>)
      %mul3A_430 = arith.constant 8 : i32
      %mul3A_431 = arith.muli %mul3A_345, %mul3A_430 : i32
      %add3A_432 = arith.constant 2 : i32
      %add3A_433 = arith.addi %mul3A_431, %add3A_432 : i32
      %dma_start3A_434 = arith.constant 2 : i32
      %dma_start3A_435 = arith.constant 0 : i32
      %dma_start3A_436 = arith.constant 0 : i32
      %dma_start3A_437 = tpu.memref_slice %arg9[%dma_start3A_434, %dma_start3A_435, %dma_start3A_436] : memref<16x128x32xf32, #tpu.memory_space<vmem>> -> memref<1x128x32xf32, #tpu.memory_space<vmem>>
      %dma_start3A_438 = tpu.memref_squeeze %dma_start3A_437 : memref<1x128x32xf32, #tpu.memory_space<vmem>> -> memref<128x32xf32, #tpu.memory_space<vmem>>
      %dma_start3A_439 = arith.constant 0 : i32
      %dma_start3A_440 = tpu.memref_slice %arg8[%add3A_433, %dma_start3A_439] : memref<80x128xi32, #tpu.memory_space<vmem>> -> memref<1x128xi32, #tpu.memory_space<vmem>>
      %dma_start3A_441 = tpu.memref_squeeze %dma_start3A_440 : memref<1x128xi32, #tpu.memory_space<vmem>> -> memref<128xi32, #tpu.memory_space<vmem>>
      %dma_start3A_442 = arith.constant 0 : i32
      %dma_start3A_443 = arith.constant 0 : i32
      %dma_start3A_444 = tpu.memref_slice %arg5[%dma_start3A_442, %dma_start3A_443] : memref<10112x32xf32, #tpu.memory_space<vmem_shared>> -> memref<10112x32xf32, #tpu.memory_space<vmem_shared>>
      tpu.enqueue_indirect_dma source(%dma_start3A_438 : memref<128x32xf32, #tpu.memory_space<vmem>>) target(%dma_start3A_444 : memref<10112x32xf32, #tpu.memory_space<vmem_shared>>) offsets(%dma_start3A_441 : memref<128xi32, #tpu.memory_space<vmem>>) semaphore(%arg13 : memref<!tpu.dma_semaphore, #tpu.memory_space<semaphore_mem>>) {add = true}
      %mul3A_445 = arith.constant 8 : i32
      %mul3A_446 = arith.muli %mul3A_345, %mul3A_445 : i32
      %add3A_447 = arith.constant 3 : i32
      %add3A_448 = arith.addi %mul3A_446, %add3A_447 : i32
      %dma_wait3A_449 = arith.constant 3 : i32
      %dma_wait3A_450 = arith.constant 3 : i32
      %dma_wait3A_451 = arith.constant 0 : i32
      %dma_wait3A_452 = arith.constant 0 : i32
      %dma_wait3A_453 = tpu.memref_slice %arg9[%dma_wait3A_449, %dma_wait3A_451, %dma_wait3A_452] : memref<16x128x32xf32, #tpu.memory_space<vmem>> -> memref<1x128x32xf32, #tpu.memory_space<vmem>>
      %dma_wait3A_454 = tpu.memref_squeeze %dma_wait3A_453 : memref<1x128x32xf32, #tpu.memory_space<vmem>> -> memref<128x32xf32, #tpu.memory_space<vmem>>
      %dma_wait3A_455 = arith.constant 0 : i32
      %dma_wait3A_456 = tpu.memref_slice %arg7[%add3A_448, %dma_wait3A_455] : memref<80x128xi32, #tpu.memory_space<vmem>> -> memref<1x128xi32, #tpu.memory_space<vmem>>
      %dma_wait3A_457 = tpu.memref_squeeze %dma_wait3A_456 : memref<1x128xi32, #tpu.memory_space<vmem>> -> memref<128xi32, #tpu.memory_space<vmem>>
      %dma_wait3A_458 = arith.constant 0 : i32
      %dma_wait3A_459 = arith.constant 0 : i32
      %dma_wait3A_460 = tpu.memref_slice %arg6[%dma_wait3A_458, %dma_wait3A_459] : memref<10112x32xf32, #tpu.memory_space<vmem_shared>> -> memref<10112x32xf32, #tpu.memory_space<vmem_shared>>
      %dma_wait3A_461 = tpu.memref_slice %arg11[%dma_wait3A_450] : memref<16x!tpu.dma_semaphore, #tpu.memory_space<semaphore_mem>> -> memref<1x!tpu.dma_semaphore, #tpu.memory_space<semaphore_mem>>
      %dma_wait3A_462 = tpu.memref_squeeze %dma_wait3A_461 : memref<1x!tpu.dma_semaphore, #tpu.memory_space<semaphore_mem>> -> memref<!tpu.dma_semaphore, #tpu.memory_space<semaphore_mem>>
      tpu.wait_indirect_dma semaphore(%dma_wait3A_462 : memref<!tpu.dma_semaphore, #tpu.memory_space<semaphore_mem>>) src(%dma_wait3A_460 : memref<10112x32xf32, #tpu.memory_space<vmem_shared>>) dst(%dma_wait3A_454 : memref<128x32xf32, #tpu.memory_space<vmem>>)
      %mul3A_463 = arith.constant 8 : i32
      %mul3A_464 = arith.muli %mul3A_345, %mul3A_463 : i32
      %add3A_465 = arith.constant 3 : i32
      %add3A_466 = arith.addi %mul3A_464, %add3A_465 : i32
      %dma_start3A_467 = arith.constant 3 : i32
      %dma_start3A_468 = arith.constant 0 : i32
      %dma_start3A_469 = arith.constant 0 : i32
      %dma_start3A_470 = tpu.memref_slice %arg9[%dma_start3A_467, %dma_start3A_468, %dma_start3A_469] : memref<16x128x32xf32, #tpu.memory_space<vmem>> -> memref<1x128x32xf32, #tpu.memory_space<vmem>>
      %dma_start3A_471 = tpu.memref_squeeze %dma_start3A_470 : memref<1x128x32xf32, #tpu.memory_space<vmem>> -> memref<128x32xf32, #tpu.memory_space<vmem>>
      %dma_start3A_472 = arith.constant 0 : i32
      %dma_start3A_473 = tpu.memref_slice %arg8[%add3A_466, %dma_start3A_472] : memref<80x128xi32, #tpu.memory_space<vmem>> -> memref<1x128xi32, #tpu.memory_space<vmem>>
      %dma_start3A_474 = tpu.memref_squeeze %dma_start3A_473 : memref<1x128xi32, #tpu.memory_space<vmem>> -> memref<128xi32, #tpu.memory_space<vmem>>
      %dma_start3A_475 = arith.constant 0 : i32
      %dma_start3A_476 = arith.constant 0 : i32
      %dma_start3A_477 = tpu.memref_slice %arg5[%dma_start3A_475, %dma_start3A_476] : memref<10112x32xf32, #tpu.memory_space<vmem_shared>> -> memref<10112x32xf32, #tpu.memory_space<vmem_shared>>
      tpu.enqueue_indirect_dma source(%dma_start3A_471 : memref<128x32xf32, #tpu.memory_space<vmem>>) target(%dma_start3A_477 : memref<10112x32xf32, #tpu.memory_space<vmem_shared>>) offsets(%dma_start3A_474 : memref<128xi32, #tpu.memory_space<vmem>>) semaphore(%arg13 : memref<!tpu.dma_semaphore, #tpu.memory_space<semaphore_mem>>) {add = true}
      %mul3A_478 = arith.constant 8 : i32
      %mul3A_479 = arith.muli %mul3A_345, %mul3A_478 : i32
      %add3A_480 = arith.constant 4 : i32
      %add3A_481 = arith.addi %mul3A_479, %add3A_480 : i32
      %dma_wait3A_482 = arith.constant 4 : i32
      %dma_wait3A_483 = arith.constant 4 : i32
      %dma_wait3A_484 = arith.constant 0 : i32
      %dma_wait3A_485 = arith.constant 0 : i32
      %dma_wait3A_486 = tpu.memref_slice %arg9[%dma_wait3A_482, %dma_wait3A_484, %dma_wait3A_485] : memref<16x128x32xf32, #tpu.memory_space<vmem>> -> memref<1x128x32xf32, #tpu.memory_space<vmem>>
      %dma_wait3A_487 = tpu.memref_squeeze %dma_wait3A_486 : memref<1x128x32xf32, #tpu.memory_space<vmem>> -> memref<128x32xf32, #tpu.memory_space<vmem>>
      %dma_wait3A_488 = arith.constant 0 : i32
      %dma_wait3A_489 = tpu.memref_slice %arg7[%add3A_481, %dma_wait3A_488] : memref<80x128xi32, #tpu.memory_space<vmem>> -> memref<1x128xi32, #tpu.memory_space<vmem>>
      %dma_wait3A_490 = tpu.memref_squeeze %dma_wait3A_489 : memref<1x128xi32, #tpu.memory_space<vmem>> -> memref<128xi32, #tpu.memory_space<vmem>>
      %dma_wait3A_491 = arith.constant 0 : i32
      %dma_wait3A_492 = arith.constant 0 : i32
      %dma_wait3A_493 = tpu.memref_slice %arg6[%dma_wait3A_491, %dma_wait3A_492] : memref<10112x32xf32, #tpu.memory_space<vmem_shared>> -> memref<10112x32xf32, #tpu.memory_space<vmem_shared>>
      %dma_wait3A_494 = tpu.memref_slice %arg11[%dma_wait3A_483] : memref<16x!tpu.dma_semaphore, #tpu.memory_space<semaphore_mem>> -> memref<1x!tpu.dma_semaphore, #tpu.memory_space<semaphore_mem>>
      %dma_wait3A_495 = tpu.memref_squeeze %dma_wait3A_494 : memref<1x!tpu.dma_semaphore, #tpu.memory_space<semaphore_mem>> -> memref<!tpu.dma_semaphore, #tpu.memory_space<semaphore_mem>>
      tpu.wait_indirect_dma semaphore(%dma_wait3A_495 : memref<!tpu.dma_semaphore, #tpu.memory_space<semaphore_mem>>) src(%dma_wait3A_493 : memref<10112x32xf32, #tpu.memory_space<vmem_shared>>) dst(%dma_wait3A_487 : memref<128x32xf32, #tpu.memory_space<vmem>>)
      %mul3A_496 = arith.constant 8 : i32
      %mul3A_497 = arith.muli %mul3A_345, %mul3A_496 : i32
      %add3A_498 = arith.constant 4 : i32
      %add3A_499 = arith.addi %mul3A_497, %add3A_498 : i32
      %dma_start3A_500 = arith.constant 4 : i32
      %dma_start3A_501 = arith.constant 0 : i32
      %dma_start3A_502 = arith.constant 0 : i32
      %dma_start3A_503 = tpu.memref_slice %arg9[%dma_start3A_500, %dma_start3A_501, %dma_start3A_502] : memref<16x128x32xf32, #tpu.memory_space<vmem>> -> memref<1x128x32xf32, #tpu.memory_space<vmem>>
      %dma_start3A_504 = tpu.memref_squeeze %dma_start3A_503 : memref<1x128x32xf32, #tpu.memory_space<vmem>> -> memref<128x32xf32, #tpu.memory_space<vmem>>
      %dma_start3A_505 = arith.constant 0 : i32
      %dma_start3A_506 = tpu.memref_slice %arg8[%add3A_499, %dma_start3A_505] : memref<80x128xi32, #tpu.memory_space<vmem>> -> memref<1x128xi32, #tpu.memory_space<vmem>>
      %dma_start3A_507 = tpu.memref_squeeze %dma_start3A_506 : memref<1x128xi32, #tpu.memory_space<vmem>> -> memref<128xi32, #tpu.memory_space<vmem>>
      %dma_start3A_508 = arith.constant 0 : i32
      %dma_start3A_509 = arith.constant 0 : i32
      %dma_start3A_510 = tpu.memref_slice %arg5[%dma_start3A_508, %dma_start3A_509] : memref<10112x32xf32, #tpu.memory_space<vmem_shared>> -> memref<10112x32xf32, #tpu.memory_space<vmem_shared>>
      tpu.enqueue_indirect_dma source(%dma_start3A_504 : memref<128x32xf32, #tpu.memory_space<vmem>>) target(%dma_start3A_510 : memref<10112x32xf32, #tpu.memory_space<vmem_shared>>) offsets(%dma_start3A_507 : memref<128xi32, #tpu.memory_space<vmem>>) semaphore(%arg13 : memref<!tpu.dma_semaphore, #tpu.memory_space<semaphore_mem>>) {add = true}
      %mul3A_511 = arith.constant 8 : i32
      %mul3A_512 = arith.muli %mul3A_345, %mul3A_511 : i32
      %add3A_513 = arith.constant 5 : i32
      %add3A_514 = arith.addi %mul3A_512, %add3A_513 : i32
      %dma_wait3A_515 = arith.constant 5 : i32
      %dma_wait3A_516 = arith.constant 5 : i32
      %dma_wait3A_517 = arith.constant 0 : i32
      %dma_wait3A_518 = arith.constant 0 : i32
      %dma_wait3A_519 = tpu.memref_slice %arg9[%dma_wait3A_515, %dma_wait3A_517, %dma_wait3A_518] : memref<16x128x32xf32, #tpu.memory_space<vmem>> -> memref<1x128x32xf32, #tpu.memory_space<vmem>>
      %dma_wait3A_520 = tpu.memref_squeeze %dma_wait3A_519 : memref<1x128x32xf32, #tpu.memory_space<vmem>> -> memref<128x32xf32, #tpu.memory_space<vmem>>
      %dma_wait3A_521 = arith.constant 0 : i32
      %dma_wait3A_522 = tpu.memref_slice %arg7[%add3A_514, %dma_wait3A_521] : memref<80x128xi32, #tpu.memory_space<vmem>> -> memref<1x128xi32, #tpu.memory_space<vmem>>
      %dma_wait3A_523 = tpu.memref_squeeze %dma_wait3A_522 : memref<1x128xi32, #tpu.memory_space<vmem>> -> memref<128xi32, #tpu.memory_space<vmem>>
      %dma_wait3A_524 = arith.constant 0 : i32
      %dma_wait3A_525 = arith.constant 0 : i32
      %dma_wait3A_526 = tpu.memref_slice %arg6[%dma_wait3A_524, %dma_wait3A_525] : memref<10112x32xf32, #tpu.memory_space<vmem_shared>> -> memref<10112x32xf32, #tpu.memory_space<vmem_shared>>
      %dma_wait3A_527 = tpu.memref_slice %arg11[%dma_wait3A_516] : memref<16x!tpu.dma_semaphore, #tpu.memory_space<semaphore_mem>> -> memref<1x!tpu.dma_semaphore, #tpu.memory_space<semaphore_mem>>
      %dma_wait3A_528 = tpu.memref_squeeze %dma_wait3A_527 : memref<1x!tpu.dma_semaphore, #tpu.memory_space<semaphore_mem>> -> memref<!tpu.dma_semaphore, #tpu.memory_space<semaphore_mem>>
      tpu.wait_indirect_dma semaphore(%dma_wait3A_528 : memref<!tpu.dma_semaphore, #tpu.memory_space<semaphore_mem>>) src(%dma_wait3A_526 : memref<10112x32xf32, #tpu.memory_space<vmem_shared>>) dst(%dma_wait3A_520 : memref<128x32xf32, #tpu.memory_space<vmem>>)
      %mul3A_529 = arith.constant 8 : i32
      %mul3A_530 = arith.muli %mul3A_345, %mul3A_529 : i32
      %add3A_531 = arith.constant 5 : i32
      %add3A_532 = arith.addi %mul3A_530, %add3A_531 : i32
      %dma_start3A_533 = arith.constant 5 : i32
      %dma_start3A_534 = arith.constant 0 : i32
      %dma_start3A_535 = arith.constant 0 : i32
      %dma_start3A_536 = tpu.memref_slice %arg9[%dma_start3A_533, %dma_start3A_534, %dma_start3A_535] : memref<16x128x32xf32, #tpu.memory_space<vmem>> -> memref<1x128x32xf32, #tpu.memory_space<vmem>>
      %dma_start3A_537 = tpu.memref_squeeze %dma_start3A_536 : memref<1x128x32xf32, #tpu.memory_space<vmem>> -> memref<128x32xf32, #tpu.memory_space<vmem>>
      %dma_start3A_538 = arith.constant 0 : i32
      %dma_start3A_539 = tpu.memref_slice %arg8[%add3A_532, %dma_start3A_538] : memref<80x128xi32, #tpu.memory_space<vmem>> -> memref<1x128xi32, #tpu.memory_space<vmem>>
      %dma_start3A_540 = tpu.memref_squeeze %dma_start3A_539 : memref<1x128xi32, #tpu.memory_space<vmem>> -> memref<128xi32, #tpu.memory_space<vmem>>
      %dma_start3A_541 = arith.constant 0 : i32
      %dma_start3A_542 = arith.constant 0 : i32
      %dma_start3A_543 = tpu.memref_slice %arg5[%dma_start3A_541, %dma_start3A_542] : memref<10112x32xf32, #tpu.memory_space<vmem_shared>> -> memref<10112x32xf32, #tpu.memory_space<vmem_shared>>
      tpu.enqueue_indirect_dma source(%dma_start3A_537 : memref<128x32xf32, #tpu.memory_space<vmem>>) target(%dma_start3A_543 : memref<10112x32xf32, #tpu.memory_space<vmem_shared>>) offsets(%dma_start3A_540 : memref<128xi32, #tpu.memory_space<vmem>>) semaphore(%arg13 : memref<!tpu.dma_semaphore, #tpu.memory_space<semaphore_mem>>) {add = true}
      %mul3A_544 = arith.constant 8 : i32
      %mul3A_545 = arith.muli %mul3A_345, %mul3A_544 : i32
      %add3A_546 = arith.constant 6 : i32
      %add3A_547 = arith.addi %mul3A_545, %add3A_546 : i32
      %dma_wait3A_548 = arith.constant 6 : i32
      %dma_wait3A_549 = arith.constant 6 : i32
      %dma_wait3A_550 = arith.constant 0 : i32
      %dma_wait3A_551 = arith.constant 0 : i32
      %dma_wait3A_552 = tpu.memref_slice %arg9[%dma_wait3A_548, %dma_wait3A_550, %dma_wait3A_551] : memref<16x128x32xf32, #tpu.memory_space<vmem>> -> memref<1x128x32xf32, #tpu.memory_space<vmem>>
      %dma_wait3A_553 = tpu.memref_squeeze %dma_wait3A_552 : memref<1x128x32xf32, #tpu.memory_space<vmem>> -> memref<128x32xf32, #tpu.memory_space<vmem>>
      %dma_wait3A_554 = arith.constant 0 : i32
      %dma_wait3A_555 = tpu.memref_slice %arg7[%add3A_547, %dma_wait3A_554] : memref<80x128xi32, #tpu.memory_space<vmem>> -> memref<1x128xi32, #tpu.memory_space<vmem>>
      %dma_wait3A_556 = tpu.memref_squeeze %dma_wait3A_555 : memref<1x128xi32, #tpu.memory_space<vmem>> -> memref<128xi32, #tpu.memory_space<vmem>>
      %dma_wait3A_557 = arith.constant 0 : i32
      %dma_wait3A_558 = arith.constant 0 : i32
      %dma_wait3A_559 = tpu.memref_slice %arg6[%dma_wait3A_557, %dma_wait3A_558] : memref<10112x32xf32, #tpu.memory_space<vmem_shared>> -> memref<10112x32xf32, #tpu.memory_space<vmem_shared>>
      %dma_wait3A_560 = tpu.memref_slice %arg11[%dma_wait3A_549] : memref<16x!tpu.dma_semaphore, #tpu.memory_space<semaphore_mem>> -> memref<1x!tpu.dma_semaphore, #tpu.memory_space<semaphore_mem>>
      %dma_wait3A_561 = tpu.memref_squeeze %dma_wait3A_560 : memref<1x!tpu.dma_semaphore, #tpu.memory_space<semaphore_mem>> -> memref<!tpu.dma_semaphore, #tpu.memory_space<semaphore_mem>>
      tpu.wait_indirect_dma semaphore(%dma_wait3A_561 : memref<!tpu.dma_semaphore, #tpu.memory_space<semaphore_mem>>) src(%dma_wait3A_559 : memref<10112x32xf32, #tpu.memory_space<vmem_shared>>) dst(%dma_wait3A_553 : memref<128x32xf32, #tpu.memory_space<vmem>>)
      %mul3A_562 = arith.constant 8 : i32
      %mul3A_563 = arith.muli %mul3A_345, %mul3A_562 : i32
      %add3A_564 = arith.constant 6 : i32
      %add3A_565 = arith.addi %mul3A_563, %add3A_564 : i32
      %dma_start3A_566 = arith.constant 6 : i32
      %dma_start3A_567 = arith.constant 0 : i32
      %dma_start3A_568 = arith.constant 0 : i32
      %dma_start3A_569 = tpu.memref_slice %arg9[%dma_start3A_566, %dma_start3A_567, %dma_start3A_568] : memref<16x128x32xf32, #tpu.memory_space<vmem>> -> memref<1x128x32xf32, #tpu.memory_space<vmem>>
      %dma_start3A_570 = tpu.memref_squeeze %dma_start3A_569 : memref<1x128x32xf32, #tpu.memory_space<vmem>> -> memref<128x32xf32, #tpu.memory_space<vmem>>
      %dma_start3A_571 = arith.constant 0 : i32
      %dma_start3A_572 = tpu.memref_slice %arg8[%add3A_565, %dma_start3A_571] : memref<80x128xi32, #tpu.memory_space<vmem>> -> memref<1x128xi32, #tpu.memory_space<vmem>>
      %dma_start3A_573 = tpu.memref_squeeze %dma_start3A_572 : memref<1x128xi32, #tpu.memory_space<vmem>> -> memref<128xi32, #tpu.memory_space<vmem>>
      %dma_start3A_574 = arith.constant 0 : i32
      %dma_start3A_575 = arith.constant 0 : i32
      %dma_start3A_576 = tpu.memref_slice %arg5[%dma_start3A_574, %dma_start3A_575] : memref<10112x32xf32, #tpu.memory_space<vmem_shared>> -> memref<10112x32xf32, #tpu.memory_space<vmem_shared>>
      tpu.enqueue_indirect_dma source(%dma_start3A_570 : memref<128x32xf32, #tpu.memory_space<vmem>>) target(%dma_start3A_576 : memref<10112x32xf32, #tpu.memory_space<vmem_shared>>) offsets(%dma_start3A_573 : memref<128xi32, #tpu.memory_space<vmem>>) semaphore(%arg13 : memref<!tpu.dma_semaphore, #tpu.memory_space<semaphore_mem>>) {add = true}
      %mul3A_577 = arith.constant 8 : i32
      %mul3A_578 = arith.muli %mul3A_345, %mul3A_577 : i32
      %add3A_579 = arith.constant 7 : i32
      %add3A_580 = arith.addi %mul3A_578, %add3A_579 : i32
      %dma_wait3A_581 = arith.constant 7 : i32
      %dma_wait3A_582 = arith.constant 7 : i32
      %dma_wait3A_583 = arith.constant 0 : i32
      %dma_wait3A_584 = arith.constant 0 : i32
      %dma_wait3A_585 = tpu.memref_slice %arg9[%dma_wait3A_581, %dma_wait3A_583, %dma_wait3A_584] : memref<16x128x32xf32, #tpu.memory_space<vmem>> -> memref<1x128x32xf32, #tpu.memory_space<vmem>>
      %dma_wait3A_586 = tpu.memref_squeeze %dma_wait3A_585 : memref<1x128x32xf32, #tpu.memory_space<vmem>> -> memref<128x32xf32, #tpu.memory_space<vmem>>
      %dma_wait3A_587 = arith.constant 0 : i32
      %dma_wait3A_588 = tpu.memref_slice %arg7[%add3A_580, %dma_wait3A_587] : memref<80x128xi32, #tpu.memory_space<vmem>> -> memref<1x128xi32, #tpu.memory_space<vmem>>
      %dma_wait3A_589 = tpu.memref_squeeze %dma_wait3A_588 : memref<1x128xi32, #tpu.memory_space<vmem>> -> memref<128xi32, #tpu.memory_space<vmem>>
      %dma_wait3A_590 = arith.constant 0 : i32
      %dma_wait3A_591 = arith.constant 0 : i32
      %dma_wait3A_592 = tpu.memref_slice %arg6[%dma_wait3A_590, %dma_wait3A_591] : memref<10112x32xf32, #tpu.memory_space<vmem_shared>> -> memref<10112x32xf32, #tpu.memory_space<vmem_shared>>
      %dma_wait3A_593 = tpu.memref_slice %arg11[%dma_wait3A_582] : memref<16x!tpu.dma_semaphore, #tpu.memory_space<semaphore_mem>> -> memref<1x!tpu.dma_semaphore, #tpu.memory_space<semaphore_mem>>
      %dma_wait3A_594 = tpu.memref_squeeze %dma_wait3A_593 : memref<1x!tpu.dma_semaphore, #tpu.memory_space<semaphore_mem>> -> memref<!tpu.dma_semaphore, #tpu.memory_space<semaphore_mem>>
      tpu.wait_indirect_dma semaphore(%dma_wait3A_594 : memref<!tpu.dma_semaphore, #tpu.memory_space<semaphore_mem>>) src(%dma_wait3A_592 : memref<10112x32xf32, #tpu.memory_space<vmem_shared>>) dst(%dma_wait3A_586 : memref<128x32xf32, #tpu.memory_space<vmem>>)
      %mul3A_595 = arith.constant 8 : i32
      %mul3A_596 = arith.muli %mul3A_345, %mul3A_595 : i32
      %add3A_597 = arith.constant 7 : i32
      %add3A_598 = arith.addi %mul3A_596, %add3A_597 : i32
      %dma_start3A_599 = arith.constant 7 : i32
      %dma_start3A_600 = arith.constant 0 : i32
      %dma_start3A_601 = arith.constant 0 : i32
      %dma_start3A_602 = tpu.memref_slice %arg9[%dma_start3A_599, %dma_start3A_600, %dma_start3A_601] : memref<16x128x32xf32, #tpu.memory_space<vmem>> -> memref<1x128x32xf32, #tpu.memory_space<vmem>>
      %dma_start3A_603 = tpu.memref_squeeze %dma_start3A_602 : memref<1x128x32xf32, #tpu.memory_space<vmem>> -> memref<128x32xf32, #tpu.memory_space<vmem>>
      %dma_start3A_604 = arith.constant 0 : i32
      %dma_start3A_605 = tpu.memref_slice %arg8[%add3A_598, %dma_start3A_604] : memref<80x128xi32, #tpu.memory_space<vmem>> -> memref<1x128xi32, #tpu.memory_space<vmem>>
      %dma_start3A_606 = tpu.memref_squeeze %dma_start3A_605 : memref<1x128xi32, #tpu.memory_space<vmem>> -> memref<128xi32, #tpu.memory_space<vmem>>
      %dma_start3A_607 = arith.constant 0 : i32
      %dma_start3A_608 = arith.constant 0 : i32
      %dma_start3A_609 = tpu.memref_slice %arg5[%dma_start3A_607, %dma_start3A_608] : memref<10112x32xf32, #tpu.memory_space<vmem_shared>> -> memref<10112x32xf32, #tpu.memory_space<vmem_shared>>
      tpu.enqueue_indirect_dma source(%dma_start3A_603 : memref<128x32xf32, #tpu.memory_space<vmem>>) target(%dma_start3A_609 : memref<10112x32xf32, #tpu.memory_space<vmem_shared>>) offsets(%dma_start3A_606 : memref<128xi32, #tpu.memory_space<vmem>>) semaphore(%arg13 : memref<!tpu.dma_semaphore, #tpu.memory_space<semaphore_mem>>) {add = true}
      %dma_wait3A_610 = arith.constant 0 : i32
      %dma_wait3A_611 = arith.constant 0 : i32
      %dma_wait3A_612 = arith.constant 0 : i32
      %dma_wait3A_613 = tpu.memref_slice %arg9[%dma_wait3A_610, %dma_wait3A_611, %dma_wait3A_612] : memref<16x128x32xf32, #tpu.memory_space<vmem>> -> memref<1x128x32xf32, #tpu.memory_space<vmem>>
      %dma_wait3A_614 = tpu.memref_squeeze %dma_wait3A_613 : memref<1x128x32xf32, #tpu.memory_space<vmem>> -> memref<128x32xf32, #tpu.memory_space<vmem>>
      %dma_wait3A_615 = arith.constant 0 : i32
      %dma_wait3A_616 = tpu.memref_slice %arg8[%add3A_367, %dma_wait3A_615] : memref<80x128xi32, #tpu.memory_space<vmem>> -> memref<1x128xi32, #tpu.memory_space<vmem>>
      %dma_wait3A_617 = tpu.memref_squeeze %dma_wait3A_616 : memref<1x128xi32, #tpu.memory_space<vmem>> -> memref<128xi32, #tpu.memory_space<vmem>>
      %dma_wait3A_618 = arith.constant 0 : i32
      %dma_wait3A_619 = arith.constant 0 : i32
      %dma_wait3A_620 = tpu.memref_slice %arg5[%dma_wait3A_618, %dma_wait3A_619] : memref<10112x32xf32, #tpu.memory_space<vmem_shared>> -> memref<10112x32xf32, #tpu.memory_space<vmem_shared>>
      tpu.wait_indirect_dma semaphore(%arg13 : memref<!tpu.dma_semaphore, #tpu.memory_space<semaphore_mem>>) src(%dma_wait3A_614 : memref<128x32xf32, #tpu.memory_space<vmem>>) dst(%dma_wait3A_620 : memref<10112x32xf32, #tpu.memory_space<vmem_shared>>)
      %dma_wait3A_621 = arith.constant 1 : i32
      %dma_wait3A_622 = arith.constant 0 : i32
      %dma_wait3A_623 = arith.constant 0 : i32
      %dma_wait3A_624 = tpu.memref_slice %arg9[%dma_wait3A_621, %dma_wait3A_622, %dma_wait3A_623] : memref<16x128x32xf32, #tpu.memory_space<vmem>> -> memref<1x128x32xf32, #tpu.memory_space<vmem>>
      %dma_wait3A_625 = tpu.memref_squeeze %dma_wait3A_624 : memref<1x128x32xf32, #tpu.memory_space<vmem>> -> memref<128x32xf32, #tpu.memory_space<vmem>>
      %dma_wait3A_626 = arith.constant 0 : i32
      %dma_wait3A_627 = tpu.memref_slice %arg8[%add3A_400, %dma_wait3A_626] : memref<80x128xi32, #tpu.memory_space<vmem>> -> memref<1x128xi32, #tpu.memory_space<vmem>>
      %dma_wait3A_628 = tpu.memref_squeeze %dma_wait3A_627 : memref<1x128xi32, #tpu.memory_space<vmem>> -> memref<128xi32, #tpu.memory_space<vmem>>
      %dma_wait3A_629 = arith.constant 0 : i32
      %dma_wait3A_630 = arith.constant 0 : i32
      %dma_wait3A_631 = tpu.memref_slice %arg5[%dma_wait3A_629, %dma_wait3A_630] : memref<10112x32xf32, #tpu.memory_space<vmem_shared>> -> memref<10112x32xf32, #tpu.memory_space<vmem_shared>>
      tpu.wait_indirect_dma semaphore(%arg13 : memref<!tpu.dma_semaphore, #tpu.memory_space<semaphore_mem>>) src(%dma_wait3A_625 : memref<128x32xf32, #tpu.memory_space<vmem>>) dst(%dma_wait3A_631 : memref<10112x32xf32, #tpu.memory_space<vmem_shared>>)
      %dma_wait3A_632 = arith.constant 2 : i32
      %dma_wait3A_633 = arith.constant 0 : i32
      %dma_wait3A_634 = arith.constant 0 : i32
      %dma_wait3A_635 = tpu.memref_slice %arg9[%dma_wait3A_632, %dma_wait3A_633, %dma_wait3A_634] : memref<16x128x32xf32, #tpu.memory_space<vmem>> -> memref<1x128x32xf32, #tpu.memory_space<vmem>>
      %dma_wait3A_636 = tpu.memref_squeeze %dma_wait3A_635 : memref<1x128x32xf32, #tpu.memory_space<vmem>> -> memref<128x32xf32, #tpu.memory_space<vmem>>
      %dma_wait3A_637 = arith.constant 0 : i32
      %dma_wait3A_638 = tpu.memref_slice %arg8[%add3A_433, %dma_wait3A_637] : memref<80x128xi32, #tpu.memory_space<vmem>> -> memref<1x128xi32, #tpu.memory_space<vmem>>
      %dma_wait3A_639 = tpu.memref_squeeze %dma_wait3A_638 : memref<1x128xi32, #tpu.memory_space<vmem>> -> memref<128xi32, #tpu.memory_space<vmem>>
      %dma_wait3A_640 = arith.constant 0 : i32
      %dma_wait3A_641 = arith.constant 0 : i32
      %dma_wait3A_642 = tpu.memref_slice %arg5[%dma_wait3A_640, %dma_wait3A_641] : memref<10112x32xf32, #tpu.memory_space<vmem_shared>> -> memref<10112x32xf32, #tpu.memory_space<vmem_shared>>
      tpu.wait_indirect_dma semaphore(%arg13 : memref<!tpu.dma_semaphore, #tpu.memory_space<semaphore_mem>>) src(%dma_wait3A_636 : memref<128x32xf32, #tpu.memory_space<vmem>>) dst(%dma_wait3A_642 : memref<10112x32xf32, #tpu.memory_space<vmem_shared>>)
      %dma_wait3A_643 = arith.constant 3 : i32
      %dma_wait3A_644 = arith.constant 0 : i32
      %dma_wait3A_645 = arith.constant 0 : i32
      %dma_wait3A_646 = tpu.memref_slice %arg9[%dma_wait3A_643, %dma_wait3A_644, %dma_wait3A_645] : memref<16x128x32xf32, #tpu.memory_space<vmem>> -> memref<1x128x32xf32, #tpu.memory_space<vmem>>
      %dma_wait3A_647 = tpu.memref_squeeze %dma_wait3A_646 : memref<1x128x32xf32, #tpu.memory_space<vmem>> -> memref<128x32xf32, #tpu.memory_space<vmem>>
      %dma_wait3A_648 = arith.constant 0 : i32
      %dma_wait3A_649 = tpu.memref_slice %arg8[%add3A_466, %dma_wait3A_648] : memref<80x128xi32, #tpu.memory_space<vmem>> -> memref<1x128xi32, #tpu.memory_space<vmem>>
      %dma_wait3A_650 = tpu.memref_squeeze %dma_wait3A_649 : memref<1x128xi32, #tpu.memory_space<vmem>> -> memref<128xi32, #tpu.memory_space<vmem>>
      %dma_wait3A_651 = arith.constant 0 : i32
      %dma_wait3A_652 = arith.constant 0 : i32
      %dma_wait3A_653 = tpu.memref_slice %arg5[%dma_wait3A_651, %dma_wait3A_652] : memref<10112x32xf32, #tpu.memory_space<vmem_shared>> -> memref<10112x32xf32, #tpu.memory_space<vmem_shared>>
      tpu.wait_indirect_dma semaphore(%arg13 : memref<!tpu.dma_semaphore, #tpu.memory_space<semaphore_mem>>) src(%dma_wait3A_647 : memref<128x32xf32, #tpu.memory_space<vmem>>) dst(%dma_wait3A_653 : memref<10112x32xf32, #tpu.memory_space<vmem_shared>>)
      %dma_wait3A_654 = arith.constant 4 : i32
      %dma_wait3A_655 = arith.constant 0 : i32
      %dma_wait3A_656 = arith.constant 0 : i32
      %dma_wait3A_657 = tpu.memref_slice %arg9[%dma_wait3A_654, %dma_wait3A_655, %dma_wait3A_656] : memref<16x128x32xf32, #tpu.memory_space<vmem>> -> memref<1x128x32xf32, #tpu.memory_space<vmem>>
      %dma_wait3A_658 = tpu.memref_squeeze %dma_wait3A_657 : memref<1x128x32xf32, #tpu.memory_space<vmem>> -> memref<128x32xf32, #tpu.memory_space<vmem>>
      %dma_wait3A_659 = arith.constant 0 : i32
      %dma_wait3A_660 = tpu.memref_slice %arg8[%add3A_499, %dma_wait3A_659] : memref<80x128xi32, #tpu.memory_space<vmem>> -> memref<1x128xi32, #tpu.memory_space<vmem>>
      %dma_wait3A_661 = tpu.memref_squeeze %dma_wait3A_660 : memref<1x128xi32, #tpu.memory_space<vmem>> -> memref<128xi32, #tpu.memory_space<vmem>>
      %dma_wait3A_662 = arith.constant 0 : i32
      %dma_wait3A_663 = arith.constant 0 : i32
      %dma_wait3A_664 = tpu.memref_slice %arg5[%dma_wait3A_662, %dma_wait3A_663] : memref<10112x32xf32, #tpu.memory_space<vmem_shared>> -> memref<10112x32xf32, #tpu.memory_space<vmem_shared>>
      tpu.wait_indirect_dma semaphore(%arg13 : memref<!tpu.dma_semaphore, #tpu.memory_space<semaphore_mem>>) src(%dma_wait3A_658 : memref<128x32xf32, #tpu.memory_space<vmem>>) dst(%dma_wait3A_664 : memref<10112x32xf32, #tpu.memory_space<vmem_shared>>)
      %dma_wait3A_665 = arith.constant 5 : i32
      %dma_wait3A_666 = arith.constant 0 : i32
      %dma_wait3A_667 = arith.constant 0 : i32
      %dma_wait3A_668 = tpu.memref_slice %arg9[%dma_wait3A_665, %dma_wait3A_666, %dma_wait3A_667] : memref<16x128x32xf32, #tpu.memory_space<vmem>> -> memref<1x128x32xf32, #tpu.memory_space<vmem>>
      %dma_wait3A_669 = tpu.memref_squeeze %dma_wait3A_668 : memref<1x128x32xf32, #tpu.memory_space<vmem>> -> memref<128x32xf32, #tpu.memory_space<vmem>>
      %dma_wait3A_670 = arith.constant 0 : i32
      %dma_wait3A_671 = tpu.memref_slice %arg8[%add3A_532, %dma_wait3A_670] : memref<80x128xi32, #tpu.memory_space<vmem>> -> memref<1x128xi32, #tpu.memory_space<vmem>>
      %dma_wait3A_672 = tpu.memref_squeeze %dma_wait3A_671 : memref<1x128xi32, #tpu.memory_space<vmem>> -> memref<128xi32, #tpu.memory_space<vmem>>
      %dma_wait3A_673 = arith.constant 0 : i32
      %dma_wait3A_674 = arith.constant 0 : i32
      %dma_wait3A_675 = tpu.memref_slice %arg5[%dma_wait3A_673, %dma_wait3A_674] : memref<10112x32xf32, #tpu.memory_space<vmem_shared>> -> memref<10112x32xf32, #tpu.memory_space<vmem_shared>>
      tpu.wait_indirect_dma semaphore(%arg13 : memref<!tpu.dma_semaphore, #tpu.memory_space<semaphore_mem>>) src(%dma_wait3A_669 : memref<128x32xf32, #tpu.memory_space<vmem>>) dst(%dma_wait3A_675 : memref<10112x32xf32, #tpu.memory_space<vmem_shared>>)
      %dma_wait3A_676 = arith.constant 6 : i32
      %dma_wait3A_677 = arith.constant 0 : i32
      %dma_wait3A_678 = arith.constant 0 : i32
      %dma_wait3A_679 = tpu.memref_slice %arg9[%dma_wait3A_676, %dma_wait3A_677, %dma_wait3A_678] : memref<16x128x32xf32, #tpu.memory_space<vmem>> -> memref<1x128x32xf32, #tpu.memory_space<vmem>>
      %dma_wait3A_680 = tpu.memref_squeeze %dma_wait3A_679 : memref<1x128x32xf32, #tpu.memory_space<vmem>> -> memref<128x32xf32, #tpu.memory_space<vmem>>
      %dma_wait3A_681 = arith.constant 0 : i32
      %dma_wait3A_682 = tpu.memref_slice %arg8[%add3A_565, %dma_wait3A_681] : memref<80x128xi32, #tpu.memory_space<vmem>> -> memref<1x128xi32, #tpu.memory_space<vmem>>
      %dma_wait3A_683 = tpu.memref_squeeze %dma_wait3A_682 : memref<1x128xi32, #tpu.memory_space<vmem>> -> memref<128xi32, #tpu.memory_space<vmem>>
      %dma_wait3A_684 = arith.constant 0 : i32
      %dma_wait3A_685 = arith.constant 0 : i32
      %dma_wait3A_686 = tpu.memref_slice %arg5[%dma_wait3A_684, %dma_wait3A_685] : memref<10112x32xf32, #tpu.memory_space<vmem_shared>> -> memref<10112x32xf32, #tpu.memory_space<vmem_shared>>
      tpu.wait_indirect_dma semaphore(%arg13 : memref<!tpu.dma_semaphore, #tpu.memory_space<semaphore_mem>>) src(%dma_wait3A_680 : memref<128x32xf32, #tpu.memory_space<vmem>>) dst(%dma_wait3A_686 : memref<10112x32xf32, #tpu.memory_space<vmem_shared>>)
      %dma_wait3A_687 = arith.constant 7 : i32
      %dma_wait3A_688 = arith.constant 0 : i32
      %dma_wait3A_689 = arith.constant 0 : i32
      %dma_wait3A_690 = tpu.memref_slice %arg9[%dma_wait3A_687, %dma_wait3A_688, %dma_wait3A_689] : memref<16x128x32xf32, #tpu.memory_space<vmem>> -> memref<1x128x32xf32, #tpu.memory_space<vmem>>
      %dma_wait3A_691 = tpu.memref_squeeze %dma_wait3A_690 : memref<1x128x32xf32, #tpu.memory_space<vmem>> -> memref<128x32xf32, #tpu.memory_space<vmem>>
      %dma_wait3A_692 = arith.constant 0 : i32
      %dma_wait3A_693 = tpu.memref_slice %arg8[%add3A_598, %dma_wait3A_692] : memref<80x128xi32, #tpu.memory_space<vmem>> -> memref<1x128xi32, #tpu.memory_space<vmem>>
      %dma_wait3A_694 = tpu.memref_squeeze %dma_wait3A_693 : memref<1x128xi32, #tpu.memory_space<vmem>> -> memref<128xi32, #tpu.memory_space<vmem>>
      %dma_wait3A_695 = arith.constant 0 : i32
      %dma_wait3A_696 = arith.constant 0 : i32
      %dma_wait3A_697 = tpu.memref_slice %arg5[%dma_wait3A_695, %dma_wait3A_696] : memref<10112x32xf32, #tpu.memory_space<vmem_shared>> -> memref<10112x32xf32, #tpu.memory_space<vmem_shared>>
      tpu.wait_indirect_dma semaphore(%arg13 : memref<!tpu.dma_semaphore, #tpu.memory_space<semaphore_mem>>) src(%dma_wait3A_691 : memref<128x32xf32, #tpu.memory_space<vmem>>) dst(%dma_wait3A_697 : memref<10112x32xf32, #tpu.memory_space<vmem_shared>>)
      %lt3A = arith.constant 4 : i32
      %lt3A_698 = arith.cmpi slt, %scan3A_195, %lt3A : i32
      %convert_element_type3A = arith.extui %lt3A_698 : i1 to i32
      %cond3A = arith.constant 0 : i32
      %cond3A_699 = arith.cmpi ne, %convert_element_type3A, %cond3A : i32
      scf.if %cond3A_699 {
        %mul3A_1056 = arith.constant 2 : i32
        %mul3A_1057 = arith.muli %mul3A_1056, %scan3A_195 : i32
        %add3A_1058 = arith.constant 2 : i32
        %add3A_1059 = arith.addi %mul3A_1057, %add3A_1058 : i32
        %mul3A_1060 = arith.constant 8 : i32
        %mul3A_1061 = arith.muli %add3A_1059, %mul3A_1060 : i32
        %add3A_1062 = arith.constant 0 : i32
        %add3A_1063 = arith.addi %mul3A_1061, %add3A_1062 : i32
        %dma_start3A_1064 = arith.constant 0 : i32
        %dma_start3A_1065 = arith.constant 0 : i32
        %dma_start3A_1066 = arith.constant 0 : i32
        %dma_start3A_1067 = arith.constant 0 : i32
        %dma_start3A_1068 = tpu.memref_slice %arg9[%dma_start3A_1064, %dma_start3A_1066, %dma_start3A_1067] : memref<16x128x32xf32, #tpu.memory_space<vmem>> -> memref<1x128x32xf32, #tpu.memory_space<vmem>>
        %dma_start3A_1069 = tpu.memref_squeeze %dma_start3A_1068 : memref<1x128x32xf32, #tpu.memory_space<vmem>> -> memref<128x32xf32, #tpu.memory_space<vmem>>
        %dma_start3A_1070 = arith.constant 0 : i32
        %dma_start3A_1071 = tpu.memref_slice %arg7[%add3A_1063, %dma_start3A_1070] : memref<80x128xi32, #tpu.memory_space<vmem>> -> memref<1x128xi32, #tpu.memory_space<vmem>>
        %dma_start3A_1072 = tpu.memref_squeeze %dma_start3A_1071 : memref<1x128xi32, #tpu.memory_space<vmem>> -> memref<128xi32, #tpu.memory_space<vmem>>
        %dma_start3A_1073 = arith.constant 0 : i32
        %dma_start3A_1074 = arith.constant 0 : i32
        %dma_start3A_1075 = tpu.memref_slice %arg6[%dma_start3A_1073, %dma_start3A_1074] : memref<10112x32xf32, #tpu.memory_space<vmem_shared>> -> memref<10112x32xf32, #tpu.memory_space<vmem_shared>>
        %dma_start3A_1076 = tpu.memref_slice %arg11[%dma_start3A_1065] : memref<16x!tpu.dma_semaphore, #tpu.memory_space<semaphore_mem>> -> memref<1x!tpu.dma_semaphore, #tpu.memory_space<semaphore_mem>>
        %dma_start3A_1077 = tpu.memref_squeeze %dma_start3A_1076 : memref<1x!tpu.dma_semaphore, #tpu.memory_space<semaphore_mem>> -> memref<!tpu.dma_semaphore, #tpu.memory_space<semaphore_mem>>
        tpu.enqueue_indirect_dma source(%dma_start3A_1075 : memref<10112x32xf32, #tpu.memory_space<vmem_shared>>) target(%dma_start3A_1069 : memref<128x32xf32, #tpu.memory_space<vmem>>) offsets(%dma_start3A_1072 : memref<128xi32, #tpu.memory_space<vmem>>) semaphore(%dma_start3A_1077 : memref<!tpu.dma_semaphore, #tpu.memory_space<semaphore_mem>>)
        %mul3A_1078 = arith.constant 8 : i32
        %mul3A_1079 = arith.muli %add3A_1059, %mul3A_1078 : i32
        %add3A_1080 = arith.constant 1 : i32
        %add3A_1081 = arith.addi %mul3A_1079, %add3A_1080 : i32
        %dma_start3A_1082 = arith.constant 1 : i32
        %dma_start3A_1083 = arith.constant 1 : i32
        %dma_start3A_1084 = arith.constant 0 : i32
        %dma_start3A_1085 = arith.constant 0 : i32
        %dma_start3A_1086 = tpu.memref_slice %arg9[%dma_start3A_1082, %dma_start3A_1084, %dma_start3A_1085] : memref<16x128x32xf32, #tpu.memory_space<vmem>> -> memref<1x128x32xf32, #tpu.memory_space<vmem>>
        %dma_start3A_1087 = tpu.memref_squeeze %dma_start3A_1086 : memref<1x128x32xf32, #tpu.memory_space<vmem>> -> memref<128x32xf32, #tpu.memory_space<vmem>>
        %dma_start3A_1088 = arith.constant 0 : i32
        %dma_start3A_1089 = tpu.memref_slice %arg7[%add3A_1081, %dma_start3A_1088] : memref<80x128xi32, #tpu.memory_space<vmem>> -> memref<1x128xi32, #tpu.memory_space<vmem>>
        %dma_start3A_1090 = tpu.memref_squeeze %dma_start3A_1089 : memref<1x128xi32, #tpu.memory_space<vmem>> -> memref<128xi32, #tpu.memory_space<vmem>>
        %dma_start3A_1091 = arith.constant 0 : i32
        %dma_start3A_1092 = arith.constant 0 : i32
        %dma_start3A_1093 = tpu.memref_slice %arg6[%dma_start3A_1091, %dma_start3A_1092] : memref<10112x32xf32, #tpu.memory_space<vmem_shared>> -> memref<10112x32xf32, #tpu.memory_space<vmem_shared>>
        %dma_start3A_1094 = tpu.memref_slice %arg11[%dma_start3A_1083] : memref<16x!tpu.dma_semaphore, #tpu.memory_space<semaphore_mem>> -> memref<1x!tpu.dma_semaphore, #tpu.memory_space<semaphore_mem>>
        %dma_start3A_1095 = tpu.memref_squeeze %dma_start3A_1094 : memref<1x!tpu.dma_semaphore, #tpu.memory_space<semaphore_mem>> -> memref<!tpu.dma_semaphore, #tpu.memory_space<semaphore_mem>>
        tpu.enqueue_indirect_dma source(%dma_start3A_1093 : memref<10112x32xf32, #tpu.memory_space<vmem_shared>>) target(%dma_start3A_1087 : memref<128x32xf32, #tpu.memory_space<vmem>>) offsets(%dma_start3A_1090 : memref<128xi32, #tpu.memory_space<vmem>>) semaphore(%dma_start3A_1095 : memref<!tpu.dma_semaphore, #tpu.memory_space<semaphore_mem>>)
        %mul3A_1096 = arith.constant 8 : i32
        %mul3A_1097 = arith.muli %add3A_1059, %mul3A_1096 : i32
        %add3A_1098 = arith.constant 2 : i32
        %add3A_1099 = arith.addi %mul3A_1097, %add3A_1098 : i32
        %dma_start3A_1100 = arith.constant 2 : i32
        %dma_start3A_1101 = arith.constant 2 : i32
        %dma_start3A_1102 = arith.constant 0 : i32
        %dma_start3A_1103 = arith.constant 0 : i32
        %dma_start3A_1104 = tpu.memref_slice %arg9[%dma_start3A_1100, %dma_start3A_1102, %dma_start3A_1103] : memref<16x128x32xf32, #tpu.memory_space<vmem>> -> memref<1x128x32xf32, #tpu.memory_space<vmem>>
        %dma_start3A_1105 = tpu.memref_squeeze %dma_start3A_1104 : memref<1x128x32xf32, #tpu.memory_space<vmem>> -> memref<128x32xf32, #tpu.memory_space<vmem>>
        %dma_start3A_1106 = arith.constant 0 : i32
        %dma_start3A_1107 = tpu.memref_slice %arg7[%add3A_1099, %dma_start3A_1106] : memref<80x128xi32, #tpu.memory_space<vmem>> -> memref<1x128xi32, #tpu.memory_space<vmem>>
        %dma_start3A_1108 = tpu.memref_squeeze %dma_start3A_1107 : memref<1x128xi32, #tpu.memory_space<vmem>> -> memref<128xi32, #tpu.memory_space<vmem>>
        %dma_start3A_1109 = arith.constant 0 : i32
        %dma_start3A_1110 = arith.constant 0 : i32
        %dma_start3A_1111 = tpu.memref_slice %arg6[%dma_start3A_1109, %dma_start3A_1110] : memref<10112x32xf32, #tpu.memory_space<vmem_shared>> -> memref<10112x32xf32, #tpu.memory_space<vmem_shared>>
        %dma_start3A_1112 = tpu.memref_slice %arg11[%dma_start3A_1101] : memref<16x!tpu.dma_semaphore, #tpu.memory_space<semaphore_mem>> -> memref<1x!tpu.dma_semaphore, #tpu.memory_space<semaphore_mem>>
        %dma_start3A_1113 = tpu.memref_squeeze %dma_start3A_1112 : memref<1x!tpu.dma_semaphore, #tpu.memory_space<semaphore_mem>> -> memref<!tpu.dma_semaphore, #tpu.memory_space<semaphore_mem>>
        tpu.enqueue_indirect_dma source(%dma_start3A_1111 : memref<10112x32xf32, #tpu.memory_space<vmem_shared>>) target(%dma_start3A_1105 : memref<128x32xf32, #tpu.memory_space<vmem>>) offsets(%dma_start3A_1108 : memref<128xi32, #tpu.memory_space<vmem>>) semaphore(%dma_start3A_1113 : memref<!tpu.dma_semaphore, #tpu.memory_space<semaphore_mem>>)
        %mul3A_1114 = arith.constant 8 : i32
        %mul3A_1115 = arith.muli %add3A_1059, %mul3A_1114 : i32
        %add3A_1116 = arith.constant 3 : i32
        %add3A_1117 = arith.addi %mul3A_1115, %add3A_1116 : i32
        %dma_start3A_1118 = arith.constant 3 : i32
        %dma_start3A_1119 = arith.constant 3 : i32
        %dma_start3A_1120 = arith.constant 0 : i32
        %dma_start3A_1121 = arith.constant 0 : i32
        %dma_start3A_1122 = tpu.memref_slice %arg9[%dma_start3A_1118, %dma_start3A_1120, %dma_start3A_1121] : memref<16x128x32xf32, #tpu.memory_space<vmem>> -> memref<1x128x32xf32, #tpu.memory_space<vmem>>
        %dma_start3A_1123 = tpu.memref_squeeze %dma_start3A_1122 : memref<1x128x32xf32, #tpu.memory_space<vmem>> -> memref<128x32xf32, #tpu.memory_space<vmem>>
        %dma_start3A_1124 = arith.constant 0 : i32
        %dma_start3A_1125 = tpu.memref_slice %arg7[%add3A_1117, %dma_start3A_1124] : memref<80x128xi32, #tpu.memory_space<vmem>> -> memref<1x128xi32, #tpu.memory_space<vmem>>
        %dma_start3A_1126 = tpu.memref_squeeze %dma_start3A_1125 : memref<1x128xi32, #tpu.memory_space<vmem>> -> memref<128xi32, #tpu.memory_space<vmem>>
        %dma_start3A_1127 = arith.constant 0 : i32
        %dma_start3A_1128 = arith.constant 0 : i32
        %dma_start3A_1129 = tpu.memref_slice %arg6[%dma_start3A_1127, %dma_start3A_1128] : memref<10112x32xf32, #tpu.memory_space<vmem_shared>> -> memref<10112x32xf32, #tpu.memory_space<vmem_shared>>
        %dma_start3A_1130 = tpu.memref_slice %arg11[%dma_start3A_1119] : memref<16x!tpu.dma_semaphore, #tpu.memory_space<semaphore_mem>> -> memref<1x!tpu.dma_semaphore, #tpu.memory_space<semaphore_mem>>
        %dma_start3A_1131 = tpu.memref_squeeze %dma_start3A_1130 : memref<1x!tpu.dma_semaphore, #tpu.memory_space<semaphore_mem>> -> memref<!tpu.dma_semaphore, #tpu.memory_space<semaphore_mem>>
        tpu.enqueue_indirect_dma source(%dma_start3A_1129 : memref<10112x32xf32, #tpu.memory_space<vmem_shared>>) target(%dma_start3A_1123 : memref<128x32xf32, #tpu.memory_space<vmem>>) offsets(%dma_start3A_1126 : memref<128xi32, #tpu.memory_space<vmem>>) semaphore(%dma_start3A_1131 : memref<!tpu.dma_semaphore, #tpu.memory_space<semaphore_mem>>)
        %mul3A_1132 = arith.constant 8 : i32
        %mul3A_1133 = arith.muli %add3A_1059, %mul3A_1132 : i32
        %add3A_1134 = arith.constant 4 : i32
        %add3A_1135 = arith.addi %mul3A_1133, %add3A_1134 : i32
        %dma_start3A_1136 = arith.constant 4 : i32
        %dma_start3A_1137 = arith.constant 4 : i32
        %dma_start3A_1138 = arith.constant 0 : i32
        %dma_start3A_1139 = arith.constant 0 : i32
        %dma_start3A_1140 = tpu.memref_slice %arg9[%dma_start3A_1136, %dma_start3A_1138, %dma_start3A_1139] : memref<16x128x32xf32, #tpu.memory_space<vmem>> -> memref<1x128x32xf32, #tpu.memory_space<vmem>>
        %dma_start3A_1141 = tpu.memref_squeeze %dma_start3A_1140 : memref<1x128x32xf32, #tpu.memory_space<vmem>> -> memref<128x32xf32, #tpu.memory_space<vmem>>
        %dma_start3A_1142 = arith.constant 0 : i32
        %dma_start3A_1143 = tpu.memref_slice %arg7[%add3A_1135, %dma_start3A_1142] : memref<80x128xi32, #tpu.memory_space<vmem>> -> memref<1x128xi32, #tpu.memory_space<vmem>>
        %dma_start3A_1144 = tpu.memref_squeeze %dma_start3A_1143 : memref<1x128xi32, #tpu.memory_space<vmem>> -> memref<128xi32, #tpu.memory_space<vmem>>
        %dma_start3A_1145 = arith.constant 0 : i32
        %dma_start3A_1146 = arith.constant 0 : i32
        %dma_start3A_1147 = tpu.memref_slice %arg6[%dma_start3A_1145, %dma_start3A_1146] : memref<10112x32xf32, #tpu.memory_space<vmem_shared>> -> memref<10112x32xf32, #tpu.memory_space<vmem_shared>>
        %dma_start3A_1148 = tpu.memref_slice %arg11[%dma_start3A_1137] : memref<16x!tpu.dma_semaphore, #tpu.memory_space<semaphore_mem>> -> memref<1x!tpu.dma_semaphore, #tpu.memory_space<semaphore_mem>>
        %dma_start3A_1149 = tpu.memref_squeeze %dma_start3A_1148 : memref<1x!tpu.dma_semaphore, #tpu.memory_space<semaphore_mem>> -> memref<!tpu.dma_semaphore, #tpu.memory_space<semaphore_mem>>
        tpu.enqueue_indirect_dma source(%dma_start3A_1147 : memref<10112x32xf32, #tpu.memory_space<vmem_shared>>) target(%dma_start3A_1141 : memref<128x32xf32, #tpu.memory_space<vmem>>) offsets(%dma_start3A_1144 : memref<128xi32, #tpu.memory_space<vmem>>) semaphore(%dma_start3A_1149 : memref<!tpu.dma_semaphore, #tpu.memory_space<semaphore_mem>>)
        %mul3A_1150 = arith.constant 8 : i32
        %mul3A_1151 = arith.muli %add3A_1059, %mul3A_1150 : i32
        %add3A_1152 = arith.constant 5 : i32
        %add3A_1153 = arith.addi %mul3A_1151, %add3A_1152 : i32
        %dma_start3A_1154 = arith.constant 5 : i32
        %dma_start3A_1155 = arith.constant 5 : i32
        %dma_start3A_1156 = arith.constant 0 : i32
        %dma_start3A_1157 = arith.constant 0 : i32
        %dma_start3A_1158 = tpu.memref_slice %arg9[%dma_start3A_1154, %dma_start3A_1156, %dma_start3A_1157] : memref<16x128x32xf32, #tpu.memory_space<vmem>> -> memref<1x128x32xf32, #tpu.memory_space<vmem>>
        %dma_start3A_1159 = tpu.memref_squeeze %dma_start3A_1158 : memref<1x128x32xf32, #tpu.memory_space<vmem>> -> memref<128x32xf32, #tpu.memory_space<vmem>>
        %dma_start3A_1160 = arith.constant 0 : i32
        %dma_start3A_1161 = tpu.memref_slice %arg7[%add3A_1153, %dma_start3A_1160] : memref<80x128xi32, #tpu.memory_space<vmem>> -> memref<1x128xi32, #tpu.memory_space<vmem>>
        %dma_start3A_1162 = tpu.memref_squeeze %dma_start3A_1161 : memref<1x128xi32, #tpu.memory_space<vmem>> -> memref<128xi32, #tpu.memory_space<vmem>>
        %dma_start3A_1163 = arith.constant 0 : i32
        %dma_start3A_1164 = arith.constant 0 : i32
        %dma_start3A_1165 = tpu.memref_slice %arg6[%dma_start3A_1163, %dma_start3A_1164] : memref<10112x32xf32, #tpu.memory_space<vmem_shared>> -> memref<10112x32xf32, #tpu.memory_space<vmem_shared>>
        %dma_start3A_1166 = tpu.memref_slice %arg11[%dma_start3A_1155] : memref<16x!tpu.dma_semaphore, #tpu.memory_space<semaphore_mem>> -> memref<1x!tpu.dma_semaphore, #tpu.memory_space<semaphore_mem>>
        %dma_start3A_1167 = tpu.memref_squeeze %dma_start3A_1166 : memref<1x!tpu.dma_semaphore, #tpu.memory_space<semaphore_mem>> -> memref<!tpu.dma_semaphore, #tpu.memory_space<semaphore_mem>>
        tpu.enqueue_indirect_dma source(%dma_start3A_1165 : memref<10112x32xf32, #tpu.memory_space<vmem_shared>>) target(%dma_start3A_1159 : memref<128x32xf32, #tpu.memory_space<vmem>>) offsets(%dma_start3A_1162 : memref<128xi32, #tpu.memory_space<vmem>>) semaphore(%dma_start3A_1167 : memref<!tpu.dma_semaphore, #tpu.memory_space<semaphore_mem>>)
        %mul3A_1168 = arith.constant 8 : i32
        %mul3A_1169 = arith.muli %add3A_1059, %mul3A_1168 : i32
        %add3A_1170 = arith.constant 6 : i32
        %add3A_1171 = arith.addi %mul3A_1169, %add3A_1170 : i32
        %dma_start3A_1172 = arith.constant 6 : i32
        %dma_start3A_1173 = arith.constant 6 : i32
        %dma_start3A_1174 = arith.constant 0 : i32
        %dma_start3A_1175 = arith.constant 0 : i32
        %dma_start3A_1176 = tpu.memref_slice %arg9[%dma_start3A_1172, %dma_start3A_1174, %dma_start3A_1175] : memref<16x128x32xf32, #tpu.memory_space<vmem>> -> memref<1x128x32xf32, #tpu.memory_space<vmem>>
        %dma_start3A_1177 = tpu.memref_squeeze %dma_start3A_1176 : memref<1x128x32xf32, #tpu.memory_space<vmem>> -> memref<128x32xf32, #tpu.memory_space<vmem>>
        %dma_start3A_1178 = arith.constant 0 : i32
        %dma_start3A_1179 = tpu.memref_slice %arg7[%add3A_1171, %dma_start3A_1178] : memref<80x128xi32, #tpu.memory_space<vmem>> -> memref<1x128xi32, #tpu.memory_space<vmem>>
        %dma_start3A_1180 = tpu.memref_squeeze %dma_start3A_1179 : memref<1x128xi32, #tpu.memory_space<vmem>> -> memref<128xi32, #tpu.memory_space<vmem>>
        %dma_start3A_1181 = arith.constant 0 : i32
        %dma_start3A_1182 = arith.constant 0 : i32
        %dma_start3A_1183 = tpu.memref_slice %arg6[%dma_start3A_1181, %dma_start3A_1182] : memref<10112x32xf32, #tpu.memory_space<vmem_shared>> -> memref<10112x32xf32, #tpu.memory_space<vmem_shared>>
        %dma_start3A_1184 = tpu.memref_slice %arg11[%dma_start3A_1173] : memref<16x!tpu.dma_semaphore, #tpu.memory_space<semaphore_mem>> -> memref<1x!tpu.dma_semaphore, #tpu.memory_space<semaphore_mem>>
        %dma_start3A_1185 = tpu.memref_squeeze %dma_start3A_1184 : memref<1x!tpu.dma_semaphore, #tpu.memory_space<semaphore_mem>> -> memref<!tpu.dma_semaphore, #tpu.memory_space<semaphore_mem>>
        tpu.enqueue_indirect_dma source(%dma_start3A_1183 : memref<10112x32xf32, #tpu.memory_space<vmem_shared>>) target(%dma_start3A_1177 : memref<128x32xf32, #tpu.memory_space<vmem>>) offsets(%dma_start3A_1180 : memref<128xi32, #tpu.memory_space<vmem>>) semaphore(%dma_start3A_1185 : memref<!tpu.dma_semaphore, #tpu.memory_space<semaphore_mem>>)
        %mul3A_1186 = arith.constant 8 : i32
        %mul3A_1187 = arith.muli %add3A_1059, %mul3A_1186 : i32
        %add3A_1188 = arith.constant 7 : i32
        %add3A_1189 = arith.addi %mul3A_1187, %add3A_1188 : i32
        %dma_start3A_1190 = arith.constant 7 : i32
        %dma_start3A_1191 = arith.constant 7 : i32
        %dma_start3A_1192 = arith.constant 0 : i32
        %dma_start3A_1193 = arith.constant 0 : i32
        %dma_start3A_1194 = tpu.memref_slice %arg9[%dma_start3A_1190, %dma_start3A_1192, %dma_start3A_1193] : memref<16x128x32xf32, #tpu.memory_space<vmem>> -> memref<1x128x32xf32, #tpu.memory_space<vmem>>
        %dma_start3A_1195 = tpu.memref_squeeze %dma_start3A_1194 : memref<1x128x32xf32, #tpu.memory_space<vmem>> -> memref<128x32xf32, #tpu.memory_space<vmem>>
        %dma_start3A_1196 = arith.constant 0 : i32
        %dma_start3A_1197 = tpu.memref_slice %arg7[%add3A_1189, %dma_start3A_1196] : memref<80x128xi32, #tpu.memory_space<vmem>> -> memref<1x128xi32, #tpu.memory_space<vmem>>
        %dma_start3A_1198 = tpu.memref_squeeze %dma_start3A_1197 : memref<1x128xi32, #tpu.memory_space<vmem>> -> memref<128xi32, #tpu.memory_space<vmem>>
        %dma_start3A_1199 = arith.constant 0 : i32
        %dma_start3A_1200 = arith.constant 0 : i32
        %dma_start3A_1201 = tpu.memref_slice %arg6[%dma_start3A_1199, %dma_start3A_1200] : memref<10112x32xf32, #tpu.memory_space<vmem_shared>> -> memref<10112x32xf32, #tpu.memory_space<vmem_shared>>
        %dma_start3A_1202 = tpu.memref_slice %arg11[%dma_start3A_1191] : memref<16x!tpu.dma_semaphore, #tpu.memory_space<semaphore_mem>> -> memref<1x!tpu.dma_semaphore, #tpu.memory_space<semaphore_mem>>
        %dma_start3A_1203 = tpu.memref_squeeze %dma_start3A_1202 : memref<1x!tpu.dma_semaphore, #tpu.memory_space<semaphore_mem>> -> memref<!tpu.dma_semaphore, #tpu.memory_space<semaphore_mem>>
        tpu.enqueue_indirect_dma source(%dma_start3A_1201 : memref<10112x32xf32, #tpu.memory_space<vmem_shared>>) target(%dma_start3A_1195 : memref<128x32xf32, #tpu.memory_space<vmem>>) offsets(%dma_start3A_1198 : memref<128xi32, #tpu.memory_space<vmem>>) semaphore(%dma_start3A_1203 : memref<!tpu.dma_semaphore, #tpu.memory_space<semaphore_mem>>)
      } else {
      }
      %mul3A_700 = arith.constant 2 : i32
      %mul3A_701 = arith.muli %mul3A_700, %scan3A_195 : i32
      %add3A_702 = arith.constant 1 : i32
      %add3A_703 = arith.addi %mul3A_701, %add3A_702 : i32
      %mul3A_704 = arith.constant 8 : i32
      %mul3A_705 = arith.muli %add3A_703, %mul3A_704 : i32
      %add3A_706 = arith.constant 0 : i32
      %add3A_707 = arith.addi %mul3A_705, %add3A_706 : i32
      %dma_wait3A_708 = arith.constant 8 : i32
      %dma_wait3A_709 = arith.constant 8 : i32
      %dma_wait3A_710 = arith.constant 0 : i32
      %dma_wait3A_711 = arith.constant 0 : i32
      %dma_wait3A_712 = tpu.memref_slice %arg9[%dma_wait3A_708, %dma_wait3A_710, %dma_wait3A_711] : memref<16x128x32xf32, #tpu.memory_space<vmem>> -> memref<1x128x32xf32, #tpu.memory_space<vmem>>
      %dma_wait3A_713 = tpu.memref_squeeze %dma_wait3A_712 : memref<1x128x32xf32, #tpu.memory_space<vmem>> -> memref<128x32xf32, #tpu.memory_space<vmem>>
      %dma_wait3A_714 = arith.constant 0 : i32
      %dma_wait3A_715 = tpu.memref_slice %arg7[%add3A_707, %dma_wait3A_714] : memref<80x128xi32, #tpu.memory_space<vmem>> -> memref<1x128xi32, #tpu.memory_space<vmem>>
      %dma_wait3A_716 = tpu.memref_squeeze %dma_wait3A_715 : memref<1x128xi32, #tpu.memory_space<vmem>> -> memref<128xi32, #tpu.memory_space<vmem>>
      %dma_wait3A_717 = arith.constant 0 : i32
      %dma_wait3A_718 = arith.constant 0 : i32
      %dma_wait3A_719 = tpu.memref_slice %arg6[%dma_wait3A_717, %dma_wait3A_718] : memref<10112x32xf32, #tpu.memory_space<vmem_shared>> -> memref<10112x32xf32, #tpu.memory_space<vmem_shared>>
      %dma_wait3A_720 = tpu.memref_slice %arg11[%dma_wait3A_709] : memref<16x!tpu.dma_semaphore, #tpu.memory_space<semaphore_mem>> -> memref<1x!tpu.dma_semaphore, #tpu.memory_space<semaphore_mem>>
      %dma_wait3A_721 = tpu.memref_squeeze %dma_wait3A_720 : memref<1x!tpu.dma_semaphore, #tpu.memory_space<semaphore_mem>> -> memref<!tpu.dma_semaphore, #tpu.memory_space<semaphore_mem>>
      tpu.wait_indirect_dma semaphore(%dma_wait3A_721 : memref<!tpu.dma_semaphore, #tpu.memory_space<semaphore_mem>>) src(%dma_wait3A_719 : memref<10112x32xf32, #tpu.memory_space<vmem_shared>>) dst(%dma_wait3A_713 : memref<128x32xf32, #tpu.memory_space<vmem>>)
      %mul3A_722 = arith.constant 8 : i32
      %mul3A_723 = arith.muli %add3A_703, %mul3A_722 : i32
      %add3A_724 = arith.constant 0 : i32
      %add3A_725 = arith.addi %mul3A_723, %add3A_724 : i32
      %dma_start3A_726 = arith.constant 8 : i32
      %dma_start3A_727 = arith.constant 0 : i32
      %dma_start3A_728 = arith.constant 0 : i32
      %dma_start3A_729 = tpu.memref_slice %arg9[%dma_start3A_726, %dma_start3A_727, %dma_start3A_728] : memref<16x128x32xf32, #tpu.memory_space<vmem>> -> memref<1x128x32xf32, #tpu.memory_space<vmem>>
      %dma_start3A_730 = tpu.memref_squeeze %dma_start3A_729 : memref<1x128x32xf32, #tpu.memory_space<vmem>> -> memref<128x32xf32, #tpu.memory_space<vmem>>
      %dma_start3A_731 = arith.constant 0 : i32
      %dma_start3A_732 = tpu.memref_slice %arg8[%add3A_725, %dma_start3A_731] : memref<80x128xi32, #tpu.memory_space<vmem>> -> memref<1x128xi32, #tpu.memory_space<vmem>>
      %dma_start3A_733 = tpu.memref_squeeze %dma_start3A_732 : memref<1x128xi32, #tpu.memory_space<vmem>> -> memref<128xi32, #tpu.memory_space<vmem>>
      %dma_start3A_734 = arith.constant 0 : i32
      %dma_start3A_735 = arith.constant 0 : i32
      %dma_start3A_736 = tpu.memref_slice %arg5[%dma_start3A_734, %dma_start3A_735] : memref<10112x32xf32, #tpu.memory_space<vmem_shared>> -> memref<10112x32xf32, #tpu.memory_space<vmem_shared>>
      tpu.enqueue_indirect_dma source(%dma_start3A_730 : memref<128x32xf32, #tpu.memory_space<vmem>>) target(%dma_start3A_736 : memref<10112x32xf32, #tpu.memory_space<vmem_shared>>) offsets(%dma_start3A_733 : memref<128xi32, #tpu.memory_space<vmem>>) semaphore(%arg13 : memref<!tpu.dma_semaphore, #tpu.memory_space<semaphore_mem>>) {add = true}
      %mul3A_737 = arith.constant 8 : i32
      %mul3A_738 = arith.muli %add3A_703, %mul3A_737 : i32
      %add3A_739 = arith.constant 1 : i32
      %add3A_740 = arith.addi %mul3A_738, %add3A_739 : i32
      %dma_wait3A_741 = arith.constant 9 : i32
      %dma_wait3A_742 = arith.constant 9 : i32
      %dma_wait3A_743 = arith.constant 0 : i32
      %dma_wait3A_744 = arith.constant 0 : i32
      %dma_wait3A_745 = tpu.memref_slice %arg9[%dma_wait3A_741, %dma_wait3A_743, %dma_wait3A_744] : memref<16x128x32xf32, #tpu.memory_space<vmem>> -> memref<1x128x32xf32, #tpu.memory_space<vmem>>
      %dma_wait3A_746 = tpu.memref_squeeze %dma_wait3A_745 : memref<1x128x32xf32, #tpu.memory_space<vmem>> -> memref<128x32xf32, #tpu.memory_space<vmem>>
      %dma_wait3A_747 = arith.constant 0 : i32
      %dma_wait3A_748 = tpu.memref_slice %arg7[%add3A_740, %dma_wait3A_747] : memref<80x128xi32, #tpu.memory_space<vmem>> -> memref<1x128xi32, #tpu.memory_space<vmem>>
      %dma_wait3A_749 = tpu.memref_squeeze %dma_wait3A_748 : memref<1x128xi32, #tpu.memory_space<vmem>> -> memref<128xi32, #tpu.memory_space<vmem>>
      %dma_wait3A_750 = arith.constant 0 : i32
      %dma_wait3A_751 = arith.constant 0 : i32
      %dma_wait3A_752 = tpu.memref_slice %arg6[%dma_wait3A_750, %dma_wait3A_751] : memref<10112x32xf32, #tpu.memory_space<vmem_shared>> -> memref<10112x32xf32, #tpu.memory_space<vmem_shared>>
      %dma_wait3A_753 = tpu.memref_slice %arg11[%dma_wait3A_742] : memref<16x!tpu.dma_semaphore, #tpu.memory_space<semaphore_mem>> -> memref<1x!tpu.dma_semaphore, #tpu.memory_space<semaphore_mem>>
      %dma_wait3A_754 = tpu.memref_squeeze %dma_wait3A_753 : memref<1x!tpu.dma_semaphore, #tpu.memory_space<semaphore_mem>> -> memref<!tpu.dma_semaphore, #tpu.memory_space<semaphore_mem>>
      tpu.wait_indirect_dma semaphore(%dma_wait3A_754 : memref<!tpu.dma_semaphore, #tpu.memory_space<semaphore_mem>>) src(%dma_wait3A_752 : memref<10112x32xf32, #tpu.memory_space<vmem_shared>>) dst(%dma_wait3A_746 : memref<128x32xf32, #tpu.memory_space<vmem>>)
      %mul3A_755 = arith.constant 8 : i32
      %mul3A_756 = arith.muli %add3A_703, %mul3A_755 : i32
      %add3A_757 = arith.constant 1 : i32
      %add3A_758 = arith.addi %mul3A_756, %add3A_757 : i32
      %dma_start3A_759 = arith.constant 9 : i32
      %dma_start3A_760 = arith.constant 0 : i32
      %dma_start3A_761 = arith.constant 0 : i32
      %dma_start3A_762 = tpu.memref_slice %arg9[%dma_start3A_759, %dma_start3A_760, %dma_start3A_761] : memref<16x128x32xf32, #tpu.memory_space<vmem>> -> memref<1x128x32xf32, #tpu.memory_space<vmem>>
      %dma_start3A_763 = tpu.memref_squeeze %dma_start3A_762 : memref<1x128x32xf32, #tpu.memory_space<vmem>> -> memref<128x32xf32, #tpu.memory_space<vmem>>
      %dma_start3A_764 = arith.constant 0 : i32
      %dma_start3A_765 = tpu.memref_slice %arg8[%add3A_758, %dma_start3A_764] : memref<80x128xi32, #tpu.memory_space<vmem>> -> memref<1x128xi32, #tpu.memory_space<vmem>>
      %dma_start3A_766 = tpu.memref_squeeze %dma_start3A_765 : memref<1x128xi32, #tpu.memory_space<vmem>> -> memref<128xi32, #tpu.memory_space<vmem>>
      %dma_start3A_767 = arith.constant 0 : i32
      %dma_start3A_768 = arith.constant 0 : i32
      %dma_start3A_769 = tpu.memref_slice %arg5[%dma_start3A_767, %dma_start3A_768] : memref<10112x32xf32, #tpu.memory_space<vmem_shared>> -> memref<10112x32xf32, #tpu.memory_space<vmem_shared>>
      tpu.enqueue_indirect_dma source(%dma_start3A_763 : memref<128x32xf32, #tpu.memory_space<vmem>>) target(%dma_start3A_769 : memref<10112x32xf32, #tpu.memory_space<vmem_shared>>) offsets(%dma_start3A_766 : memref<128xi32, #tpu.memory_space<vmem>>) semaphore(%arg13 : memref<!tpu.dma_semaphore, #tpu.memory_space<semaphore_mem>>) {add = true}
      %mul3A_770 = arith.constant 8 : i32
      %mul3A_771 = arith.muli %add3A_703, %mul3A_770 : i32
      %add3A_772 = arith.constant 2 : i32
      %add3A_773 = arith.addi %mul3A_771, %add3A_772 : i32
      %dma_wait3A_774 = arith.constant 10 : i32
      %dma_wait3A_775 = arith.constant 10 : i32
      %dma_wait3A_776 = arith.constant 0 : i32
      %dma_wait3A_777 = arith.constant 0 : i32
      %dma_wait3A_778 = tpu.memref_slice %arg9[%dma_wait3A_774, %dma_wait3A_776, %dma_wait3A_777] : memref<16x128x32xf32, #tpu.memory_space<vmem>> -> memref<1x128x32xf32, #tpu.memory_space<vmem>>
      %dma_wait3A_779 = tpu.memref_squeeze %dma_wait3A_778 : memref<1x128x32xf32, #tpu.memory_space<vmem>> -> memref<128x32xf32, #tpu.memory_space<vmem>>
      %dma_wait3A_780 = arith.constant 0 : i32
      %dma_wait3A_781 = tpu.memref_slice %arg7[%add3A_773, %dma_wait3A_780] : memref<80x128xi32, #tpu.memory_space<vmem>> -> memref<1x128xi32, #tpu.memory_space<vmem>>
      %dma_wait3A_782 = tpu.memref_squeeze %dma_wait3A_781 : memref<1x128xi32, #tpu.memory_space<vmem>> -> memref<128xi32, #tpu.memory_space<vmem>>
      %dma_wait3A_783 = arith.constant 0 : i32
      %dma_wait3A_784 = arith.constant 0 : i32
      %dma_wait3A_785 = tpu.memref_slice %arg6[%dma_wait3A_783, %dma_wait3A_784] : memref<10112x32xf32, #tpu.memory_space<vmem_shared>> -> memref<10112x32xf32, #tpu.memory_space<vmem_shared>>
      %dma_wait3A_786 = tpu.memref_slice %arg11[%dma_wait3A_775] : memref<16x!tpu.dma_semaphore, #tpu.memory_space<semaphore_mem>> -> memref<1x!tpu.dma_semaphore, #tpu.memory_space<semaphore_mem>>
      %dma_wait3A_787 = tpu.memref_squeeze %dma_wait3A_786 : memref<1x!tpu.dma_semaphore, #tpu.memory_space<semaphore_mem>> -> memref<!tpu.dma_semaphore, #tpu.memory_space<semaphore_mem>>
      tpu.wait_indirect_dma semaphore(%dma_wait3A_787 : memref<!tpu.dma_semaphore, #tpu.memory_space<semaphore_mem>>) src(%dma_wait3A_785 : memref<10112x32xf32, #tpu.memory_space<vmem_shared>>) dst(%dma_wait3A_779 : memref<128x32xf32, #tpu.memory_space<vmem>>)
      %mul3A_788 = arith.constant 8 : i32
      %mul3A_789 = arith.muli %add3A_703, %mul3A_788 : i32
      %add3A_790 = arith.constant 2 : i32
      %add3A_791 = arith.addi %mul3A_789, %add3A_790 : i32
      %dma_start3A_792 = arith.constant 10 : i32
      %dma_start3A_793 = arith.constant 0 : i32
      %dma_start3A_794 = arith.constant 0 : i32
      %dma_start3A_795 = tpu.memref_slice %arg9[%dma_start3A_792, %dma_start3A_793, %dma_start3A_794] : memref<16x128x32xf32, #tpu.memory_space<vmem>> -> memref<1x128x32xf32, #tpu.memory_space<vmem>>
      %dma_start3A_796 = tpu.memref_squeeze %dma_start3A_795 : memref<1x128x32xf32, #tpu.memory_space<vmem>> -> memref<128x32xf32, #tpu.memory_space<vmem>>
      %dma_start3A_797 = arith.constant 0 : i32
      %dma_start3A_798 = tpu.memref_slice %arg8[%add3A_791, %dma_start3A_797] : memref<80x128xi32, #tpu.memory_space<vmem>> -> memref<1x128xi32, #tpu.memory_space<vmem>>
      %dma_start3A_799 = tpu.memref_squeeze %dma_start3A_798 : memref<1x128xi32, #tpu.memory_space<vmem>> -> memref<128xi32, #tpu.memory_space<vmem>>
      %dma_start3A_800 = arith.constant 0 : i32
      %dma_start3A_801 = arith.constant 0 : i32
      %dma_start3A_802 = tpu.memref_slice %arg5[%dma_start3A_800, %dma_start3A_801] : memref<10112x32xf32, #tpu.memory_space<vmem_shared>> -> memref<10112x32xf32, #tpu.memory_space<vmem_shared>>
      tpu.enqueue_indirect_dma source(%dma_start3A_796 : memref<128x32xf32, #tpu.memory_space<vmem>>) target(%dma_start3A_802 : memref<10112x32xf32, #tpu.memory_space<vmem_shared>>) offsets(%dma_start3A_799 : memref<128xi32, #tpu.memory_space<vmem>>) semaphore(%arg13 : memref<!tpu.dma_semaphore, #tpu.memory_space<semaphore_mem>>) {add = true}
      %mul3A_803 = arith.constant 8 : i32
      %mul3A_804 = arith.muli %add3A_703, %mul3A_803 : i32
      %add3A_805 = arith.constant 3 : i32
      %add3A_806 = arith.addi %mul3A_804, %add3A_805 : i32
      %dma_wait3A_807 = arith.constant 11 : i32
      %dma_wait3A_808 = arith.constant 11 : i32
      %dma_wait3A_809 = arith.constant 0 : i32
      %dma_wait3A_810 = arith.constant 0 : i32
      %dma_wait3A_811 = tpu.memref_slice %arg9[%dma_wait3A_807, %dma_wait3A_809, %dma_wait3A_810] : memref<16x128x32xf32, #tpu.memory_space<vmem>> -> memref<1x128x32xf32, #tpu.memory_space<vmem>>
      %dma_wait3A_812 = tpu.memref_squeeze %dma_wait3A_811 : memref<1x128x32xf32, #tpu.memory_space<vmem>> -> memref<128x32xf32, #tpu.memory_space<vmem>>
      %dma_wait3A_813 = arith.constant 0 : i32
      %dma_wait3A_814 = tpu.memref_slice %arg7[%add3A_806, %dma_wait3A_813] : memref<80x128xi32, #tpu.memory_space<vmem>> -> memref<1x128xi32, #tpu.memory_space<vmem>>
      %dma_wait3A_815 = tpu.memref_squeeze %dma_wait3A_814 : memref<1x128xi32, #tpu.memory_space<vmem>> -> memref<128xi32, #tpu.memory_space<vmem>>
      %dma_wait3A_816 = arith.constant 0 : i32
      %dma_wait3A_817 = arith.constant 0 : i32
      %dma_wait3A_818 = tpu.memref_slice %arg6[%dma_wait3A_816, %dma_wait3A_817] : memref<10112x32xf32, #tpu.memory_space<vmem_shared>> -> memref<10112x32xf32, #tpu.memory_space<vmem_shared>>
      %dma_wait3A_819 = tpu.memref_slice %arg11[%dma_wait3A_808] : memref<16x!tpu.dma_semaphore, #tpu.memory_space<semaphore_mem>> -> memref<1x!tpu.dma_semaphore, #tpu.memory_space<semaphore_mem>>
      %dma_wait3A_820 = tpu.memref_squeeze %dma_wait3A_819 : memref<1x!tpu.dma_semaphore, #tpu.memory_space<semaphore_mem>> -> memref<!tpu.dma_semaphore, #tpu.memory_space<semaphore_mem>>
      tpu.wait_indirect_dma semaphore(%dma_wait3A_820 : memref<!tpu.dma_semaphore, #tpu.memory_space<semaphore_mem>>) src(%dma_wait3A_818 : memref<10112x32xf32, #tpu.memory_space<vmem_shared>>) dst(%dma_wait3A_812 : memref<128x32xf32, #tpu.memory_space<vmem>>)
      %mul3A_821 = arith.constant 8 : i32
      %mul3A_822 = arith.muli %add3A_703, %mul3A_821 : i32
      %add3A_823 = arith.constant 3 : i32
      %add3A_824 = arith.addi %mul3A_822, %add3A_823 : i32
      %dma_start3A_825 = arith.constant 11 : i32
      %dma_start3A_826 = arith.constant 0 : i32
      %dma_start3A_827 = arith.constant 0 : i32
      %dma_start3A_828 = tpu.memref_slice %arg9[%dma_start3A_825, %dma_start3A_826, %dma_start3A_827] : memref<16x128x32xf32, #tpu.memory_space<vmem>> -> memref<1x128x32xf32, #tpu.memory_space<vmem>>
      %dma_start3A_829 = tpu.memref_squeeze %dma_start3A_828 : memref<1x128x32xf32, #tpu.memory_space<vmem>> -> memref<128x32xf32, #tpu.memory_space<vmem>>
      %dma_start3A_830 = arith.constant 0 : i32
      %dma_start3A_831 = tpu.memref_slice %arg8[%add3A_824, %dma_start3A_830] : memref<80x128xi32, #tpu.memory_space<vmem>> -> memref<1x128xi32, #tpu.memory_space<vmem>>
      %dma_start3A_832 = tpu.memref_squeeze %dma_start3A_831 : memref<1x128xi32, #tpu.memory_space<vmem>> -> memref<128xi32, #tpu.memory_space<vmem>>
      %dma_start3A_833 = arith.constant 0 : i32
      %dma_start3A_834 = arith.constant 0 : i32
      %dma_start3A_835 = tpu.memref_slice %arg5[%dma_start3A_833, %dma_start3A_834] : memref<10112x32xf32, #tpu.memory_space<vmem_shared>> -> memref<10112x32xf32, #tpu.memory_space<vmem_shared>>
      tpu.enqueue_indirect_dma source(%dma_start3A_829 : memref<128x32xf32, #tpu.memory_space<vmem>>) target(%dma_start3A_835 : memref<10112x32xf32, #tpu.memory_space<vmem_shared>>) offsets(%dma_start3A_832 : memref<128xi32, #tpu.memory_space<vmem>>) semaphore(%arg13 : memref<!tpu.dma_semaphore, #tpu.memory_space<semaphore_mem>>) {add = true}
      %mul3A_836 = arith.constant 8 : i32
      %mul3A_837 = arith.muli %add3A_703, %mul3A_836 : i32
      %add3A_838 = arith.constant 4 : i32
      %add3A_839 = arith.addi %mul3A_837, %add3A_838 : i32
      %dma_wait3A_840 = arith.constant 12 : i32
      %dma_wait3A_841 = arith.constant 12 : i32
      %dma_wait3A_842 = arith.constant 0 : i32
      %dma_wait3A_843 = arith.constant 0 : i32
      %dma_wait3A_844 = tpu.memref_slice %arg9[%dma_wait3A_840, %dma_wait3A_842, %dma_wait3A_843] : memref<16x128x32xf32, #tpu.memory_space<vmem>> -> memref<1x128x32xf32, #tpu.memory_space<vmem>>
      %dma_wait3A_845 = tpu.memref_squeeze %dma_wait3A_844 : memref<1x128x32xf32, #tpu.memory_space<vmem>> -> memref<128x32xf32, #tpu.memory_space<vmem>>
      %dma_wait3A_846 = arith.constant 0 : i32
      %dma_wait3A_847 = tpu.memref_slice %arg7[%add3A_839, %dma_wait3A_846] : memref<80x128xi32, #tpu.memory_space<vmem>> -> memref<1x128xi32, #tpu.memory_space<vmem>>
      %dma_wait3A_848 = tpu.memref_squeeze %dma_wait3A_847 : memref<1x128xi32, #tpu.memory_space<vmem>> -> memref<128xi32, #tpu.memory_space<vmem>>
      %dma_wait3A_849 = arith.constant 0 : i32
      %dma_wait3A_850 = arith.constant 0 : i32
      %dma_wait3A_851 = tpu.memref_slice %arg6[%dma_wait3A_849, %dma_wait3A_850] : memref<10112x32xf32, #tpu.memory_space<vmem_shared>> -> memref<10112x32xf32, #tpu.memory_space<vmem_shared>>
      %dma_wait3A_852 = tpu.memref_slice %arg11[%dma_wait3A_841] : memref<16x!tpu.dma_semaphore, #tpu.memory_space<semaphore_mem>> -> memref<1x!tpu.dma_semaphore, #tpu.memory_space<semaphore_mem>>
      %dma_wait3A_853 = tpu.memref_squeeze %dma_wait3A_852 : memref<1x!tpu.dma_semaphore, #tpu.memory_space<semaphore_mem>> -> memref<!tpu.dma_semaphore, #tpu.memory_space<semaphore_mem>>
      tpu.wait_indirect_dma semaphore(%dma_wait3A_853 : memref<!tpu.dma_semaphore, #tpu.memory_space<semaphore_mem>>) src(%dma_wait3A_851 : memref<10112x32xf32, #tpu.memory_space<vmem_shared>>) dst(%dma_wait3A_845 : memref<128x32xf32, #tpu.memory_space<vmem>>)
      %mul3A_854 = arith.constant 8 : i32
      %mul3A_855 = arith.muli %add3A_703, %mul3A_854 : i32
      %add3A_856 = arith.constant 4 : i32
      %add3A_857 = arith.addi %mul3A_855, %add3A_856 : i32
      %dma_start3A_858 = arith.constant 12 : i32
      %dma_start3A_859 = arith.constant 0 : i32
      %dma_start3A_860 = arith.constant 0 : i32
      %dma_start3A_861 = tpu.memref_slice %arg9[%dma_start3A_858, %dma_start3A_859, %dma_start3A_860] : memref<16x128x32xf32, #tpu.memory_space<vmem>> -> memref<1x128x32xf32, #tpu.memory_space<vmem>>
      %dma_start3A_862 = tpu.memref_squeeze %dma_start3A_861 : memref<1x128x32xf32, #tpu.memory_space<vmem>> -> memref<128x32xf32, #tpu.memory_space<vmem>>
      %dma_start3A_863 = arith.constant 0 : i32
      %dma_start3A_864 = tpu.memref_slice %arg8[%add3A_857, %dma_start3A_863] : memref<80x128xi32, #tpu.memory_space<vmem>> -> memref<1x128xi32, #tpu.memory_space<vmem>>
      %dma_start3A_865 = tpu.memref_squeeze %dma_start3A_864 : memref<1x128xi32, #tpu.memory_space<vmem>> -> memref<128xi32, #tpu.memory_space<vmem>>
      %dma_start3A_866 = arith.constant 0 : i32
      %dma_start3A_867 = arith.constant 0 : i32
      %dma_start3A_868 = tpu.memref_slice %arg5[%dma_start3A_866, %dma_start3A_867] : memref<10112x32xf32, #tpu.memory_space<vmem_shared>> -> memref<10112x32xf32, #tpu.memory_space<vmem_shared>>
      tpu.enqueue_indirect_dma source(%dma_start3A_862 : memref<128x32xf32, #tpu.memory_space<vmem>>) target(%dma_start3A_868 : memref<10112x32xf32, #tpu.memory_space<vmem_shared>>) offsets(%dma_start3A_865 : memref<128xi32, #tpu.memory_space<vmem>>) semaphore(%arg13 : memref<!tpu.dma_semaphore, #tpu.memory_space<semaphore_mem>>) {add = true}
      %mul3A_869 = arith.constant 8 : i32
      %mul3A_870 = arith.muli %add3A_703, %mul3A_869 : i32
      %add3A_871 = arith.constant 5 : i32
      %add3A_872 = arith.addi %mul3A_870, %add3A_871 : i32
      %dma_wait3A_873 = arith.constant 13 : i32
      %dma_wait3A_874 = arith.constant 13 : i32
      %dma_wait3A_875 = arith.constant 0 : i32
      %dma_wait3A_876 = arith.constant 0 : i32
      %dma_wait3A_877 = tpu.memref_slice %arg9[%dma_wait3A_873, %dma_wait3A_875, %dma_wait3A_876] : memref<16x128x32xf32, #tpu.memory_space<vmem>> -> memref<1x128x32xf32, #tpu.memory_space<vmem>>
      %dma_wait3A_878 = tpu.memref_squeeze %dma_wait3A_877 : memref<1x128x32xf32, #tpu.memory_space<vmem>> -> memref<128x32xf32, #tpu.memory_space<vmem>>
      %dma_wait3A_879 = arith.constant 0 : i32
      %dma_wait3A_880 = tpu.memref_slice %arg7[%add3A_872, %dma_wait3A_879] : memref<80x128xi32, #tpu.memory_space<vmem>> -> memref<1x128xi32, #tpu.memory_space<vmem>>
      %dma_wait3A_881 = tpu.memref_squeeze %dma_wait3A_880 : memref<1x128xi32, #tpu.memory_space<vmem>> -> memref<128xi32, #tpu.memory_space<vmem>>
      %dma_wait3A_882 = arith.constant 0 : i32
      %dma_wait3A_883 = arith.constant 0 : i32
      %dma_wait3A_884 = tpu.memref_slice %arg6[%dma_wait3A_882, %dma_wait3A_883] : memref<10112x32xf32, #tpu.memory_space<vmem_shared>> -> memref<10112x32xf32, #tpu.memory_space<vmem_shared>>
      %dma_wait3A_885 = tpu.memref_slice %arg11[%dma_wait3A_874] : memref<16x!tpu.dma_semaphore, #tpu.memory_space<semaphore_mem>> -> memref<1x!tpu.dma_semaphore, #tpu.memory_space<semaphore_mem>>
      %dma_wait3A_886 = tpu.memref_squeeze %dma_wait3A_885 : memref<1x!tpu.dma_semaphore, #tpu.memory_space<semaphore_mem>> -> memref<!tpu.dma_semaphore, #tpu.memory_space<semaphore_mem>>
      tpu.wait_indirect_dma semaphore(%dma_wait3A_886 : memref<!tpu.dma_semaphore, #tpu.memory_space<semaphore_mem>>) src(%dma_wait3A_884 : memref<10112x32xf32, #tpu.memory_space<vmem_shared>>) dst(%dma_wait3A_878 : memref<128x32xf32, #tpu.memory_space<vmem>>)
      %mul3A_887 = arith.constant 8 : i32
      %mul3A_888 = arith.muli %add3A_703, %mul3A_887 : i32
      %add3A_889 = arith.constant 5 : i32
      %add3A_890 = arith.addi %mul3A_888, %add3A_889 : i32
      %dma_start3A_891 = arith.constant 13 : i32
      %dma_start3A_892 = arith.constant 0 : i32
      %dma_start3A_893 = arith.constant 0 : i32
      %dma_start3A_894 = tpu.memref_slice %arg9[%dma_start3A_891, %dma_start3A_892, %dma_start3A_893] : memref<16x128x32xf32, #tpu.memory_space<vmem>> -> memref<1x128x32xf32, #tpu.memory_space<vmem>>
      %dma_start3A_895 = tpu.memref_squeeze %dma_start3A_894 : memref<1x128x32xf32, #tpu.memory_space<vmem>> -> memref<128x32xf32, #tpu.memory_space<vmem>>
      %dma_start3A_896 = arith.constant 0 : i32
      %dma_start3A_897 = tpu.memref_slice %arg8[%add3A_890, %dma_start3A_896] : memref<80x128xi32, #tpu.memory_space<vmem>> -> memref<1x128xi32, #tpu.memory_space<vmem>>
      %dma_start3A_898 = tpu.memref_squeeze %dma_start3A_897 : memref<1x128xi32, #tpu.memory_space<vmem>> -> memref<128xi32, #tpu.memory_space<vmem>>
      %dma_start3A_899 = arith.constant 0 : i32
      %dma_start3A_900 = arith.constant 0 : i32
      %dma_start3A_901 = tpu.memref_slice %arg5[%dma_start3A_899, %dma_start3A_900] : memref<10112x32xf32, #tpu.memory_space<vmem_shared>> -> memref<10112x32xf32, #tpu.memory_space<vmem_shared>>
      tpu.enqueue_indirect_dma source(%dma_start3A_895 : memref<128x32xf32, #tpu.memory_space<vmem>>) target(%dma_start3A_901 : memref<10112x32xf32, #tpu.memory_space<vmem_shared>>) offsets(%dma_start3A_898 : memref<128xi32, #tpu.memory_space<vmem>>) semaphore(%arg13 : memref<!tpu.dma_semaphore, #tpu.memory_space<semaphore_mem>>) {add = true}
      %mul3A_902 = arith.constant 8 : i32
      %mul3A_903 = arith.muli %add3A_703, %mul3A_902 : i32
      %add3A_904 = arith.constant 6 : i32
      %add3A_905 = arith.addi %mul3A_903, %add3A_904 : i32
      %dma_wait3A_906 = arith.constant 14 : i32
      %dma_wait3A_907 = arith.constant 14 : i32
      %dma_wait3A_908 = arith.constant 0 : i32
      %dma_wait3A_909 = arith.constant 0 : i32
      %dma_wait3A_910 = tpu.memref_slice %arg9[%dma_wait3A_906, %dma_wait3A_908, %dma_wait3A_909] : memref<16x128x32xf32, #tpu.memory_space<vmem>> -> memref<1x128x32xf32, #tpu.memory_space<vmem>>
      %dma_wait3A_911 = tpu.memref_squeeze %dma_wait3A_910 : memref<1x128x32xf32, #tpu.memory_space<vmem>> -> memref<128x32xf32, #tpu.memory_space<vmem>>
      %dma_wait3A_912 = arith.constant 0 : i32
      %dma_wait3A_913 = tpu.memref_slice %arg7[%add3A_905, %dma_wait3A_912] : memref<80x128xi32, #tpu.memory_space<vmem>> -> memref<1x128xi32, #tpu.memory_space<vmem>>
      %dma_wait3A_914 = tpu.memref_squeeze %dma_wait3A_913 : memref<1x128xi32, #tpu.memory_space<vmem>> -> memref<128xi32, #tpu.memory_space<vmem>>
      %dma_wait3A_915 = arith.constant 0 : i32
      %dma_wait3A_916 = arith.constant 0 : i32
      %dma_wait3A_917 = tpu.memref_slice %arg6[%dma_wait3A_915, %dma_wait3A_916] : memref<10112x32xf32, #tpu.memory_space<vmem_shared>> -> memref<10112x32xf32, #tpu.memory_space<vmem_shared>>
      %dma_wait3A_918 = tpu.memref_slice %arg11[%dma_wait3A_907] : memref<16x!tpu.dma_semaphore, #tpu.memory_space<semaphore_mem>> -> memref<1x!tpu.dma_semaphore, #tpu.memory_space<semaphore_mem>>
      %dma_wait3A_919 = tpu.memref_squeeze %dma_wait3A_918 : memref<1x!tpu.dma_semaphore, #tpu.memory_space<semaphore_mem>> -> memref<!tpu.dma_semaphore, #tpu.memory_space<semaphore_mem>>
      tpu.wait_indirect_dma semaphore(%dma_wait3A_919 : memref<!tpu.dma_semaphore, #tpu.memory_space<semaphore_mem>>) src(%dma_wait3A_917 : memref<10112x32xf32, #tpu.memory_space<vmem_shared>>) dst(%dma_wait3A_911 : memref<128x32xf32, #tpu.memory_space<vmem>>)
      %mul3A_920 = arith.constant 8 : i32
      %mul3A_921 = arith.muli %add3A_703, %mul3A_920 : i32
      %add3A_922 = arith.constant 6 : i32
      %add3A_923 = arith.addi %mul3A_921, %add3A_922 : i32
      %dma_start3A_924 = arith.constant 14 : i32
      %dma_start3A_925 = arith.constant 0 : i32
      %dma_start3A_926 = arith.constant 0 : i32
      %dma_start3A_927 = tpu.memref_slice %arg9[%dma_start3A_924, %dma_start3A_925, %dma_start3A_926] : memref<16x128x32xf32, #tpu.memory_space<vmem>> -> memref<1x128x32xf32, #tpu.memory_space<vmem>>
      %dma_start3A_928 = tpu.memref_squeeze %dma_start3A_927 : memref<1x128x32xf32, #tpu.memory_space<vmem>> -> memref<128x32xf32, #tpu.memory_space<vmem>>
      %dma_start3A_929 = arith.constant 0 : i32
      %dma_start3A_930 = tpu.memref_slice %arg8[%add3A_923, %dma_start3A_929] : memref<80x128xi32, #tpu.memory_space<vmem>> -> memref<1x128xi32, #tpu.memory_space<vmem>>
      %dma_start3A_931 = tpu.memref_squeeze %dma_start3A_930 : memref<1x128xi32, #tpu.memory_space<vmem>> -> memref<128xi32, #tpu.memory_space<vmem>>
      %dma_start3A_932 = arith.constant 0 : i32
      %dma_start3A_933 = arith.constant 0 : i32
      %dma_start3A_934 = tpu.memref_slice %arg5[%dma_start3A_932, %dma_start3A_933] : memref<10112x32xf32, #tpu.memory_space<vmem_shared>> -> memref<10112x32xf32, #tpu.memory_space<vmem_shared>>
      tpu.enqueue_indirect_dma source(%dma_start3A_928 : memref<128x32xf32, #tpu.memory_space<vmem>>) target(%dma_start3A_934 : memref<10112x32xf32, #tpu.memory_space<vmem_shared>>) offsets(%dma_start3A_931 : memref<128xi32, #tpu.memory_space<vmem>>) semaphore(%arg13 : memref<!tpu.dma_semaphore, #tpu.memory_space<semaphore_mem>>) {add = true}
      %mul3A_935 = arith.constant 8 : i32
      %mul3A_936 = arith.muli %add3A_703, %mul3A_935 : i32
      %add3A_937 = arith.constant 7 : i32
      %add3A_938 = arith.addi %mul3A_936, %add3A_937 : i32
      %dma_wait3A_939 = arith.constant 15 : i32
      %dma_wait3A_940 = arith.constant 15 : i32
      %dma_wait3A_941 = arith.constant 0 : i32
      %dma_wait3A_942 = arith.constant 0 : i32
      %dma_wait3A_943 = tpu.memref_slice %arg9[%dma_wait3A_939, %dma_wait3A_941, %dma_wait3A_942] : memref<16x128x32xf32, #tpu.memory_space<vmem>> -> memref<1x128x32xf32, #tpu.memory_space<vmem>>
      %dma_wait3A_944 = tpu.memref_squeeze %dma_wait3A_943 : memref<1x128x32xf32, #tpu.memory_space<vmem>> -> memref<128x32xf32, #tpu.memory_space<vmem>>
      %dma_wait3A_945 = arith.constant 0 : i32
      %dma_wait3A_946 = tpu.memref_slice %arg7[%add3A_938, %dma_wait3A_945] : memref<80x128xi32, #tpu.memory_space<vmem>> -> memref<1x128xi32, #tpu.memory_space<vmem>>
      %dma_wait3A_947 = tpu.memref_squeeze %dma_wait3A_946 : memref<1x128xi32, #tpu.memory_space<vmem>> -> memref<128xi32, #tpu.memory_space<vmem>>
      %dma_wait3A_948 = arith.constant 0 : i32
      %dma_wait3A_949 = arith.constant 0 : i32
      %dma_wait3A_950 = tpu.memref_slice %arg6[%dma_wait3A_948, %dma_wait3A_949] : memref<10112x32xf32, #tpu.memory_space<vmem_shared>> -> memref<10112x32xf32, #tpu.memory_space<vmem_shared>>
      %dma_wait3A_951 = tpu.memref_slice %arg11[%dma_wait3A_940] : memref<16x!tpu.dma_semaphore, #tpu.memory_space<semaphore_mem>> -> memref<1x!tpu.dma_semaphore, #tpu.memory_space<semaphore_mem>>
      %dma_wait3A_952 = tpu.memref_squeeze %dma_wait3A_951 : memref<1x!tpu.dma_semaphore, #tpu.memory_space<semaphore_mem>> -> memref<!tpu.dma_semaphore, #tpu.memory_space<semaphore_mem>>
      tpu.wait_indirect_dma semaphore(%dma_wait3A_952 : memref<!tpu.dma_semaphore, #tpu.memory_space<semaphore_mem>>) src(%dma_wait3A_950 : memref<10112x32xf32, #tpu.memory_space<vmem_shared>>) dst(%dma_wait3A_944 : memref<128x32xf32, #tpu.memory_space<vmem>>)
      %mul3A_953 = arith.constant 8 : i32
      %mul3A_954 = arith.muli %add3A_703, %mul3A_953 : i32
      %add3A_955 = arith.constant 7 : i32
      %add3A_956 = arith.addi %mul3A_954, %add3A_955 : i32
      %dma_start3A_957 = arith.constant 15 : i32
      %dma_start3A_958 = arith.constant 0 : i32
      %dma_start3A_959 = arith.constant 0 : i32
      %dma_start3A_960 = tpu.memref_slice %arg9[%dma_start3A_957, %dma_start3A_958, %dma_start3A_959] : memref<16x128x32xf32, #tpu.memory_space<vmem>> -> memref<1x128x32xf32, #tpu.memory_space<vmem>>
      %dma_start3A_961 = tpu.memref_squeeze %dma_start3A_960 : memref<1x128x32xf32, #tpu.memory_space<vmem>> -> memref<128x32xf32, #tpu.memory_space<vmem>>
      %dma_start3A_962 = arith.constant 0 : i32
      %dma_start3A_963 = tpu.memref_slice %arg8[%add3A_956, %dma_start3A_962] : memref<80x128xi32, #tpu.memory_space<vmem>> -> memref<1x128xi32, #tpu.memory_space<vmem>>
      %dma_start3A_964 = tpu.memref_squeeze %dma_start3A_963 : memref<1x128xi32, #tpu.memory_space<vmem>> -> memref<128xi32, #tpu.memory_space<vmem>>
      %dma_start3A_965 = arith.constant 0 : i32
      %dma_start3A_966 = arith.constant 0 : i32
      %dma_start3A_967 = tpu.memref_slice %arg5[%dma_start3A_965, %dma_start3A_966] : memref<10112x32xf32, #tpu.memory_space<vmem_shared>> -> memref<10112x32xf32, #tpu.memory_space<vmem_shared>>
      tpu.enqueue_indirect_dma source(%dma_start3A_961 : memref<128x32xf32, #tpu.memory_space<vmem>>) target(%dma_start3A_967 : memref<10112x32xf32, #tpu.memory_space<vmem_shared>>) offsets(%dma_start3A_964 : memref<128xi32, #tpu.memory_space<vmem>>) semaphore(%arg13 : memref<!tpu.dma_semaphore, #tpu.memory_space<semaphore_mem>>) {add = true}
      %dma_wait3A_968 = arith.constant 8 : i32
      %dma_wait3A_969 = arith.constant 0 : i32
      %dma_wait3A_970 = arith.constant 0 : i32
      %dma_wait3A_971 = tpu.memref_slice %arg9[%dma_wait3A_968, %dma_wait3A_969, %dma_wait3A_970] : memref<16x128x32xf32, #tpu.memory_space<vmem>> -> memref<1x128x32xf32, #tpu.memory_space<vmem>>
      %dma_wait3A_972 = tpu.memref_squeeze %dma_wait3A_971 : memref<1x128x32xf32, #tpu.memory_space<vmem>> -> memref<128x32xf32, #tpu.memory_space<vmem>>
      %dma_wait3A_973 = arith.constant 0 : i32
      %dma_wait3A_974 = tpu.memref_slice %arg8[%add3A_725, %dma_wait3A_973] : memref<80x128xi32, #tpu.memory_space<vmem>> -> memref<1x128xi32, #tpu.memory_space<vmem>>
      %dma_wait3A_975 = tpu.memref_squeeze %dma_wait3A_974 : memref<1x128xi32, #tpu.memory_space<vmem>> -> memref<128xi32, #tpu.memory_space<vmem>>
      %dma_wait3A_976 = arith.constant 0 : i32
      %dma_wait3A_977 = arith.constant 0 : i32
      %dma_wait3A_978 = tpu.memref_slice %arg5[%dma_wait3A_976, %dma_wait3A_977] : memref<10112x32xf32, #tpu.memory_space<vmem_shared>> -> memref<10112x32xf32, #tpu.memory_space<vmem_shared>>
      tpu.wait_indirect_dma semaphore(%arg13 : memref<!tpu.dma_semaphore, #tpu.memory_space<semaphore_mem>>) src(%dma_wait3A_972 : memref<128x32xf32, #tpu.memory_space<vmem>>) dst(%dma_wait3A_978 : memref<10112x32xf32, #tpu.memory_space<vmem_shared>>)
      %dma_wait3A_979 = arith.constant 9 : i32
      %dma_wait3A_980 = arith.constant 0 : i32
      %dma_wait3A_981 = arith.constant 0 : i32
      %dma_wait3A_982 = tpu.memref_slice %arg9[%dma_wait3A_979, %dma_wait3A_980, %dma_wait3A_981] : memref<16x128x32xf32, #tpu.memory_space<vmem>> -> memref<1x128x32xf32, #tpu.memory_space<vmem>>
      %dma_wait3A_983 = tpu.memref_squeeze %dma_wait3A_982 : memref<1x128x32xf32, #tpu.memory_space<vmem>> -> memref<128x32xf32, #tpu.memory_space<vmem>>
      %dma_wait3A_984 = arith.constant 0 : i32
      %dma_wait3A_985 = tpu.memref_slice %arg8[%add3A_758, %dma_wait3A_984] : memref<80x128xi32, #tpu.memory_space<vmem>> -> memref<1x128xi32, #tpu.memory_space<vmem>>
      %dma_wait3A_986 = tpu.memref_squeeze %dma_wait3A_985 : memref<1x128xi32, #tpu.memory_space<vmem>> -> memref<128xi32, #tpu.memory_space<vmem>>
      %dma_wait3A_987 = arith.constant 0 : i32
      %dma_wait3A_988 = arith.constant 0 : i32
      %dma_wait3A_989 = tpu.memref_slice %arg5[%dma_wait3A_987, %dma_wait3A_988] : memref<10112x32xf32, #tpu.memory_space<vmem_shared>> -> memref<10112x32xf32, #tpu.memory_space<vmem_shared>>
      tpu.wait_indirect_dma semaphore(%arg13 : memref<!tpu.dma_semaphore, #tpu.memory_space<semaphore_mem>>) src(%dma_wait3A_983 : memref<128x32xf32, #tpu.memory_space<vmem>>) dst(%dma_wait3A_989 : memref<10112x32xf32, #tpu.memory_space<vmem_shared>>)
      %dma_wait3A_990 = arith.constant 10 : i32
      %dma_wait3A_991 = arith.constant 0 : i32
      %dma_wait3A_992 = arith.constant 0 : i32
      %dma_wait3A_993 = tpu.memref_slice %arg9[%dma_wait3A_990, %dma_wait3A_991, %dma_wait3A_992] : memref<16x128x32xf32, #tpu.memory_space<vmem>> -> memref<1x128x32xf32, #tpu.memory_space<vmem>>
      %dma_wait3A_994 = tpu.memref_squeeze %dma_wait3A_993 : memref<1x128x32xf32, #tpu.memory_space<vmem>> -> memref<128x32xf32, #tpu.memory_space<vmem>>
      %dma_wait3A_995 = arith.constant 0 : i32
      %dma_wait3A_996 = tpu.memref_slice %arg8[%add3A_791, %dma_wait3A_995] : memref<80x128xi32, #tpu.memory_space<vmem>> -> memref<1x128xi32, #tpu.memory_space<vmem>>
      %dma_wait3A_997 = tpu.memref_squeeze %dma_wait3A_996 : memref<1x128xi32, #tpu.memory_space<vmem>> -> memref<128xi32, #tpu.memory_space<vmem>>
      %dma_wait3A_998 = arith.constant 0 : i32
      %dma_wait3A_999 = arith.constant 0 : i32
      %dma_wait3A_1000 = tpu.memref_slice %arg5[%dma_wait3A_998, %dma_wait3A_999] : memref<10112x32xf32, #tpu.memory_space<vmem_shared>> -> memref<10112x32xf32, #tpu.memory_space<vmem_shared>>
      tpu.wait_indirect_dma semaphore(%arg13 : memref<!tpu.dma_semaphore, #tpu.memory_space<semaphore_mem>>) src(%dma_wait3A_994 : memref<128x32xf32, #tpu.memory_space<vmem>>) dst(%dma_wait3A_1000 : memref<10112x32xf32, #tpu.memory_space<vmem_shared>>)
      %dma_wait3A_1001 = arith.constant 11 : i32
      %dma_wait3A_1002 = arith.constant 0 : i32
      %dma_wait3A_1003 = arith.constant 0 : i32
      %dma_wait3A_1004 = tpu.memref_slice %arg9[%dma_wait3A_1001, %dma_wait3A_1002, %dma_wait3A_1003] : memref<16x128x32xf32, #tpu.memory_space<vmem>> -> memref<1x128x32xf32, #tpu.memory_space<vmem>>
      %dma_wait3A_1005 = tpu.memref_squeeze %dma_wait3A_1004 : memref<1x128x32xf32, #tpu.memory_space<vmem>> -> memref<128x32xf32, #tpu.memory_space<vmem>>
      %dma_wait3A_1006 = arith.constant 0 : i32
      %dma_wait3A_1007 = tpu.memref_slice %arg8[%add3A_824, %dma_wait3A_1006] : memref<80x128xi32, #tpu.memory_space<vmem>> -> memref<1x128xi32, #tpu.memory_space<vmem>>
      %dma_wait3A_1008 = tpu.memref_squeeze %dma_wait3A_1007 : memref<1x128xi32, #tpu.memory_space<vmem>> -> memref<128xi32, #tpu.memory_space<vmem>>
      %dma_wait3A_1009 = arith.constant 0 : i32
      %dma_wait3A_1010 = arith.constant 0 : i32
      %dma_wait3A_1011 = tpu.memref_slice %arg5[%dma_wait3A_1009, %dma_wait3A_1010] : memref<10112x32xf32, #tpu.memory_space<vmem_shared>> -> memref<10112x32xf32, #tpu.memory_space<vmem_shared>>
      tpu.wait_indirect_dma semaphore(%arg13 : memref<!tpu.dma_semaphore, #tpu.memory_space<semaphore_mem>>) src(%dma_wait3A_1005 : memref<128x32xf32, #tpu.memory_space<vmem>>) dst(%dma_wait3A_1011 : memref<10112x32xf32, #tpu.memory_space<vmem_shared>>)
      %dma_wait3A_1012 = arith.constant 12 : i32
      %dma_wait3A_1013 = arith.constant 0 : i32
      %dma_wait3A_1014 = arith.constant 0 : i32
      %dma_wait3A_1015 = tpu.memref_slice %arg9[%dma_wait3A_1012, %dma_wait3A_1013, %dma_wait3A_1014] : memref<16x128x32xf32, #tpu.memory_space<vmem>> -> memref<1x128x32xf32, #tpu.memory_space<vmem>>
      %dma_wait3A_1016 = tpu.memref_squeeze %dma_wait3A_1015 : memref<1x128x32xf32, #tpu.memory_space<vmem>> -> memref<128x32xf32, #tpu.memory_space<vmem>>
      %dma_wait3A_1017 = arith.constant 0 : i32
      %dma_wait3A_1018 = tpu.memref_slice %arg8[%add3A_857, %dma_wait3A_1017] : memref<80x128xi32, #tpu.memory_space<vmem>> -> memref<1x128xi32, #tpu.memory_space<vmem>>
      %dma_wait3A_1019 = tpu.memref_squeeze %dma_wait3A_1018 : memref<1x128xi32, #tpu.memory_space<vmem>> -> memref<128xi32, #tpu.memory_space<vmem>>
      %dma_wait3A_1020 = arith.constant 0 : i32
      %dma_wait3A_1021 = arith.constant 0 : i32
      %dma_wait3A_1022 = tpu.memref_slice %arg5[%dma_wait3A_1020, %dma_wait3A_1021] : memref<10112x32xf32, #tpu.memory_space<vmem_shared>> -> memref<10112x32xf32, #tpu.memory_space<vmem_shared>>
      tpu.wait_indirect_dma semaphore(%arg13 : memref<!tpu.dma_semaphore, #tpu.memory_space<semaphore_mem>>) src(%dma_wait3A_1016 : memref<128x32xf32, #tpu.memory_space<vmem>>) dst(%dma_wait3A_1022 : memref<10112x32xf32, #tpu.memory_space<vmem_shared>>)
      %dma_wait3A_1023 = arith.constant 13 : i32
      %dma_wait3A_1024 = arith.constant 0 : i32
      %dma_wait3A_1025 = arith.constant 0 : i32
      %dma_wait3A_1026 = tpu.memref_slice %arg9[%dma_wait3A_1023, %dma_wait3A_1024, %dma_wait3A_1025] : memref<16x128x32xf32, #tpu.memory_space<vmem>> -> memref<1x128x32xf32, #tpu.memory_space<vmem>>
      %dma_wait3A_1027 = tpu.memref_squeeze %dma_wait3A_1026 : memref<1x128x32xf32, #tpu.memory_space<vmem>> -> memref<128x32xf32, #tpu.memory_space<vmem>>
      %dma_wait3A_1028 = arith.constant 0 : i32
      %dma_wait3A_1029 = tpu.memref_slice %arg8[%add3A_890, %dma_wait3A_1028] : memref<80x128xi32, #tpu.memory_space<vmem>> -> memref<1x128xi32, #tpu.memory_space<vmem>>
      %dma_wait3A_1030 = tpu.memref_squeeze %dma_wait3A_1029 : memref<1x128xi32, #tpu.memory_space<vmem>> -> memref<128xi32, #tpu.memory_space<vmem>>
      %dma_wait3A_1031 = arith.constant 0 : i32
      %dma_wait3A_1032 = arith.constant 0 : i32
      %dma_wait3A_1033 = tpu.memref_slice %arg5[%dma_wait3A_1031, %dma_wait3A_1032] : memref<10112x32xf32, #tpu.memory_space<vmem_shared>> -> memref<10112x32xf32, #tpu.memory_space<vmem_shared>>
      tpu.wait_indirect_dma semaphore(%arg13 : memref<!tpu.dma_semaphore, #tpu.memory_space<semaphore_mem>>) src(%dma_wait3A_1027 : memref<128x32xf32, #tpu.memory_space<vmem>>) dst(%dma_wait3A_1033 : memref<10112x32xf32, #tpu.memory_space<vmem_shared>>)
      %dma_wait3A_1034 = arith.constant 14 : i32
      %dma_wait3A_1035 = arith.constant 0 : i32
      %dma_wait3A_1036 = arith.constant 0 : i32
      %dma_wait3A_1037 = tpu.memref_slice %arg9[%dma_wait3A_1034, %dma_wait3A_1035, %dma_wait3A_1036] : memref<16x128x32xf32, #tpu.memory_space<vmem>> -> memref<1x128x32xf32, #tpu.memory_space<vmem>>
      %dma_wait3A_1038 = tpu.memref_squeeze %dma_wait3A_1037 : memref<1x128x32xf32, #tpu.memory_space<vmem>> -> memref<128x32xf32, #tpu.memory_space<vmem>>
      %dma_wait3A_1039 = arith.constant 0 : i32
      %dma_wait3A_1040 = tpu.memref_slice %arg8[%add3A_923, %dma_wait3A_1039] : memref<80x128xi32, #tpu.memory_space<vmem>> -> memref<1x128xi32, #tpu.memory_space<vmem>>
      %dma_wait3A_1041 = tpu.memref_squeeze %dma_wait3A_1040 : memref<1x128xi32, #tpu.memory_space<vmem>> -> memref<128xi32, #tpu.memory_space<vmem>>
      %dma_wait3A_1042 = arith.constant 0 : i32
      %dma_wait3A_1043 = arith.constant 0 : i32
      %dma_wait3A_1044 = tpu.memref_slice %arg5[%dma_wait3A_1042, %dma_wait3A_1043] : memref<10112x32xf32, #tpu.memory_space<vmem_shared>> -> memref<10112x32xf32, #tpu.memory_space<vmem_shared>>
      tpu.wait_indirect_dma semaphore(%arg13 : memref<!tpu.dma_semaphore, #tpu.memory_space<semaphore_mem>>) src(%dma_wait3A_1038 : memref<128x32xf32, #tpu.memory_space<vmem>>) dst(%dma_wait3A_1044 : memref<10112x32xf32, #tpu.memory_space<vmem_shared>>)
      %dma_wait3A_1045 = arith.constant 15 : i32
      %dma_wait3A_1046 = arith.constant 0 : i32
      %dma_wait3A_1047 = arith.constant 0 : i32
      %dma_wait3A_1048 = tpu.memref_slice %arg9[%dma_wait3A_1045, %dma_wait3A_1046, %dma_wait3A_1047] : memref<16x128x32xf32, #tpu.memory_space<vmem>> -> memref<1x128x32xf32, #tpu.memory_space<vmem>>
      %dma_wait3A_1049 = tpu.memref_squeeze %dma_wait3A_1048 : memref<1x128x32xf32, #tpu.memory_space<vmem>> -> memref<128x32xf32, #tpu.memory_space<vmem>>
      %dma_wait3A_1050 = arith.constant 0 : i32
      %dma_wait3A_1051 = tpu.memref_slice %arg8[%add3A_956, %dma_wait3A_1050] : memref<80x128xi32, #tpu.memory_space<vmem>> -> memref<1x128xi32, #tpu.memory_space<vmem>>
      %dma_wait3A_1052 = tpu.memref_squeeze %dma_wait3A_1051 : memref<1x128xi32, #tpu.memory_space<vmem>> -> memref<128xi32, #tpu.memory_space<vmem>>
      %dma_wait3A_1053 = arith.constant 0 : i32
      %dma_wait3A_1054 = arith.constant 0 : i32
      %dma_wait3A_1055 = tpu.memref_slice %arg5[%dma_wait3A_1053, %dma_wait3A_1054] : memref<10112x32xf32, #tpu.memory_space<vmem_shared>> -> memref<10112x32xf32, #tpu.memory_space<vmem_shared>>
      tpu.wait_indirect_dma semaphore(%arg13 : memref<!tpu.dma_semaphore, #tpu.memory_space<semaphore_mem>>) src(%dma_wait3A_1049 : memref<128x32xf32, #tpu.memory_space<vmem>>) dst(%dma_wait3A_1055 : memref<10112x32xf32, #tpu.memory_space<vmem_shared>>)
    }
    %scan3A_189 = arith.constant 5 : i32
    %barrier3A_190 = arith.constant 0 : index
    tpu.barrier barrier_id(%barrier3A_190)
    %mul3A_191 = arith.constant 632 : i32
    %mul3A_192 = arith.muli %arg1, %mul3A_191 : i32
    %mul3A_193 = arith.constant 632 : i32
    %mul3A_194 = arith.muli %arg1, %mul3A_193 : i32
    "tpu.region"() ({
      %run_scoped3A = tpu.sem_alloc : memref<!tpu.dma_semaphore, #tpu.memory_space<semaphore_mem>>
      %dma_start3A_195 = arith.constant 0 : i32
      %dma_start3A_196 = tpu.memref_slice %arg4[%arg0, %mul3A_194, %dma_start3A_195] : memref<2x10112x32xf32, #tpu.memory_space<hbm>> -> memref<1x632x32xf32, #tpu.memory_space<hbm>>
      %dma_start3A_197 = tpu.memref_squeeze %dma_start3A_196 : memref<1x632x32xf32, #tpu.memory_space<hbm>> -> memref<632x32xf32, #tpu.memory_space<hbm>>
      %dma_start3A_198 = arith.constant 0 : i32
      %dma_start3A_199 = tpu.memref_slice %arg5[%mul3A_192, %dma_start3A_198] : memref<10112x32xf32, #tpu.memory_space<vmem_shared>> -> memref<632x32xf32, #tpu.memory_space<vmem_shared>>
      tpu.enqueue_dma source(%dma_start3A_199 : memref<632x32xf32, #tpu.memory_space<vmem_shared>>) target(%dma_start3A_197 : memref<632x32xf32, #tpu.memory_space<hbm>>) target_semaphore(%run_scoped3A : memref<!tpu.dma_semaphore, #tpu.memory_space<semaphore_mem>>)
      %dma_wait3A_200 = arith.constant 0 : i32
      %dma_wait3A_201 = tpu.memref_slice %arg4[%arg0, %mul3A_194, %dma_wait3A_200] : memref<2x10112x32xf32, #tpu.memory_space<hbm>> -> memref<1x632x32xf32, #tpu.memory_space<hbm>>
      %dma_wait3A_202 = tpu.memref_squeeze %dma_wait3A_201 : memref<1x632x32xf32, #tpu.memory_space<hbm>> -> memref<632x32xf32, #tpu.memory_space<hbm>>
      %dma_wait3A_203 = arith.constant 0 : i32
      %dma_wait3A_204 = tpu.memref_slice %arg5[%mul3A_192, %dma_wait3A_203] : memref<10112x32xf32, #tpu.memory_space<vmem_shared>> -> memref<632x32xf32, #tpu.memory_space<vmem_shared>>
      tpu.wait_dma2 semaphore(%run_scoped3A : memref<!tpu.dma_semaphore, #tpu.memory_space<semaphore_mem>>) src(%dma_wait3A_204 : memref<632x32xf32, #tpu.memory_space<vmem_shared>>) dst(%dma_wait3A_202 : memref<632x32xf32, #tpu.memory_space<hbm>>)
      tpu.yield
    }) : () -> ()
    return
  }
}

</mosaic_0001>

<sc_bundles>
// kernel: _segsum.3.cloned.1.call-start
scs
__scs_entry_jumppad:
0x0: {  	(pc) =	sbr.rel $0x88, $3  }
0x1: {  	(tag) =	ssettag $0x0;
	lr =	simm.s32 $0x1  }
0x2: {  	[smem:$0x3F9F] =	sst lr;
	_ =	strace $0xD0000000  }
0x3: {  	_ = 	snop  }
0x4: {  	_ = 	snop  }
0x5: {  	_ = 	snop  }
0x6: {  	_ = 	snop  }
0x7: {  	_ = 	snop  }
__scs_overlays_trampoline_lowered:
0x8: {  	[smem:$0x3FAE] =	sst s0  }
0x9: {  	[smem:$0x3FAF] =	sst s1  }
0xa: {  	[smem:$0x3FB0] =	sst s2  }
0xb: {  	[smem:$0x3FB1] =	sst s3  }
0xc: {  	[smem:$0x3FB2] =	sst s4  }
0xd: {  	[smem:$0x3FB3] =	sst s5  }
0xe: {  	[smem:$0x3FB4] =	sst s6  }
0xf: {  	[smem:$0x3FB5] =	sst s7  }
0x10: {  	[smem:$0x3FB6] =	sst s8  }
0x11: {  	[smem:$0x3FB7] =	sst s9;
	s0 =	simm.s32 @!p0 $0x0  }
0x12: {  	s1 =	sld [smem:$0x3F9D];
	s0 =	simm.s32 @p0 $0x1  }
0x13: {  	[smem:$0x3FB8] =	sst s0;
	s0 =	simm.s32 @!p1 $0x0  }
0x14: {  	s2 =	sld [smem:$0x3F9C];
	s0 =	simm.s32 @p1 $0x1  }
0x15: {  	[smem:$0x3FB9] =	sst s0;
	s0 =	simm.s32 @!p2 $0x0  }
0x16: {  	s3 =	sld [smem:$0x3FDB];
	s0 =	simm.s32 @p2 $0x1  }
0x17: {  	s4 =	simm.s32 $0x1BF5;
	[smem:$0x3FBB] =	sst s0  }
0x18: {  	s0 =	sld [smem:$0x3F9E];
	_ =	swait.ge [sflag:s4], $0x0  }
0x19: {  	s7 =	sld [smem:$0x3F9F]  }
0x1a: {  	s8 =	sadd.s32 $0xFFFFE003, lr  }
0x1b: {  	s9 =	sadd.s32 $0xFFFFFEF7, lr;
	s5 =	simm.s32 $0xFFFFFFFF;
	p2 =	slt.u32 s8, $0xFFFFF086  }
0x1c: {  	p1 =	slt.u32 s9, $0xF7A;
	s5 =	simm.s32 @!p2 $0x0  }
0x1d: {  	s5 =	simm.s32 @p1 $0x1;
	p0 =	seq.s32 s7, s2  }
0x1e: {  	s7 =	smul.u32 @!p0 $0xF7A, s2;
	p2 =	seq.s32 @!p0 s5, $0x0  }
0x1f: {  	s9 =	smul.u32 $0xF7A, s1;
	s8 =	simm.s32 @!p0 $0x1BF5;
	p2 =	por !p2, p0  }
0x20: {  	[sflag:s8] =	ssyncset.s32 @!p0 $0xFFFFF086;
	s6 =	sadd.s32 @!p0 s3, s7;
	s7 =	simm.s32 @!p0 $0x108  }
0x21: {  	s3 =	sadd.s32 s3, s9;
	s6 =	sadd.s32 @!p0 $0x88, s6;
	s7 =	simm.s32 @p2 $0x1082  }
0x22: {  	[simem:s7], [sflag:s8] =	dma.local @!p0 [hbm:s6], $0xF7A  }
0x23: {  	s9 =	sor.u32 $0xD0000000, s2;
	s6 =	simm.s32 $0x108;
	_ =	swait.ge @!p0 [sflag:s8], $0x0  }
0x24: {  	s3 =	sadd.s32 $0x88, s3;
	s6 =	simm.s32 @!p1 $0x1082;
	[sflag:s4] =	ssyncset.s32 $0xFFFFF086  }
0x25: {  	[simem:s6], [sflag:s4] =	dma.local [hbm:s3], $0xF7A  }
0x26: {  	[smem:$0x3F9F] =	sst s1;
	(tag) =	ssettag s2;
	_ =	strace s9  }
0x27: {  	s1 =	sld [smem:$0x3FAF]  }
0x28: {  	s2 =	sld [smem:$0x3FB0]  }
0x29: {  	s4 =	sld [smem:$0x3FB2]  }
0x2a: {  	p0 =	seq.s32 s5, $0x0;
	s5 =	sld [smem:$0x3FB3]  }
0x2b: {  	s6 =	sld [smem:$0x3FB4]  }
0x2c: {  	s7 =	sld [smem:$0x3FB5]  }
0x2d: {  	s3 =	simm.s32 $0x108;
	s8 =	sld [smem:$0x3FB6]  }
0x2e: {  	s3 =	simm.s32 @!p0 $0x1082;
	s9 =	sld [smem:$0x3FB7]  }
0x2f: {  	lr =	sadd.s32 s0, s3;
	s0 =	sld [smem:$0x3FAE]  }
0x30: {  	s3 =	sld [smem:$0x3FB1]  }
0x31: {  	[smem:$0x3FBA] =	sst s10  }
0x32: {  	s10 =	sld [smem:$0x3FB8];
	_ =	sdelay $0x3  }
0x33: {  	p0 =	seq.s32 s10, $0x1;
	s10 =	sld [smem:$0x3FBA];
	_ =	sdelay $0x3  }
0x34: {  	[smem:$0x3FBA] =	sst s10  }
0x35: {  	s10 =	sld [smem:$0x3FB9];
	_ =	sdelay $0x3  }
0x36: {  	p1 =	seq.s32 s10, $0x1;
	s10 =	sld [smem:$0x3FBA];
	_ =	sdelay $0x3  }
0x37: {  	[smem:$0x3FBA] =	sst s10  }
0x38: {  	s10 =	sld [smem:$0x3FBB]  }
0x39: {  	_ = 	snop;
	(pc) =	sbr.ind lr, $3  }
0x3a: {  	_ = 	snop  }
0x3b: {  	_ = 	snop  }
0x3c: {  	p2 =	seq.s32 s10, $0x1;
	s10 =	sld [smem:$0x3FBA]  }
0x3d: {  	_ =	shalt  }
0x3e: {  	_ =	shalt  }
0x3f: {  	_ =	shalt  }
0x40: {  	_ =	shalt  }
0x41: {  	_ =	shalt  }
0x42: {  	_ =	shalt  }
0x43: {  	_ =	shalt  }
0x44: {  	_ =	shalt  }
0x45: {  	_ =	shalt  }
0x46: {  	_ =	shalt  }
0x47: {  	_ =	shalt  }
0x48: {  	_ =	shalt  }
0x49: {  	_ =	shalt  }
0x4a: {  	_ =	shalt  }
0x4b: {  	_ =	shalt  }
0x4c: {  	_ =	shalt  }
0x4d: {  	_ =	shalt  }
0x4e: {  	_ =	shalt  }
0x4f: {  	_ =	shalt  }
0x50: {  	_ =	shalt  }
0x51: {  	_ =	shalt  }
0x52: {  	_ =	shalt  }
0x53: {  	_ =	shalt  }
0x54: {  	_ =	shalt  }
0x55: {  	_ =	shalt  }
0x56: {  	_ =	shalt  }
0x57: {  	_ =	shalt  }
0x58: {  	_ =	shalt  }
0x59: {  	_ =	shalt  }
0x5a: {  	_ =	shalt  }
0x5b: {  	_ =	shalt  }
0x5c: {  	_ =	shalt  }
0x5d: {  	_ =	shalt  }
0x5e: {  	_ =	shalt  }
0x5f: {  	_ =	shalt  }
0x60: {  	_ =	shalt  }
0x61: {  	_ =	shalt  }
0x62: {  	_ =	shalt  }
0x63: {  	_ =	shalt  }
0x64: {  	_ =	shalt  }
0x65: {  	_ =	shalt  }
0x66: {  	_ =	shalt  }
0x67: {  	_ =	shalt  }
0x68: {  	_ =	shalt  }
0x69: {  	_ =	shalt  }
0x6a: {  	_ =	shalt  }
0x6b: {  	_ =	shalt  }
0x6c: {  	_ =	shalt  }
0x6d: {  	_ =	shalt  }
0x6e: {  	_ =	shalt  }
0x6f: {  	_ =	shalt  }
0x70: {  	_ =	shalt  }
0x71: {  	_ =	shalt  }
0x72: {  	_ =	shalt  }
0x73: {  	_ =	shalt  }
0x74: {  	_ =	shalt  }
0x75: {  	_ =	shalt  }
0x76: {  	_ =	shalt  }
0x77: {  	_ =	shalt  }
0x78: {  	_ =	shalt  }
0x79: {  	_ =	shalt  }
0x7a: {  	_ =	shalt  }
0x7b: {  	_ =	shalt  }
0x7c: {  	_ =	shalt  }
0x7d: {  	_ =	shalt  }
0x7e: {  	_ =	shalt  }
0x7f: {  	_ =	shalt  }
0x80: {  	_ =	shalt  }
0x81: {  	_ =	shalt  }
0x82: {  	_ =	shalt  }
0x83: {  	_ =	shalt  }
0x84: {  	_ =	shalt  }
0x85: {  	_ =	shalt  }
0x86: {  	_ =	shalt  }
0x87: {  	_ =	shalt  }
.Lfunc_end0:
.L_simem_size_0:
called_computation_lowered:
.L_overlay_start_0:
0x88: {  	s2 =	sld [smem:$0x3FD9]  }
0x89: {  	s3 =	sld [smem:$0x3FFE];
	_ =	sdelay $0x1  }
0x8a: {  	s1 =	srdreg.scid  }
0x8b: {  	s0 =	sand.u32 $0x1, s1  }
0x8c: {  	s17 =	sshll.u32 s0, $0xA;
	s2 =	sadd.s32 s3, s2  }
0x8d: {  	s2 =	sadd.s32 s2, s17  }
0x8e: {  	[smem:$0x3FC6] =	sst s2  }
0x8f: {  	_ = 	snop  }
0x90: {  	s2 =	sld [smem:$0x3FC8]  }
0x91: {  	s18 =	sld [smem:$0x3FD0];
	(tm) =	ssettm $0x1  }
0x92: {  	s4 =	sld [smem:$0x3FFB];
	_ =	sdelay $0x3  }
0x93: {  	_ =	strace s4  }
0x94: {  	s4 =	sld [smem:$0x3FFC];
	_ =	sdelay $0x3  }
0x95: {  	_ =	strace s4  }
0x96: {  	s4 =	sld [smem:$0x3FFD];
	_ =	sdelay $0x3  }
0x97: {  	_ =	strace s4  }
0x98: {  	_ =	strace $0x8FFFFFFF  }
0x99: {  	s19 =	sld [smem:$0x3FDB];
	_ =	sdelay $0x1  }
0x9a: {  	s5 =	simm.s32 $_scs_section_size  }
0x9b: {  	s6 =	simm.s32 $_size__tile_overlayer_lowered;
	s7 =	simm.s32 $_tile_overlayer_lowered  }
0x9c: {  	s22 =	simm.s32 $0x1BFF;
	s21 =	sshll.u32 s7, $0x1;
	s4 =	sadd.s32 s5, s19  }
0x9d: {  	s8 =	simm.s32 $0x0;
	s20 =	sshll.u32 s6, $0x1;
	s6 =	sadd.s32 s21, s4  }
0x9e: {  	[timem:s8], [sflag:s22] =	dma.local [hbm:s6], s20  }
0x9f: {  	_ =	swait.ge [sflag:s22], s20  }
0xa0: {  	s5 =	ssub.s32 $0x0, s20;
	[sflag:s22] =	ssyncset.done $0x0  }
0xa1: {  	[sflag:s22] =	ssyncadd.s32 s5;
	_ =	sdelay $0x1  }
0xa2: {  	s23 =	simm.s32 $0x1B8B  }
0xa3: {  	_ =	swait.ge [sflag:s23], $0x1  }
0xa4: {  	[sflag:s23] =	ssyncset.done $0x0  }
0xa5: {  	s25 =	simm.s32 $0x1B8E;
	s24 =	sld [smem:$0x3FFE];
	[sflag:s23] =	ssyncadd.s32 $0xFFFFFFFF  }
0xa6: {  	s26 =	simm.s32 $execute0_lowered;
	[smem:$0x3FD2] =	sst s25  }
0xa7: {  	s6 =	sshll.u32 s26, $0x1;
	_ =	strace $0x80000046;
	[dreg:$0x1] =	wrdreg $0xFFFFFFFF  }
0xa8: {  	s28 =	simm.s32 $_size_execute0_lowered;
	s4 =	sadd.s32 s4, s6;
	[dreg:$0x0] =	wrdreg $0x0  }
0xa9: {  	s6 =	sshll.u32 s28, $0x1;
	[dreg:$0x2] =	wrdreg s4  }
0xaa: {  	[dreg:$0x3] =	wrdreg s6  }
0xab: {  	[dreg:$0x4] =	wrdreg $0xC0  }
0xac: {  	_ =	task [dreg:s8], $0x5FFFF  }
0xad: {  	[dreg:$0x1] =	wrdreg $0xFFFFFFFF  }
0xae: {  	[dreg:$0x0] =	wrdreg $0x60  }
0xaf: {  	[dreg:$0x2] =	wrdreg s24  }
0xb0: {  	[dreg:$0x3] =	wrdreg s2  }
0xb1: {  	[dreg:$0x4] =	wrdreg s18  }
0xb2: {  	[dreg:$0x5] =	wrdreg $0x4F000  }
0xb3: {  	[dreg:$0x6] =	wrdreg $0x0  }
0xb4: {  	[dreg:$0x7] =	wrdreg $0x9  }
0xb5: {  	_ =	task.clear_ibuf [dreg:s8], $0x8FFFF;
	_ =	strace $0x90000046  }
0xb6: {  	s29 =	simm.s32 $0x9;
	_ =	strace $0x80000048  }
0xb7: {  	_ =	swait.ge [sflag:s29], $0x1  }
0xb8: {  	[sflag:s29] =	ssyncadd.s32 $0xFFFFFFFF  }
0xb9: {  	_ =	strace $0x90000048  }
0xba: {  	_ =	sfence  }
0xbb: {  	s30 =	sld [smem:$0x0];
	_ =	sdelay $0x2  }
0xbc: {  	s31 =	sshll.u32 s1, $0xD;
	s1 =	sshrl.u32 s1, $0x2  }
0xbd: {  	s3 =	sand.u32 $0x4000, s31;
	s1 =	sadd.s32 s1, s30  }
0xbe: {  	s0 =	sor.u32 s3, s0;
	s1 =	sshll.u32 s1, $0x11  }
0xbf: {  	s0 =	sor.u32 s1, s0  }
0xc0: {  	s0 =	sadd.s32 $0x8F2B, s0  }
0xc1: {  	[sflag:s0] =	ssyncadd.remote.s32 $0x1  }
0xc2: {  	_ =	sfence.sel $0xFFFF  }
0xc3: {  	[dreg:$0x0] =	wrdreg $0xFFFFFFFF;
	(pc) =	sbr.abs _section_cstart, $3  }
0xc4: {  	[dreg:$0x1] =	wrdreg $0xFFFFFFFF  }
0xc5: {  	_ =	task.clear_ibuf [dreg:s8], $0x2FFFF;
	_ =	strace $0x9FFFFFFF  }
0xc6: {  	(tm) =	ssettm $0x7FFFFFFF  }
0xc7: {  	_ =	shalt  }
tec
execute0_lowered:
.L_overlay_start_1:
0x0: {  	(tag) =	ssettag $0x1  }
0x1: {  	s0 =	rddreg [dreg:$0x0]  }
0x2: {  	s1 =	rddreg [dreg:$0x1]  }
0x3: {  	s4 =	rddreg [dreg:$0x2]  }
0x4: {  	s2 =	rddreg [dreg:$0x3]  }
0x5: {  	s3 =	rddreg [dreg:$0x4];
	s11 =	stileid.u32;
	s7 =	simm.s32 $0x0  }
0x6: {  	s6 =	srdreg.scid;
	s29 =	simm.s32 $0xFE00;
	s31 =	simm.s32 $0x11E00  }
0x7: {  	s13 =	simm.s32 $0x2;
	s5 =	smul.u32 $0x4F00, s11;
	[smem:$0x7FF] =	sst s7  }
0x8: {  	s6 =	sand.u32 $0x1, s6;
	s17 =	smul.u32 $0x13C00, s11;
	_ =	strace $0x80000047  }
0x9: {  	s8 =	ssub.s32 $0x2, s6;
	s9 =	sshll.u32 s6, $0x4;
	s6 =	smul.u32 $0x4F000, s6  }
0xa: {  	s14 =	sshrl.u32 s5, $0x3;
	s15 =	sshrl.u32 s8, $0x1;
	s16 =	sor.u32 s11, s9  }
0xb: {  	s10 =	sadd.s32 s5, s2;
	s11 =	sshll.u32 s11, $0x6;
	s19 =	sshrl.u32 s17, $0x2  }
0xc: {  	s17 =	simm.s32 $0xEE00;
	s9 =	simm.s32 $0x8;
	s0 =	sadd.s32 s14, s0  }
0xd: {  	s7 =	ssub.s32 s8, s15;
	s18 =	smul.u32 $0x500, s16;
	[dreg:$0x7] =	wrdreg s11  }
0xe: {  	s20 =	sor.u32 $0x1C11, s11;
	s21 =	sadd.s32 s19, s3;
	s8 =	sadd.s32 s5, s3  }
0xf: {  	s23 =	sadd.s32 s5, s6;
	s30 =	sshrl.u32 s10, $0x3;
	[dreg:$0x8] =	wrdreg s20  }
0x10: {  	s10 =	simm.s32 $0x14;
	s14 =	simm.s32 $0x3;
	[dreg:$0x11] =	wrdreg s30  }
0x11: {  	s15 =	simm.s32 $0x4;
	s0 =	sadd.s32 $0x400, s0;
	[dreg:$0xa] =	wrdreg s8  }
0x12: {  	s16 =	simm.s32 $0x5;
	s22 =	sadd.s32 $0x1000, s21;
	[dreg:$0x6] =	wrdreg s0  }
0x13: {  	s6 =	simm.s32 $0x6;
	s24 =	sadd.s32 $0x2000, s21;
	[dreg:$0xb] =	wrdreg s22  }
0x14: {  	s25 =	sadd.s32 $0x3000, s21;
	s28 =	smax.u32 s7, $0x1;
	[dreg:$0xc] =	wrdreg s24  }
0x15: {  	s7 =	simm.s32 $0x9E00;
	s20 =	simm.s32 $0x7;
	[dreg:$0xd] =	wrdreg s25  }
0x16: {  	s0 =	sadd.s32 s1, s18;
	s1 =	sshrl.u32 s23, $0x3;
	[dreg:$0x10] =	wrdreg s28  }
0x17: {  	s22 =	simm.s32 $0x80;
	[dreg:$0x9] =	wrdreg s0;
	s0 =	sadd.s32 $0x4000, s21  }
0x18: {  	s24 =	simm.s32 $0x10E00;
	s26 =	sadd.s32 s4, s1;
	[dreg:$0xe] =	wrdreg s0  }
0x19: {  	v0 =	vimm.f32 $0.0e+00;
	s21 =	simm.s32 $0x13;
	s4 =	simm.s32 $0x0;
	[dreg:$0xf] =	wrdreg s26  }
.LBB2_1:
0x1a: {  	[dreg:$0x12] =	wrdreg s4  }
0x1b: {  	s1 =	rddreg [dreg:$0x6]  }
0x1c: {  	s28 =	rddreg [dreg:$0x8]  }
0x1d: {  	s5 =	rddreg [dreg:$0x11]  }
0x1e: {  	[spmem:s5], [sflag:s28] =	dma.local [hbm:s1], $0x9E0  }
0x1f: {  	s30 =	simm.s32 $0x0;
	s4 =	rddreg [dreg:$0x9]  }
0x20: {  	[tilespmem:s7], [sflag:$0x12] =	stream.linear.gather [hbm4b:s4+s30], $0x2800, $0x38;
	[tilespmem:$0x1FE00] =	vst v63  }
0x21: {  	s1 =	simm.s32 $0x80;
	s4 =	simm.s32 $0x0  }
.LBB2_2:
0x22: {  	p0 =	sne.s32 s1, $0x3F80;
	[tilespmem:s4+$0x1EE00] =	vst v0;
	s26 =	smov.u32 s1;
	s1 =	sadd.s32 $0x80, s1  }
.Ltmp0:
0x23: {  	[tilespmem:s4+$0x1EE10] =	vst v0;
	(pc) =	sbr.rel @p0 .LBB2_2-.Ltmp0, $2  }
0x24: {  	_ =	sdelay $0x2  }
0x25: {  	s4 =	sshra.s32 s26, $0x2  }
0x26: {  	[tilespmem:s4+$0x1EE00] =	vst v0  }
0x27: {  	[tilespmem:s4+$0x1EE10] =	vst v0;
	s23 =	simm.s32 $0x1EE00  }
0x28: {  	[spmem:s8] =	stream.linear.scatter [tilespmem:s23], [sflag:$0x14], $0x1000, $0x38;
	[tilespmem:$0x1FE00] =	vst v63  }
0x29: {  	_ =	swait.ge [sflag:s10], $0x1000  }
0x2a: {  	[sflag:s10] =	ssyncset.done $0x0  }
0x2b: {  	s1 =	rddreg [dreg:$0xb];
	[sflag:s10] =	ssyncadd.s32 $0xFFFFF000  }
0x2c: {  	[spmem:s1] =	stream.linear.scatter [tilespmem:s23], [sflag:$0x14], $0x1000, $0x38;
	[tilespmem:$0x1FE00] =	vst v63  }
0x2d: {  	_ =	swait.ge [sflag:s10], $0x1000  }
0x2e: {  	[sflag:s10] =	ssyncset.done $0x0  }
0x2f: {  	s25 =	rddreg [dreg:$0xc];
	[sflag:s10] =	ssyncadd.s32 $0xFFFFF000  }
0x30: {  	[spmem:s25] =	stream.linear.scatter [tilespmem:s23], [sflag:$0x14], $0x1000, $0x38;
	[tilespmem:$0x1FE00] =	vst v63  }
0x31: {  	_ =	swait.ge [sflag:s10], $0x1000  }
0x32: {  	[sflag:s10] =	ssyncset.done $0x0  }
0x33: {  	s26 =	rddreg [dreg:$0xd];
	[sflag:s10] =	ssyncadd.s32 $0xFFFFF000  }
0x34: {  	[spmem:s26] =	stream.linear.scatter [tilespmem:s23], [sflag:$0x14], $0x1000, $0x38;
	[tilespmem:$0x1FE00] =	vst v63  }
0x35: {  	_ =	swait.ge [sflag:s10], $0x1000  }
0x36: {  	[sflag:s10] =	ssyncset.done $0x0  }
0x37: {  	s28 =	rddreg [dreg:$0xe];
	[sflag:s10] =	ssyncadd.s32 $0xFFFFF000  }
0x38: {  	[spmem:s28] =	stream.linear.scatter [tilespmem:s23], [sflag:$0x14], $0xF00, $0x38;
	[tilespmem:$0x1FE00] =	vst v63  }
0x39: {  	_ =	swait.ge [sflag:s10], $0xF00  }
0x3a: {  	[sflag:s10] =	ssyncset.done $0x0  }
0x3b: {  	s30 =	simm.s32 $0x12;
	[sflag:s10] =	ssyncadd.s32 $0xFFFFF100  }
0x3c: {  	_ =	swait.ge [sflag:s30], $0x2800  }
0x3d: {  	[sflag:s30] =	ssyncset.done $0x0  }
0x3e: {  	s1 =	simm.s32 $0x0;
	[sflag:s30] =	ssyncadd.s32 $0xFFFFD800  }
0x3f: {  	v1 =	vld [tilespmem:s1+$0x9E00]  }
0x40: {  	v4 =	vld [tilespmem:s1+$0x9E10]  }
0x41: {  	v6 =	vld [tilespmem:s1+$0x9E20]  }
0x42: {  	v5 =	vld [tilespmem:s1+$0x9E30]  }
0x43: {  	v2 =	vld [tilespmem:s1+$0x9E40]  }
0x44: {  	v3 =	vld [tilespmem:s1+$0x9E50];
	v7 =	vand.u32 $0xFFFF, v1  }
0x45: {  	s4 =	simm.s32 $0x200;
	s5 =	simm.s32 $0x12E00;
	v1 =	vshrl.u32 v1, $0x10;
	v8 =	vand.u32 $0xFFFF, v4;
	v4 =	vshrl.u32 v4, $0x10;
	[tilespmem:s1+$0x9E00] =	vst v7;
	v7 =	vld [tilespmem:s1+$0x9E60]  }
.LBB2_4:
0x46: {  	p0 =	sne.s32 s4, $0x9E00;
	[tilespmem:s1+$0x9E10] =	vst v8;
	v8 =	vand.u32 $0xFFFF, v6;
	v6 =	vshrl.u32 v6, $0x10;
	v9 =	vld [tilespmem:s1+$0x9E70]  }
0x47: {  	[tilespmem:s1+$0x9E20] =	vst v8;
	v8 =	vand.u32 $0xFFFF, v5;
	v5 =	vshrl.u32 v5, $0x10  }
0x48: {  	[tilespmem:s1+$0x9E30] =	vst v8;
	v8 =	vand.u32 $0xFFFF, v2;
	v2 =	vshrl.u32 v2, $0x10  }
0x49: {  	[tilespmem:s1+$0x9E40] =	vst v8;
	v8 =	vand.u32 $0xFFFF, v3;
	v3 =	vshrl.u32 v3, $0x10  }
0x4a: {  	[tilespmem:s1+$0x9E50] =	vst v8;
	v8 =	vand.u32 $0xFFFF, v7;
	v7 =	vshrl.u32 v7, $0x10  }
0x4b: {  	[tilespmem:s1+$0x9E60] =	vst v8;
	v8 =	vand.u32 $0xFFFF, v9;
	v9 =	vshrl.u32 v9, $0x10  }
0x4c: {  	[tilespmem:s1+$0x9E70] =	vst v8  }
0x4d: {  	[tilespmem:s1+$0xC600] =	vst v1  }
0x4e: {  	s26 =	sshra.s32 s4, $0x2;
	[tilespmem:s1+$0xC610] =	vst v4  }
0x4f: {  	v1 =	vld [tilespmem:s26+$0x9E00];
	[tilespmem:s1+$0xC620] =	vst v6  }
0x50: {  	v4 =	vld [tilespmem:s26+$0x9E10];
	[tilespmem:s1+$0xC630] =	vst v5  }
.Ltmp1:
0x51: {  	v6 =	vld [tilespmem:s26+$0x9E20];
	[tilespmem:s1+$0xC640] =	vst v2;
	(pc) =	sbr.rel @p0 .LBB2_4-.Ltmp1, $4  }
0x52: {  	v5 =	vld [tilespmem:s26+$0x9E30];
	[tilespmem:s1+$0xC650] =	vst v3  }
0x53: {  	v2 =	vld [tilespmem:s26+$0x9E40];
	[tilespmem:s1+$0xC660] =	vst v7  }
0x54: {  	v7 =	vand.u32 $0xFFFF, v1;
	v1 =	vshrl.u32 v1, $0x10;
	v3 =	vld [tilespmem:s26+$0x9E50];
	[tilespmem:s1+$0xC670] =	vst v9;
	s1 =	smov.u32 s26  }
0x55: {  	s4 =	sadd.s32 $0x200, s4;
	[tilespmem:s1+$0x9E00] =	vst v7;
	v8 =	vand.u32 $0xFFFF, v4;
	v4 =	vshrl.u32 v4, $0x10;
	v7 =	vld [tilespmem:s1+$0x9E60]  }
0x56: {  	[tilespmem:s1+$0x9E10] =	vst v8  }
0x57: {  	[tilespmem:s1+$0xC600] =	vst v1  }
0x58: {  	v57 =	vand.u32 $0xFFFF, v6;
	[tilespmem:s1+$0xC610] =	vst v4  }
0x59: {  	v1 =	vshrl.u32 v6, $0x10;
	[tilespmem:s1+$0x9E20] =	vst v57  }
0x5a: {  	v58 =	vand.u32 $0xFFFF, v5;
	[tilespmem:s1+$0xC620] =	vst v1  }
0x5b: {  	v63 =	vshrl.u32 v5, $0x10;
	[tilespmem:s1+$0x9E30] =	vst v58  }
0x5c: {  	v59 =	vand.u32 $0xFFFF, v2;
	[tilespmem:s1+$0xC630] =	vst v63  }
0x5d: {  	v9 =	vld [tilespmem:s1+$0x9E70];
	v1 =	vshrl.u32 v2, $0x10;
	[tilespmem:s1+$0x9E40] =	vst v59  }
0x5e: {  	v60 =	vand.u32 $0xFFFF, v3;
	[tilespmem:s1+$0xC640] =	vst v1  }
0x5f: {  	v2 =	vshrl.u32 v3, $0x10;
	[tilespmem:s1+$0x9E50] =	vst v60  }
0x60: {  	v61 =	vand.u32 $0xFFFF, v7;
	[tilespmem:s1+$0xC650] =	vst v2  }
0x61: {  	v1 =	vshrl.u32 v7, $0x10;
	[tilespmem:s1+$0x9E60] =	vst v61  }
0x62: {  	v62 =	vand.u32 $0xFFFF, v9;
	[tilespmem:s1+$0xC660] =	vst v1  }
0x63: {  	v2 =	vshrl.u32 v9, $0x10;
	[tilespmem:s1+$0x9E70] =	vst v62  }
0x64: {  	s4 =	simm.s32 $0x11;
	[tilespmem:s1+$0xC670] =	vst v2  }
0x65: {  	_ =	swait.ge [sflag:s4], $0x9E0  }
0x66: {  	[sflag:s4] =	ssyncset.done $0x0  }
0x67: {  	[sflag:s4] =	ssyncadd.s32 $0xFFFFF620  }
0x68: {  	[bflag:$0x0] =	sbarrier.arrive $0xFFFF  }
0x69: {  	[tilespmem:s17], [sflag:$0x1] =	stream.indirect.gather [spmem:s2], $0x20, s7, s22, $0xb8;
	[tilespmem:$0x1FE00] =	vst v63  }
0x6a: {  	s7 =	simm.s32 $0x9E80  }
0x6b: {  	[tilespmem:s29], [sflag:$0x2] =	stream.indirect.gather [spmem:s2], $0x20, s7, s22, $0xb8;
	[tilespmem:$0x1FE00] =	vst v63  }
0x6c: {  	s8 =	simm.s32 $0x9F00  }
0x6d: {  	[tilespmem:s24], [sflag:$0x3] =	stream.indirect.gather [spmem:s2], $0x20, s8, s22, $0xb8;
	[tilespmem:$0x1FE00] =	vst v63  }
0x6e: {  	s10 =	simm.s32 $0x9F80  }
0x6f: {  	[tilespmem:s31], [sflag:$0x4] =	stream.indirect.gather [spmem:s2], $0x20, s10, s22, $0xb8;
	[tilespmem:$0x1FE00] =	vst v63  }
0x70: {  	s11 =	simm.s32 $0xA000  }
0x71: {  	[tilespmem:s5], [sflag:$0x5] =	stream.indirect.gather [spmem:s2], $0x20, s11, s22, $0xb8;
	[tilespmem:$0x1FE00] =	vst v63  }
0x72: {  	s12 =	simm.s32 $0xA080;
	s7 =	simm.s32 $0x13E00  }
0x73: {  	[tilespmem:s7], [sflag:$0x6] =	stream.indirect.gather [spmem:s2], $0x20, s12, s22, $0xb8;
	[tilespmem:$0x1FE00] =	vst v63  }
0x74: {  	s18 =	simm.s32 $0xA100;
	s8 =	simm.s32 $0x14E00  }
0x75: {  	[tilespmem:s8], [sflag:$0x7] =	stream.indirect.gather [spmem:s2], $0x20, s18, s22, $0xb8;
	[tilespmem:$0x1FE00] =	vst v63  }
0x76: {  	s19 =	simm.s32 $0xA180;
	s10 =	simm.s32 $0x15E00  }
0x77: {  	[tilespmem:s10], [sflag:$0x8] =	stream.indirect.gather [spmem:s2], $0x20, s19, s22, $0xb8;
	[tilespmem:$0x1FE00] =	vst v63  }
0x78: {  	s23 =	simm.s32 $0xA200;
	s30 =	simm.s32 $0x16E00  }
0x79: {  	[tilespmem:s30], [sflag:$0x9] =	stream.indirect.gather [spmem:s2], $0x20, s23, s22, $0xb8;
	[tilespmem:$0x1FE00] =	vst v63  }
0x7a: {  	s25 =	simm.s32 $0xA280;
	s28 =	simm.s32 $0x17E00  }
0x7b: {  	[tilespmem:s28], [sflag:$0xA] =	stream.indirect.gather [spmem:s2], $0x20, s25, s22, $0xb8;
	[tilespmem:$0x1FE00] =	vst v63  }
0x7c: {  	s26 =	simm.s32 $0xA300;
	s25 =	simm.s32 $0x18E00  }
0x7d: {  	[tilespmem:s25], [sflag:$0xB] =	stream.indirect.gather [spmem:s2], $0x20, s26, s22, $0xb8;
	[tilespmem:$0x1FE00] =	vst v63  }
0x7e: {  	s0 =	simm.s32 $0xA380;
	s23 =	simm.s32 $0x19E00  }
0x7f: {  	[tilespmem:s23], [sflag:$0xC] =	stream.indirect.gather [spmem:s2], $0x20, s0, s22, $0xb8;
	[tilespmem:$0x1FE00] =	vst v63  }
0x80: {  	s4 =	simm.s32 $0xA400;
	s19 =	simm.s32 $0x1AE00  }
0x81: {  	[tilespmem:s19], [sflag:$0xD] =	stream.indirect.gather [spmem:s2], $0x20, s4, s22, $0xb8;
	[tilespmem:$0x1FE00] =	vst v63  }
0x82: {  	s11 =	simm.s32 $0xA480;
	s0 =	simm.s32 $0x1BE00  }
0x83: {  	[tilespmem:s0], [sflag:$0xE] =	stream.indirect.gather [spmem:s2], $0x20, s11, s22, $0xb8;
	[tilespmem:$0x1FE00] =	vst v63  }
0x84: {  	s12 =	simm.s32 $0xA500;
	s18 =	simm.s32 $0x1CE00  }
0x85: {  	[tilespmem:s18], [sflag:$0xF] =	stream.indirect.gather [spmem:s2], $0x20, s12, s22, $0xb8;
	[tilespmem:$0x1FE00] =	vst v63  }
0x86: {  	s26 =	simm.s32 $0xA580;
	s11 =	simm.s32 $0x1DE00;
	s12 =	simm.s32 $0x1  }
0x87: {  	[tilespmem:s11], [sflag:$0x10] =	stream.indirect.gather [spmem:s2], $0x20, s26, s22, $0xb8;
	[tilespmem:$0x1FE00] =	vst v63  }
0x88: {  	_ =	swait.ge [sflag:s12], $0x1000  }
0x89: {  	[sflag:s12] =	ssyncset.done $0x0  }
0x8a: {  	s4 =	simm.s32 $0xC600;
	[sflag:s12] =	ssyncadd.s32 $0xFFFFF000  }
0x8b: {  	[spmem:s3] =	stream.indirect.scatter.add.f32 [tilespmem:s17], [sflag:$0x13], $0x20, s4, s22, $0xb8;
	[tilespmem:$0x1FE00] =	vst v63  }
0x8c: {  	_ =	swait.ge [sflag:s13], $0x1000  }
0x8d: {  	[sflag:s13] =	ssyncset.done $0x0  }
0x8e: {  	s26 =	simm.s32 $0xC680;
	[sflag:s13] =	ssyncadd.s32 $0xFFFFF000  }
0x8f: {  	[spmem:s3] =	stream.indirect.scatter.add.f32 [tilespmem:s29], [sflag:$0x13], $0x20, s26, s22, $0xb8;
	[tilespmem:$0x1FE00] =	vst v63  }
0x90: {  	_ =	swait.ge [sflag:s14], $0x1000  }
0x91: {  	[sflag:s14] =	ssyncset.done $0x0  }
0x92: {  	s4 =	simm.s32 $0xC700;
	[sflag:s14] =	ssyncadd.s32 $0xFFFFF000  }
0x93: {  	[spmem:s3] =	stream.indirect.scatter.add.f32 [tilespmem:s24], [sflag:$0x13], $0x20, s4, s22, $0xb8;
	[tilespmem:$0x1FE00] =	vst v63  }
0x94: {  	_ =	swait.ge [sflag:s15], $0x1000  }
0x95: {  	[sflag:s15] =	ssyncset.done $0x0  }
0x96: {  	s24 =	simm.s32 $0xC780;
	[sflag:s15] =	ssyncadd.s32 $0xFFFFF000  }
0x97: {  	[spmem:s3] =	stream.indirect.scatter.add.f32 [tilespmem:s31], [sflag:$0x13], $0x20, s24, s22, $0xb8;
	[tilespmem:$0x1FE00] =	vst v63  }
0x98: {  	_ =	swait.ge [sflag:s16], $0x1000  }
0x99: {  	[sflag:s16] =	ssyncset.done $0x0  }
0x9a: {  	s26 =	simm.s32 $0xC800;
	[sflag:s16] =	ssyncadd.s32 $0xFFFFF000  }
0x9b: {  	[spmem:s3] =	stream.indirect.scatter.add.f32 [tilespmem:s5], [sflag:$0x13], $0x20, s26, s22, $0xb8;
	[tilespmem:$0x1FE00] =	vst v63  }
0x9c: {  	_ =	swait.ge [sflag:s6], $0x1000  }
0x9d: {  	[sflag:s6] =	ssyncset.done $0x0  }
0x9e: {  	s4 =	simm.s32 $0xC880;
	[sflag:s6] =	ssyncadd.s32 $0xFFFFF000  }
0x9f: {  	[spmem:s3] =	stream.indirect.scatter.add.f32 [tilespmem:s7], [sflag:$0x13], $0x20, s4, s22, $0xb8;
	[tilespmem:$0x1FE00] =	vst v63  }
0xa0: {  	_ =	swait.ge [sflag:s20], $0x1000  }
0xa1: {  	[sflag:s20] =	ssyncset.done $0x0  }
0xa2: {  	s24 =	simm.s32 $0xC900;
	[sflag:s20] =	ssyncadd.s32 $0xFFFFF000  }
0xa3: {  	[spmem:s3] =	stream.indirect.scatter.add.f32 [tilespmem:s8], [sflag:$0x13], $0x20, s24, s22, $0xb8;
	[tilespmem:$0x1FE00] =	vst v63  }
0xa4: {  	_ =	swait.ge [sflag:s9], $0x1000  }
0xa5: {  	[sflag:s9] =	ssyncset.done $0x0  }
0xa6: {  	s26 =	simm.s32 $0xC980;
	[sflag:s9] =	ssyncadd.s32 $0xFFFFF000  }
0xa7: {  	[spmem:s3] =	stream.indirect.scatter.add.f32 [tilespmem:s10], [sflag:$0x13], $0x20, s26, s22, $0xb8;
	[tilespmem:$0x1FE00] =	vst v63  }
0xa8: {  	_ =	swait.ge [sflag:s21], $0x1000  }
0xa9: {  	[sflag:s21] =	ssyncset.done $0x0  }
0xaa: {  	[sflag:s21] =	ssyncadd.s32 $0xFFFFF000  }
0xab: {  	_ =	swait.ge [sflag:s21], $0x1000  }
0xac: {  	[sflag:s21] =	ssyncset.done $0x0  }
0xad: {  	[sflag:s21] =	ssyncadd.s32 $0xFFFFF000  }
0xae: {  	_ =	swait.ge [sflag:s21], $0x1000  }
0xaf: {  	[sflag:s21] =	ssyncset.done $0x0  }
0xb0: {  	[sflag:s21] =	ssyncadd.s32 $0xFFFFF000  }
0xb1: {  	_ =	swait.ge [sflag:s21], $0x1000  }
0xb2: {  	[sflag:s21] =	ssyncset.done $0x0  }
0xb3: {  	[sflag:s21] =	ssyncadd.s32 $0xFFFFF000  }
0xb4: {  	_ =	swait.ge [sflag:s21], $0x1000  }
0xb5: {  	[sflag:s21] =	ssyncset.done $0x0  }
0xb6: {  	[sflag:s21] =	ssyncadd.s32 $0xFFFFF000  }
0xb7: {  	_ =	swait.ge [sflag:s21], $0x1000  }
0xb8: {  	[sflag:s21] =	ssyncset.done $0x0  }
0xb9: {  	[sflag:s21] =	ssyncadd.s32 $0xFFFFF000  }
0xba: {  	_ =	swait.ge [sflag:s21], $0x1000  }
0xbb: {  	[sflag:s21] =	ssyncset.done $0x0  }
0xbc: {  	[sflag:s21] =	ssyncadd.s32 $0xFFFFF000  }
0xbd: {  	p0 =	por $0x0, $0x0;
	_ =	swait.ge [sflag:s21], $0x1000  }
0xbe: {  	s1 =	simm.s32 @!p0 $0xEE00;
	[sflag:s21] =	ssyncset.done $0x0  }
0xbf: {  	s4 =	simm.s32 @!p0 $0xA600;
	s26 =	simm.s32 @!p0 $0x80;
	[sflag:s21] =	ssyncadd.s32 $0xFFFFF000  }
0xc0: {  	[tilespmem:s1], [sflag:$0x1] =	stream.indirect.gather @!p0 [spmem:s2], $0x20, s4, s26, $0xb8;
	[tilespmem:$0x1FE00] =	vst v63  }
0xc1: {  	s1 =	simm.s32 @!p0 $0xA680;
	s4 =	simm.s32 @!p0 $0xFE00  }
0xc2: {  	[tilespmem:s4], [sflag:$0x2] =	stream.indirect.gather @!p0 [spmem:s2], $0x20, s1, s26, $0xb8;
	[tilespmem:$0x1FE00] =	vst v63  }
0xc3: {  	s1 =	simm.s32 @!p0 $0xA700;
	s4 =	simm.s32 @!p0 $0x10E00  }
0xc4: {  	[tilespmem:s4], [sflag:$0x3] =	stream.indirect.gather @!p0 [spmem:s2], $0x20, s1, s26, $0xb8;
	[tilespmem:$0x1FE00] =	vst v63  }
0xc5: {  	s1 =	simm.s32 @!p0 $0xA780;
	s4 =	simm.s32 @!p0 $0x11E00  }
0xc6: {  	[tilespmem:s4], [sflag:$0x4] =	stream.indirect.gather @!p0 [spmem:s2], $0x20, s1, s26, $0xb8;
	[tilespmem:$0x1FE00] =	vst v63  }
0xc7: {  	s1 =	simm.s32 @!p0 $0xA800;
	s4 =	simm.s32 @!p0 $0x12E00  }
0xc8: {  	[tilespmem:s4], [sflag:$0x5] =	stream.indirect.gather @!p0 [spmem:s2], $0x20, s1, s26, $0xb8;
	[tilespmem:$0x1FE00] =	vst v63  }
0xc9: {  	s1 =	simm.s32 @!p0 $0xA880;
	s4 =	simm.s32 @!p0 $0x13E00  }
0xca: {  	[tilespmem:s4], [sflag:$0x6] =	stream.indirect.gather @!p0 [spmem:s2], $0x20, s1, s26, $0xb8;
	[tilespmem:$0x1FE00] =	vst v63  }
0xcb: {  	s1 =	simm.s32 @!p0 $0xA900;
	s4 =	simm.s32 @!p0 $0x14E00  }
0xcc: {  	[tilespmem:s4], [sflag:$0x7] =	stream.indirect.gather @!p0 [spmem:s2], $0x20, s1, s26, $0xb8;
	[tilespmem:$0x1FE00] =	vst v63  }
0xcd: {  	s1 =	simm.s32 @!p0 $0xA980;
	s4 =	simm.s32 @!p0 $0x15E00  }
0xce: {  	[tilespmem:s4], [sflag:$0x8] =	stream.indirect.gather @!p0 [spmem:s2], $0x20, s1, s26, $0xb8;
	[tilespmem:$0x1FE00] =	vst v63  }
0xcf: {  	s4 =	simm.s32 $0x9  }
0xd0: {  	_ =	swait.ge [sflag:s4], $0x1000  }
0xd1: {  	[sflag:s4] =	ssyncset.done $0x0  }
0xd2: {  	s24 =	simm.s32 $0xCA00;
	s26 =	simm.s32 $0xA;
	[sflag:s4] =	ssyncadd.s32 $0xFFFFF000  }
0xd3: {  	[spmem:s3] =	stream.indirect.scatter.add.f32 [tilespmem:s30], [sflag:$0x13], $0x20, s24, s22, $0xb8;
	[tilespmem:$0x1FE00] =	vst v63  }
0xd4: {  	_ =	swait.ge [sflag:s26], $0x1000  }
0xd5: {  	[sflag:s26] =	ssyncset.done $0x0  }
0xd6: {  	s4 =	simm.s32 $0xB;
	s30 =	simm.s32 $0xCA80;
	[sflag:s26] =	ssyncadd.s32 $0xFFFFF000  }
0xd7: {  	[spmem:s3] =	stream.indirect.scatter.add.f32 [tilespmem:s28], [sflag:$0x13], $0x20, s30, s22, $0xb8;
	[tilespmem:$0x1FE00] =	vst v63  }
0xd8: {  	_ =	swait.ge [sflag:s4], $0x1000  }
0xd9: {  	[sflag:s4] =	ssyncset.done $0x0  }
0xda: {  	s24 =	simm.s32 $0xCB00;
	s26 =	simm.s32 $0xC;
	[sflag:s4] =	ssyncadd.s32 $0xFFFFF000  }
0xdb: {  	[spmem:s3] =	stream.indirect.scatter.add.f32 [tilespmem:s25], [sflag:$0x13], $0x20, s24, s22, $0xb8;
	[tilespmem:$0x1FE00] =	vst v63  }
0xdc: {  	_ =	swait.ge [sflag:s26], $0x1000  }
0xdd: {  	[sflag:s26] =	ssyncset.done $0x0  }
0xde: {  	s28 =	simm.s32 $0xCB80;
	s30 =	simm.s32 $0xD;
	[sflag:s26] =	ssyncadd.s32 $0xFFFFF000  }
0xdf: {  	[spmem:s3] =	stream.indirect.scatter.add.f32 [tilespmem:s23], [sflag:$0x13], $0x20, s28, s22, $0xb8;
	[tilespmem:$0x1FE00] =	vst v63  }
0xe0: {  	_ =	swait.ge [sflag:s30], $0x1000  }
0xe1: {  	[sflag:s30] =	ssyncset.done $0x0  }
0xe2: {  	s4 =	simm.s32 $0xCC00;
	s23 =	simm.s32 $0xE;
	[sflag:s30] =	ssyncadd.s32 $0xFFFFF000  }
0xe3: {  	[spmem:s3] =	stream.indirect.scatter.add.f32 [tilespmem:s19], [sflag:$0x13], $0x20, s4, s22, $0xb8;
	[tilespmem:$0x1FE00] =	vst v63  }
0xe4: {  	_ =	swait.ge [sflag:s23], $0x1000  }
0xe5: {  	[sflag:s23] =	ssyncset.done $0x0  }
0xe6: {  	s24 =	simm.s32 $0xCC80;
	s25 =	simm.s32 $0xF;
	[sflag:s23] =	ssyncadd.s32 $0xFFFFF000  }
0xe7: {  	[spmem:s3] =	stream.indirect.scatter.add.f32 [tilespmem:s0], [sflag:$0x13], $0x20, s24, s22, $0xb8;
	[tilespmem:$0x1FE00] =	vst v63  }
0xe8: {  	_ =	swait.ge [sflag:s25], $0x1000  }
0xe9: {  	[sflag:s25] =	ssyncset.done $0x0  }
0xea: {  	s26 =	simm.s32 $0xCD00;
	s28 =	simm.s32 $0x10;
	[sflag:s25] =	ssyncadd.s32 $0xFFFFF000  }
0xeb: {  	[spmem:s3] =	stream.indirect.scatter.add.f32 [tilespmem:s18], [sflag:$0x13], $0x20, s26, s22, $0xb8;
	[tilespmem:$0x1FE00] =	vst v63  }
0xec: {  	_ =	swait.ge [sflag:s28], $0x1000  }
0xed: {  	[sflag:s28] =	ssyncset.done $0x0  }
0xee: {  	s30 =	simm.s32 $0xCD80;
	[sflag:s28] =	ssyncadd.s32 $0xFFFFF000  }
0xef: {  	[spmem:s3] =	stream.indirect.scatter.add.f32 [tilespmem:s11], [sflag:$0x13], $0x20, s30, s22, $0xb8;
	[tilespmem:$0x1FE00] =	vst v63  }
0xf0: {  	_ =	swait.ge [sflag:s21], $0x1000  }
0xf1: {  	[sflag:s21] =	ssyncset.done $0x0  }
0xf2: {  	[sflag:s21] =	ssyncadd.s32 $0xFFFFF000  }
0xf3: {  	_ =	swait.ge [sflag:s21], $0x1000  }
0xf4: {  	[sflag:s21] =	ssyncset.done $0x0  }
0xf5: {  	[sflag:s21] =	ssyncadd.s32 $0xFFFFF000  }
0xf6: {  	_ =	swait.ge [sflag:s21], $0x1000  }
0xf7: {  	[sflag:s21] =	ssyncset.done $0x0  }
0xf8: {  	[sflag:s21] =	ssyncadd.s32 $0xFFFFF000  }
0xf9: {  	_ =	swait.ge [sflag:s21], $0x1000  }
0xfa: {  	[sflag:s21] =	ssyncset.done $0x0  }
0xfb: {  	[sflag:s21] =	ssyncadd.s32 $0xFFFFF000  }
0xfc: {  	_ =	swait.ge [sflag:s21], $0x1000  }
0xfd: {  	[sflag:s21] =	ssyncset.done $0x0  }
0xfe: {  	[sflag:s21] =	ssyncadd.s32 $0xFFFFF000  }
0xff: {  	_ =	swait.ge [sflag:s21], $0x1000  }
0x100: {  	[sflag:s21] =	ssyncset.done $0x0  }
0x101: {  	[sflag:s21] =	ssyncadd.s32 $0xFFFFF000  }
0x102: {  	_ =	swait.ge [sflag:s21], $0x1000  }
0x103: {  	[sflag:s21] =	ssyncset.done $0x0  }
0x104: {  	[sflag:s21] =	ssyncadd.s32 $0xFFFFF000  }
0x105: {  	s31 =	simm.s32 $0x4000;
	_ =	swait.ge [sflag:s21], $0x1000  }
0x106: {  	s4 =	simm.s32 $0x800;
	s26 =	simm.s32 $0x2000;
	[sflag:s21] =	ssyncset.done $0x0  }
.LBB2_6:
0x107: {  	s24 =	sadd.s32 $0xA200, s4;
	[sflag:s21] =	ssyncadd.s32 $0xFFFFF000  }
0x108: {  	s1 =	smov.u32 s31;
	s31 =	sadd.s32 $0x2000, s31;
	s30 =	simm.s32 $0x16E00  }
0x109: {  	[tilespmem:s30], [sflag:$0x9] =	stream.indirect.gather [spmem:s2], $0x20, s24, s22, $0xb8;
	[tilespmem:$0x1FE00] =	vst v63  }
0x10a: {  	s28 =	simm.s32 $0x17E00;
	p0 =	sne.s32 s31, $0xA000;
	s24 =	sadd.s32 $0xA280, s4  }
0x10b: {  	[tilespmem:s28], [sflag:$0xA] =	stream.indirect.gather [spmem:s2], $0x20, s24, s22, $0xb8;
	[tilespmem:$0x1FE00] =	vst v63  }
0x10c: {  	s25 =	simm.s32 $0x18E00;
	s24 =	sadd.s32 $0xA300, s4  }
0x10d: {  	[tilespmem:s25], [sflag:$0xB] =	stream.indirect.gather [spmem:s2], $0x20, s24, s22, $0xb8;
	[tilespmem:$0x1FE00] =	vst v63  }
0x10e: {  	s23 =	simm.s32 $0x19E00;
	s24 =	sadd.s32 $0xA380, s4  }
0x10f: {  	[tilespmem:s23], [sflag:$0xC] =	stream.indirect.gather [spmem:s2], $0x20, s24, s22, $0xb8;
	[tilespmem:$0x1FE00] =	vst v63  }
0x110: {  	s19 =	simm.s32 $0x1AE00;
	s24 =	sadd.s32 $0xA400, s4  }
0x111: {  	[tilespmem:s19], [sflag:$0xD] =	stream.indirect.gather [spmem:s2], $0x20, s24, s22, $0xb8;
	[tilespmem:$0x1FE00] =	vst v63  }
0x112: {  	s0 =	simm.s32 $0x1BE00;
	s24 =	sadd.s32 $0xA480, s4  }
0x113: {  	[tilespmem:s0], [sflag:$0xE] =	stream.indirect.gather [spmem:s2], $0x20, s24, s22, $0xb8;
	[tilespmem:$0x1FE00] =	vst v63  }
0x114: {  	s18 =	simm.s32 $0x1CE00;
	s24 =	sadd.s32 $0xA500, s4  }
0x115: {  	[tilespmem:s18], [sflag:$0xF] =	stream.indirect.gather [spmem:s2], $0x20, s24, s22, $0xb8;
	[tilespmem:$0x1FE00] =	vst v63  }
0x116: {  	s11 =	simm.s32 $0x1DE00;
	s24 =	sadd.s32 $0xA580, s4  }
0x117: {  	[tilespmem:s11], [sflag:$0x10] =	stream.indirect.gather [spmem:s2], $0x20, s24, s22, $0xb8;
	[tilespmem:$0x1FE00] =	vst v63  }
0x118: {  	_ =	swait.ge [sflag:s12], $0x1000  }
0x119: {  	[sflag:s12] =	ssyncset.done $0x0  }
0x11a: {  	s24 =	sadd.s32 $0xC600, s4;
	[sflag:s12] =	ssyncadd.s32 $0xFFFFF000  }
0x11b: {  	[spmem:s3] =	stream.indirect.scatter.add.f32 [tilespmem:s17], [sflag:$0x13], $0x20, s24, s22, $0xb8;
	[tilespmem:$0x1FE00] =	vst v63  }
0x11c: {  	_ =	swait.ge [sflag:s13], $0x1000  }
0x11d: {  	[sflag:s13] =	ssyncset.done $0x0  }
0x11e: {  	s24 =	sadd.s32 $0xC680, s4;
	[sflag:s13] =	ssyncadd.s32 $0xFFFFF000  }
0x11f: {  	[spmem:s3] =	stream.indirect.scatter.add.f32 [tilespmem:s29], [sflag:$0x13], $0x20, s24, s22, $0xb8;
	[tilespmem:$0x1FE00] =	vst v63  }
0x120: {  	_ =	swait.ge [sflag:s14], $0x1000  }
0x121: {  	[sflag:s14] =	ssyncset.done $0x0  }
0x122: {  	s17 =	simm.s32 $0x10E00;
	s24 =	sadd.s32 $0xC700, s4;
	[sflag:s14] =	ssyncadd.s32 $0xFFFFF000  }
0x123: {  	[spmem:s3] =	stream.indirect.scatter.add.f32 [tilespmem:s17], [sflag:$0x13], $0x20, s24, s22, $0xb8;
	[tilespmem:$0x1FE00] =	vst v63  }
0x124: {  	_ =	swait.ge [sflag:s15], $0x1000  }
0x125: {  	[sflag:s15] =	ssyncset.done $0x0  }
0x126: {  	s24 =	sadd.s32 $0xC780, s4;
	s17 =	simm.s32 $0x11E00;
	[sflag:s15] =	ssyncadd.s32 $0xFFFFF000  }
0x127: {  	[spmem:s3] =	stream.indirect.scatter.add.f32 [tilespmem:s17], [sflag:$0x13], $0x20, s24, s22, $0xb8;
	[tilespmem:$0x1FE00] =	vst v63  }
0x128: {  	_ =	swait.ge [sflag:s16], $0x1000  }
0x129: {  	[sflag:s16] =	ssyncset.done $0x0  }
0x12a: {  	s24 =	sadd.s32 $0xC800, s4;
	[sflag:s16] =	ssyncadd.s32 $0xFFFFF000  }
0x12b: {  	[spmem:s3] =	stream.indirect.scatter.add.f32 [tilespmem:s5], [sflag:$0x13], $0x20, s24, s22, $0xb8;
	[tilespmem:$0x1FE00] =	vst v63  }
0x12c: {  	_ =	swait.ge [sflag:s6], $0x1000  }
0x12d: {  	[sflag:s6] =	ssyncset.done $0x0  }
0x12e: {  	s24 =	sadd.s32 $0xC880, s4;
	[sflag:s6] =	ssyncadd.s32 $0xFFFFF000  }
0x12f: {  	[spmem:s3] =	stream.indirect.scatter.add.f32 [tilespmem:s7], [sflag:$0x13], $0x20, s24, s22, $0xb8;
	[tilespmem:$0x1FE00] =	vst v63  }
0x130: {  	_ =	swait.ge [sflag:s20], $0x1000  }
0x131: {  	[sflag:s20] =	ssyncset.done $0x0  }
0x132: {  	s24 =	sadd.s32 $0xC900, s4;
	[sflag:s20] =	ssyncadd.s32 $0xFFFFF000  }
0x133: {  	[spmem:s3] =	stream.indirect.scatter.add.f32 [tilespmem:s8], [sflag:$0x13], $0x20, s24, s22, $0xb8;
	[tilespmem:$0x1FE00] =	vst v63  }
0x134: {  	_ =	swait.ge [sflag:s9], $0x1000  }
0x135: {  	[sflag:s9] =	ssyncset.done $0x0  }
0x136: {  	s24 =	sadd.s32 $0xC980, s4;
	[sflag:s9] =	ssyncadd.s32 $0xFFFFF000  }
0x137: {  	[spmem:s3] =	stream.indirect.scatter.add.f32 [tilespmem:s10], [sflag:$0x13], $0x20, s24, s22, $0xb8;
	[tilespmem:$0x1FE00] =	vst v63  }
0x138: {  	_ =	swait.ge [sflag:s21], $0x1000  }
0x139: {  	[sflag:s21] =	ssyncset.done $0x0  }
0x13a: {  	[sflag:s21] =	ssyncadd.s32 $0xFFFFF000  }
0x13b: {  	_ =	swait.ge [sflag:s21], $0x1000  }
0x13c: {  	[sflag:s21] =	ssyncset.done $0x0  }
0x13d: {  	[sflag:s21] =	ssyncadd.s32 $0xFFFFF000  }
0x13e: {  	_ =	swait.ge [sflag:s21], $0x1000  }
0x13f: {  	[sflag:s21] =	ssyncset.done $0x0  }
0x140: {  	[sflag:s21] =	ssyncadd.s32 $0xFFFFF000  }
0x141: {  	_ =	swait.ge [sflag:s21], $0x1000  }
0x142: {  	[sflag:s21] =	ssyncset.done $0x0  }
0x143: {  	[sflag:s21] =	ssyncadd.s32 $0xFFFFF000  }
0x144: {  	_ =	swait.ge [sflag:s21], $0x1000  }
0x145: {  	[sflag:s21] =	ssyncset.done $0x0  }
0x146: {  	[sflag:s21] =	ssyncadd.s32 $0xFFFFF000  }
0x147: {  	_ =	swait.ge [sflag:s21], $0x1000  }
0x148: {  	[sflag:s21] =	ssyncset.done $0x0  }
0x149: {  	[sflag:s21] =	ssyncadd.s32 $0xFFFFF000  }
0x14a: {  	_ =	swait.ge [sflag:s21], $0x1000  }
0x14b: {  	[sflag:s21] =	ssyncset.done $0x0  }
0x14c: {  	[sflag:s21] =	ssyncadd.s32 $0xFFFFF000  }
0x14d: {  	p1 =	seq.s32 s26, $0x8000;
	_ =	swait.ge [sflag:s21], $0x1000  }
0x14e: {  	s24 =	sshra.s32 @!p1 s26, $0x2;
	s26 =	simm.s32 @!p1 $0xEE00;
	[sflag:s21] =	ssyncset.done $0x0  }
0x14f: {  	s5 =	simm.s32 @!p1 $0x80;
	s29 =	sadd.s32 @!p1 $0xA600, s24;
	[sflag:s21] =	ssyncadd.s32 $0xFFFFF000  }
0x150: {  	[tilespmem:s26], [sflag:$0x1] =	stream.indirect.gather @!p1 [spmem:s2], $0x20, s29, s5, $0xb8;
	[tilespmem:$0x1FE00] =	vst v63  }
0x151: {  	s17 =	sadd.s32 @!p1 $0xA700, s24;
	s26 =	sadd.s32 @!p1 $0xA680, s24;
	s29 =	simm.s32 @!p1 $0xFE00  }
0x152: {  	[tilespmem:s29], [sflag:$0x2] =	stream.indirect.gather @!p1 [spmem:s2], $0x20, s26, s5, $0xb8;
	[tilespmem:$0x1FE00] =	vst v63  }
0x153: {  	s7 =	sadd.s32 @!p1 $0xA800, s24;
	s26 =	simm.s32 @!p1 $0x10E00;
	s29 =	sadd.s32 @!p1 $0xA780, s24  }
0x154: {  	[tilespmem:s26], [sflag:$0x3] =	stream.indirect.gather @!p1 [spmem:s2], $0x20, s17, s5, $0xb8;
	[tilespmem:$0x1FE00] =	vst v63  }
0x155: {  	s8 =	sadd.s32 @!p1 $0xA880, s24;
	s10 =	sadd.s32 @!p1 $0xA900, s24;
	s17 =	simm.s32 @!p1 $0x11E00  }
0x156: {  	[tilespmem:s17], [sflag:$0x4] =	stream.indirect.gather @!p1 [spmem:s2], $0x20, s29, s5, $0xb8;
	[tilespmem:$0x1FE00] =	vst v63  }
0x157: {  	s29 =	simm.s32 $0xFE00  }
0x158: {  	s24 =	sadd.s32 @!p1 $0xA980, s24;
	s26 =	smov.u32 s1;
	s17 =	simm.s32 @!p1 $0x12E00  }
0x159: {  	[tilespmem:s17], [sflag:$0x5] =	stream.indirect.gather @!p1 [spmem:s2], $0x20, s7, s5, $0xb8;
	[tilespmem:$0x1FE00] =	vst v63  }
0x15a: {  	s7 =	simm.s32 $0x13E00;
	s17 =	simm.s32 $0xEE00  }
0x15b: {  	s1 =	simm.s32 @!p1 $0x13E00  }
0x15c: {  	[tilespmem:s1], [sflag:$0x6] =	stream.indirect.gather @!p1 [spmem:s2], $0x20, s8, s5, $0xb8;
	[tilespmem:$0x1FE00] =	vst v63  }
0x15d: {  	s8 =	simm.s32 $0x14E00  }
0x15e: {  	s1 =	simm.s32 @!p1 $0x14E00  }
0x15f: {  	[tilespmem:s1], [sflag:$0x7] =	stream.indirect.gather @!p1 [spmem:s2], $0x20, s10, s5, $0xb8;
	[tilespmem:$0x1FE00] =	vst v63  }
0x160: {  	s10 =	simm.s32 $0x15E00  }
0x161: {  	s1 =	simm.s32 @!p1 $0x15E00  }
0x162: {  	[tilespmem:s1], [sflag:$0x8] =	stream.indirect.gather @!p1 [spmem:s2], $0x20, s24, s5, $0xb8;
	[tilespmem:$0x1FE00] =	vst v63  }
0x163: {  	s24 =	simm.s32 $0x9;
	s5 =	simm.s32 $0x12E00  }
0x164: {  	_ =	swait.ge [sflag:s24], $0x1000  }
0x165: {  	[sflag:s24] =	ssyncset.done $0x0  }
0x166: {  	s1 =	sadd.s32 $0xCA00, s4;
	[sflag:s24] =	ssyncadd.s32 $0xFFFFF000  }
0x167: {  	[spmem:s3] =	stream.indirect.scatter.add.f32 [tilespmem:s30], [sflag:$0x13], $0x20, s1, s22, $0xb8;
	[tilespmem:$0x1FE00] =	vst v63  }
0x168: {  	s1 =	simm.s32 $0xA  }
0x169: {  	_ =	swait.ge [sflag:s1], $0x1000  }
0x16a: {  	[sflag:s1] =	ssyncset.done $0x0  }
0x16b: {  	[sflag:s1] =	ssyncadd.s32 $0xFFFFF000;
	s1 =	sadd.s32 $0xCA80, s4  }
0x16c: {  	[spmem:s3] =	stream.indirect.scatter.add.f32 [tilespmem:s28], [sflag:$0x13], $0x20, s1, s22, $0xb8;
	[tilespmem:$0x1FE00] =	vst v63  }
0x16d: {  	s1 =	simm.s32 $0xB  }
0x16e: {  	_ =	swait.ge [sflag:s1], $0x1000  }
0x16f: {  	[sflag:s1] =	ssyncset.done $0x0  }
0x170: {  	[sflag:s1] =	ssyncadd.s32 $0xFFFFF000;
	s1 =	sadd.s32 $0xCB00, s4  }
0x171: {  	[spmem:s3] =	stream.indirect.scatter.add.f32 [tilespmem:s25], [sflag:$0x13], $0x20, s1, s22, $0xb8;
	[tilespmem:$0x1FE00] =	vst v63  }
0x172: {  	s1 =	simm.s32 $0xC  }
0x173: {  	_ =	swait.ge [sflag:s1], $0x1000  }
0x174: {  	[sflag:s1] =	ssyncset.done $0x0  }
0x175: {  	[sflag:s1] =	ssyncadd.s32 $0xFFFFF000;
	s1 =	sadd.s32 $0xCB80, s4  }
0x176: {  	[spmem:s3] =	stream.indirect.scatter.add.f32 [tilespmem:s23], [sflag:$0x13], $0x20, s1, s22, $0xb8;
	[tilespmem:$0x1FE00] =	vst v63  }
0x177: {  	s1 =	simm.s32 $0xD  }
0x178: {  	_ =	swait.ge [sflag:s1], $0x1000  }
0x179: {  	[sflag:s1] =	ssyncset.done $0x0  }
0x17a: {  	[sflag:s1] =	ssyncadd.s32 $0xFFFFF000;
	s1 =	sadd.s32 $0xCC00, s4  }
0x17b: {  	[spmem:s3] =	stream.indirect.scatter.add.f32 [tilespmem:s19], [sflag:$0x13], $0x20, s1, s22, $0xb8;
	[tilespmem:$0x1FE00] =	vst v63  }
0x17c: {  	s1 =	simm.s32 $0xE  }
0x17d: {  	_ =	swait.ge [sflag:s1], $0x1000  }
0x17e: {  	[sflag:s1] =	ssyncset.done $0x0  }
0x17f: {  	[sflag:s1] =	ssyncadd.s32 $0xFFFFF000;
	s1 =	sadd.s32 $0xCC80, s4  }
0x180: {  	[spmem:s3] =	stream.indirect.scatter.add.f32 [tilespmem:s0], [sflag:$0x13], $0x20, s1, s22, $0xb8;
	[tilespmem:$0x1FE00] =	vst v63  }
0x181: {  	s0 =	simm.s32 $0xF  }
0x182: {  	_ =	swait.ge [sflag:s0], $0x1000  }
0x183: {  	[sflag:s0] =	ssyncset.done $0x0  }
0x184: {  	s1 =	sadd.s32 $0xCD00, s4;
	[sflag:s0] =	ssyncadd.s32 $0xFFFFF000;
	s0 =	simm.s32 $0x10  }
0x185: {  	[spmem:s3] =	stream.indirect.scatter.add.f32 [tilespmem:s18], [sflag:$0x13], $0x20, s1, s22, $0xb8;
	[tilespmem:$0x1FE00] =	vst v63  }
0x186: {  	_ =	swait.ge [sflag:s0], $0x1000  }
0x187: {  	[sflag:s0] =	ssyncset.done $0x0  }
0x188: {  	s1 =	sadd.s32 $0xCD80, s4;
	[sflag:s0] =	ssyncadd.s32 $0xFFFFF000  }
0x189: {  	[spmem:s3] =	stream.indirect.scatter.add.f32 [tilespmem:s11], [sflag:$0x13], $0x20, s1, s22, $0xb8;
	[tilespmem:$0x1FE00] =	vst v63  }
0x18a: {  	_ =	swait.ge [sflag:s21], $0x1000  }
0x18b: {  	[sflag:s21] =	ssyncset.done $0x0  }
0x18c: {  	[sflag:s21] =	ssyncadd.s32 $0xFFFFF000  }
0x18d: {  	_ =	swait.ge [sflag:s21], $0x1000  }
0x18e: {  	[sflag:s21] =	ssyncset.done $0x0  }
0x18f: {  	[sflag:s21] =	ssyncadd.s32 $0xFFFFF000  }
0x190: {  	_ =	swait.ge [sflag:s21], $0x1000  }
0x191: {  	[sflag:s21] =	ssyncset.done $0x0  }
0x192: {  	[sflag:s21] =	ssyncadd.s32 $0xFFFFF000  }
0x193: {  	_ =	swait.ge [sflag:s21], $0x1000  }
0x194: {  	[sflag:s21] =	ssyncset.done $0x0  }
0x195: {  	[sflag:s21] =	ssyncadd.s32 $0xFFFFF000  }
0x196: {  	_ =	swait.ge [sflag:s21], $0x1000  }
0x197: {  	[sflag:s21] =	ssyncset.done $0x0  }
0x198: {  	[sflag:s21] =	ssyncadd.s32 $0xFFFFF000  }
0x199: {  	_ =	swait.ge [sflag:s21], $0x1000  }
0x19a: {  	[sflag:s21] =	ssyncset.done $0x0  }
0x19b: {  	[sflag:s21] =	ssyncadd.s32 $0xFFFFF000  }
.Ltmp2:
0x19c: {  	_ =	swait.ge [sflag:s21], $0x1000;
	(pc) =	sbr.rel @p0 .LBB2_6-.Ltmp2, $4  }
0x19d: {  	[sflag:s21] =	ssyncset.done $0x0  }
0x19e: {  	[sflag:s21] =	ssyncadd.s32 $0xFFFFF000  }
0x19f: {  	_ =	swait.ge [sflag:s21], $0x1000  }
0x1a0: {  	s4 =	sshra.s32 s26, $0x2;
	[sflag:s21] =	ssyncset.done $0x0  }
0x1a1: {  	s1 =	sadd.s32 $0xA200, s4;
	[sflag:s21] =	ssyncadd.s32 $0xFFFFF000;
	s30 =	simm.s32 $0x16E00  }
0x1a2: {  	[tilespmem:s30], [sflag:$0x9] =	stream.indirect.gather [spmem:s2], $0x20, s1, s22, $0xb8;
	[tilespmem:$0x1FE00] =	vst v63  }
0x1a3: {  	s19 =	sadd.s32 $0xA280, s4;
	s28 =	simm.s32 $0x17E00  }
0x1a4: {  	[tilespmem:s28], [sflag:$0xA] =	stream.indirect.gather [spmem:s2], $0x20, s19, s22, $0xb8;
	[tilespmem:$0x1FE00] =	vst v63  }
0x1a5: {  	s23 =	sadd.s32 $0xA300, s4;
	s25 =	simm.s32 $0x18E00  }
0x1a6: {  	[tilespmem:s25], [sflag:$0xB] =	stream.indirect.gather [spmem:s2], $0x20, s23, s22, $0xb8;
	[tilespmem:$0x1FE00] =	vst v63  }
0x1a7: {  	s0 =	sadd.s32 $0xA380, s4;
	s23 =	simm.s32 $0x19E00  }
0x1a8: {  	[tilespmem:s23], [sflag:$0xC] =	stream.indirect.gather [spmem:s2], $0x20, s0, s22, $0xb8;
	[tilespmem:$0x1FE00] =	vst v63  }
0x1a9: {  	s11 =	sadd.s32 $0xA400, s4;
	s19 =	simm.s32 $0x1AE00  }
0x1aa: {  	[tilespmem:s19], [sflag:$0xD] =	stream.indirect.gather [spmem:s2], $0x20, s11, s22, $0xb8;
	[tilespmem:$0x1FE00] =	vst v63  }
0x1ab: {  	s18 =	sadd.s32 $0xA480, s4;
	s0 =	simm.s32 $0x1BE00  }
0x1ac: {  	[tilespmem:s0], [sflag:$0xE] =	stream.indirect.gather [spmem:s2], $0x20, s18, s22, $0xb8;
	[tilespmem:$0x1FE00] =	vst v63  }
0x1ad: {  	s11 =	sadd.s32 $0xA500, s4;
	s18 =	simm.s32 $0x1CE00  }
0x1ae: {  	[tilespmem:s18], [sflag:$0xF] =	stream.indirect.gather [spmem:s2], $0x20, s11, s22, $0xb8;
	[tilespmem:$0x1FE00] =	vst v63  }
0x1af: {  	s1 =	sadd.s32 $0xA580, s4;
	s11 =	simm.s32 $0x1DE00  }
0x1b0: {  	[tilespmem:s11], [sflag:$0x10] =	stream.indirect.gather [spmem:s2], $0x20, s1, s22, $0xb8;
	[tilespmem:$0x1FE00] =	vst v63  }
0x1b1: {  	_ =	swait.ge [sflag:s12], $0x1000  }
0x1b2: {  	[sflag:s12] =	ssyncset.done $0x0  }
0x1b3: {  	[sflag:s12] =	ssyncadd.s32 $0xFFFFF000;
	s12 =	sadd.s32 $0xC600, s4  }
0x1b4: {  	[spmem:s3] =	stream.indirect.scatter.add.f32 [tilespmem:s17], [sflag:$0x13], $0x20, s12, s22, $0xb8;
	[tilespmem:$0x1FE00] =	vst v63  }
0x1b5: {  	_ =	swait.ge [sflag:s13], $0x1000  }
0x1b6: {  	[sflag:s13] =	ssyncset.done $0x0  }
0x1b7: {  	s12 =	sadd.s32 $0xC680, s4;
	[sflag:s13] =	ssyncadd.s32 $0xFFFFF000  }
0x1b8: {  	[spmem:s3] =	stream.indirect.scatter.add.f32 [tilespmem:s29], [sflag:$0x13], $0x20, s12, s22, $0xb8;
	[tilespmem:$0x1FE00] =	vst v63  }
0x1b9: {  	_ =	swait.ge [sflag:s14], $0x1000  }
0x1ba: {  	[sflag:s14] =	ssyncset.done $0x0  }
0x1bb: {  	s1 =	sadd.s32 $0xC700, s4;
	s12 =	simm.s32 $0x10E00;
	[sflag:s14] =	ssyncadd.s32 $0xFFFFF000  }
0x1bc: {  	[spmem:s3] =	stream.indirect.scatter.add.f32 [tilespmem:s12], [sflag:$0x13], $0x20, s1, s22, $0xb8;
	[tilespmem:$0x1FE00] =	vst v63  }
0x1bd: {  	_ =	swait.ge [sflag:s15], $0x1000  }
0x1be: {  	[sflag:s15] =	ssyncset.done $0x0  }
0x1bf: {  	s1 =	sadd.s32 $0xC780, s4;
	s12 =	simm.s32 $0x11E00;
	[sflag:s15] =	ssyncadd.s32 $0xFFFFF000  }
0x1c0: {  	[spmem:s3] =	stream.indirect.scatter.add.f32 [tilespmem:s12], [sflag:$0x13], $0x20, s1, s22, $0xb8;
	[tilespmem:$0x1FE00] =	vst v63  }
0x1c1: {  	_ =	swait.ge [sflag:s16], $0x1000  }
0x1c2: {  	[sflag:s16] =	ssyncset.done $0x0  }
0x1c3: {  	s12 =	sadd.s32 $0xC800, s4;
	[sflag:s16] =	ssyncadd.s32 $0xFFFFF000  }
0x1c4: {  	[spmem:s3] =	stream.indirect.scatter.add.f32 [tilespmem:s5], [sflag:$0x13], $0x20, s12, s22, $0xb8;
	[tilespmem:$0x1FE00] =	vst v63  }
0x1c5: {  	_ =	swait.ge [sflag:s6], $0x1000  }
0x1c6: {  	[sflag:s6] =	ssyncset.done $0x0  }
0x1c7: {  	s5 =	sadd.s32 $0xC880, s4;
	[sflag:s6] =	ssyncadd.s32 $0xFFFFF000  }
0x1c8: {  	[spmem:s3] =	stream.indirect.scatter.add.f32 [tilespmem:s7], [sflag:$0x13], $0x20, s5, s22, $0xb8;
	[tilespmem:$0x1FE00] =	vst v63  }
0x1c9: {  	_ =	swait.ge [sflag:s20], $0x1000  }
0x1ca: {  	[sflag:s20] =	ssyncset.done $0x0  }
0x1cb: {  	s12 =	sadd.s32 $0xC900, s4;
	[sflag:s20] =	ssyncadd.s32 $0xFFFFF000  }
0x1cc: {  	[spmem:s3] =	stream.indirect.scatter.add.f32 [tilespmem:s8], [sflag:$0x13], $0x20, s12, s22, $0xb8;
	[tilespmem:$0x1FE00] =	vst v63  }
0x1cd: {  	_ =	swait.ge [sflag:s9], $0x1000  }
0x1ce: {  	[sflag:s9] =	ssyncset.done $0x0  }
0x1cf: {  	s5 =	sadd.s32 $0xC980, s4;
	[sflag:s9] =	ssyncadd.s32 $0xFFFFF000  }
0x1d0: {  	[spmem:s3] =	stream.indirect.scatter.add.f32 [tilespmem:s10], [sflag:$0x13], $0x20, s5, s22, $0xb8;
	[tilespmem:$0x1FE00] =	vst v63  }
0x1d1: {  	_ =	swait.ge [sflag:s21], $0x1000  }
0x1d2: {  	[sflag:s21] =	ssyncset.done $0x0  }
0x1d3: {  	[sflag:s21] =	ssyncadd.s32 $0xFFFFF000  }
0x1d4: {  	_ =	swait.ge [sflag:s21], $0x1000  }
0x1d5: {  	[sflag:s21] =	ssyncset.done $0x0  }
0x1d6: {  	[sflag:s21] =	ssyncadd.s32 $0xFFFFF000  }
0x1d7: {  	_ =	swait.ge [sflag:s21], $0x1000  }
0x1d8: {  	[sflag:s21] =	ssyncset.done $0x0  }
0x1d9: {  	[sflag:s21] =	ssyncadd.s32 $0xFFFFF000  }
0x1da: {  	_ =	swait.ge [sflag:s21], $0x1000  }
0x1db: {  	[sflag:s21] =	ssyncset.done $0x0  }
0x1dc: {  	[sflag:s21] =	ssyncadd.s32 $0xFFFFF000  }
0x1dd: {  	_ =	swait.ge [sflag:s21], $0x1000  }
0x1de: {  	[sflag:s21] =	ssyncset.done $0x0  }
0x1df: {  	[sflag:s21] =	ssyncadd.s32 $0xFFFFF000  }
0x1e0: {  	_ =	swait.ge [sflag:s21], $0x1000  }
0x1e1: {  	[sflag:s21] =	ssyncset.done $0x0  }
0x1e2: {  	[sflag:s21] =	ssyncadd.s32 $0xFFFFF000  }
0x1e3: {  	_ =	swait.ge [sflag:s21], $0x1000  }
0x1e4: {  	[sflag:s21] =	ssyncset.done $0x0  }
0x1e5: {  	p0 =	seq.s32 s26, $0x8000;
	[sflag:s21] =	ssyncadd.s32 $0xFFFFF000  }
0x1e6: {  	s1 =	sshra.s32 @!p0 s26, $0x2;
	_ =	swait.ge [sflag:s21], $0x1000  }
0x1e7: {  	s7 =	sadd.s32 @!p0 $0xA600, s1;
	[sflag:s21] =	ssyncset.done $0x0  }
0x1e8: {  	s8 =	simm.s32 @!p0 $0x80;
	s5 =	simm.s32 @!p0 $0xEE00;
	[sflag:s21] =	ssyncadd.s32 $0xFFFFF000  }
0x1e9: {  	[tilespmem:s5], [sflag:$0x1] =	stream.indirect.gather @!p0 [spmem:s2], $0x20, s7, s8, $0xb8;
	[tilespmem:$0x1FE00] =	vst v63  }
0x1ea: {  	s5 =	sadd.s32 @!p0 $0xA680, s1;
	s7 =	simm.s32 @!p0 $0xFE00  }
0x1eb: {  	[tilespmem:s7], [sflag:$0x2] =	stream.indirect.gather @!p0 [spmem:s2], $0x20, s5, s8, $0xb8;
	[tilespmem:$0x1FE00] =	vst v63  }
0x1ec: {  	s5 =	sadd.s32 @!p0 $0xA700, s1;
	s7 =	simm.s32 @!p0 $0x10E00  }
0x1ed: {  	[tilespmem:s7], [sflag:$0x3] =	stream.indirect.gather @!p0 [spmem:s2], $0x20, s5, s8, $0xb8;
	[tilespmem:$0x1FE00] =	vst v63  }
0x1ee: {  	s5 =	sadd.s32 @!p0 $0xA780, s1;
	s7 =	simm.s32 @!p0 $0x11E00  }
0x1ef: {  	[tilespmem:s7], [sflag:$0x4] =	stream.indirect.gather @!p0 [spmem:s2], $0x20, s5, s8, $0xb8;
	[tilespmem:$0x1FE00] =	vst v63  }
0x1f0: {  	s5 =	sadd.s32 @!p0 $0xA800, s1;
	s7 =	simm.s32 @!p0 $0x12E00  }
0x1f1: {  	[tilespmem:s7], [sflag:$0x5] =	stream.indirect.gather @!p0 [spmem:s2], $0x20, s5, s8, $0xb8;
	[tilespmem:$0x1FE00] =	vst v63  }
0x1f2: {  	s5 =	sadd.s32 @!p0 $0xA880, s1;
	s7 =	simm.s32 @!p0 $0x13E00  }
0x1f3: {  	[tilespmem:s7], [sflag:$0x6] =	stream.indirect.gather @!p0 [spmem:s2], $0x20, s5, s8, $0xb8;
	[tilespmem:$0x1FE00] =	vst v63  }
0x1f4: {  	s5 =	sadd.s32 @!p0 $0xA900, s1;
	s7 =	simm.s32 @!p0 $0x14E00  }
0x1f5: {  	[tilespmem:s7], [sflag:$0x7] =	stream.indirect.gather @!p0 [spmem:s2], $0x20, s5, s8, $0xb8;
	[tilespmem:$0x1FE00] =	vst v63  }
0x1f6: {  	s1 =	sadd.s32 @!p0 $0xA980, s1;
	s5 =	simm.s32 @!p0 $0x15E00  }
0x1f7: {  	[tilespmem:s5], [sflag:$0x8] =	stream.indirect.gather @!p0 [spmem:s2], $0x20, s1, s8, $0xb8;
	[tilespmem:$0x1FE00] =	vst v63  }
0x1f8: {  	_ =	swait.ge [sflag:s24], $0x1000  }
0x1f9: {  	[sflag:s24] =	ssyncset.done $0x0  }
0x1fa: {  	s7 =	sadd.s32 $0xCA00, s4;
	s8 =	simm.s32 $0xA;
	[sflag:s24] =	ssyncadd.s32 $0xFFFFF000  }
0x1fb: {  	[spmem:s3] =	stream.indirect.scatter.add.f32 [tilespmem:s30], [sflag:$0x13], $0x20, s7, s22, $0xb8;
	[tilespmem:$0x1FE00] =	vst v63  }
0x1fc: {  	_ =	swait.ge [sflag:s8], $0x1000  }
0x1fd: {  	[sflag:s8] =	ssyncset.done $0x0  }
0x1fe: {  	s12 =	simm.s32 $0xB;
	s10 =	sadd.s32 $0xCA80, s4;
	[sflag:s8] =	ssyncadd.s32 $0xFFFFF000  }
0x1ff: {  	[spmem:s3] =	stream.indirect.scatter.add.f32 [tilespmem:s28], [sflag:$0x13], $0x20, s10, s22, $0xb8;
	[tilespmem:$0x1FE00] =	vst v63  }
0x200: {  	_ =	swait.ge [sflag:s12], $0x1000  }
0x201: {  	[sflag:s12] =	ssyncset.done $0x0  }
0x202: {  	s26 =	simm.s32 $0xC;
	s24 =	sadd.s32 $0xCB00, s4;
	[sflag:s12] =	ssyncadd.s32 $0xFFFFF000  }
0x203: {  	[spmem:s3] =	stream.indirect.scatter.add.f32 [tilespmem:s25], [sflag:$0x13], $0x20, s24, s22, $0xb8;
	[tilespmem:$0x1FE00] =	vst v63  }
0x204: {  	_ =	swait.ge [sflag:s26], $0x1000  }
0x205: {  	[sflag:s26] =	ssyncset.done $0x0  }
0x206: {  	s30 =	simm.s32 $0xD;
	s28 =	sadd.s32 $0xCB80, s4;
	[sflag:s26] =	ssyncadd.s32 $0xFFFFF000  }
0x207: {  	[spmem:s3] =	stream.indirect.scatter.add.f32 [tilespmem:s23], [sflag:$0x13], $0x20, s28, s22, $0xb8;
	[tilespmem:$0x1FE00] =	vst v63  }
0x208: {  	_ =	swait.ge [sflag:s30], $0x1000  }
0x209: {  	[sflag:s30] =	ssyncset.done $0x0  }
0x20a: {  	s5 =	sadd.s32 $0xCC00, s4;
	s7 =	simm.s32 $0xE;
	[sflag:s30] =	ssyncadd.s32 $0xFFFFF000  }
0x20b: {  	[spmem:s3] =	stream.indirect.scatter.add.f32 [tilespmem:s19], [sflag:$0x13], $0x20, s5, s22, $0xb8;
	[tilespmem:$0x1FE00] =	vst v63  }
0x20c: {  	_ =	swait.ge [sflag:s7], $0x1000  }
0x20d: {  	[sflag:s7] =	ssyncset.done $0x0  }
0x20e: {  	s8 =	sadd.s32 $0xCC80, s4;
	s10 =	simm.s32 $0xF;
	[sflag:s7] =	ssyncadd.s32 $0xFFFFF000  }
0x20f: {  	[spmem:s3] =	stream.indirect.scatter.add.f32 [tilespmem:s0], [sflag:$0x13], $0x20, s8, s22, $0xb8;
	[tilespmem:$0x1FE00] =	vst v63  }
0x210: {  	_ =	swait.ge [sflag:s10], $0x1000  }
0x211: {  	[sflag:s10] =	ssyncset.done $0x0  }
0x212: {  	s12 =	sadd.s32 $0xCD00, s4;
	s19 =	simm.s32 $0x10;
	[sflag:s10] =	ssyncadd.s32 $0xFFFFF000  }
0x213: {  	[spmem:s3] =	stream.indirect.scatter.add.f32 [tilespmem:s18], [sflag:$0x13], $0x20, s12, s22, $0xb8;
	[tilespmem:$0x1FE00] =	vst v63  }
0x214: {  	_ =	swait.ge [sflag:s19], $0x1000  }
0x215: {  	[sflag:s19] =	ssyncset.done $0x0  }
0x216: {  	s23 =	sadd.s32 $0xCD80, s4;
	[sflag:s19] =	ssyncadd.s32 $0xFFFFF000  }
0x217: {  	[spmem:s3] =	stream.indirect.scatter.add.f32 [tilespmem:s11], [sflag:$0x13], $0x20, s23, s22, $0xb8;
	[tilespmem:$0x1FE00] =	vst v63  }
0x218: {  	_ =	swait.ge [sflag:s21], $0x1000  }
0x219: {  	[sflag:s21] =	ssyncset.done $0x0  }
0x21a: {  	[sflag:s21] =	ssyncadd.s32 $0xFFFFF000  }
0x21b: {  	_ =	swait.ge [sflag:s21], $0x1000  }
0x21c: {  	[sflag:s21] =	ssyncset.done $0x0  }
0x21d: {  	[sflag:s21] =	ssyncadd.s32 $0xFFFFF000  }
0x21e: {  	_ =	swait.ge [sflag:s21], $0x1000  }
0x21f: {  	[sflag:s21] =	ssyncset.done $0x0  }
0x220: {  	[sflag:s21] =	ssyncadd.s32 $0xFFFFF000  }
0x221: {  	_ =	swait.ge [sflag:s21], $0x1000  }
0x222: {  	[sflag:s21] =	ssyncset.done $0x0  }
0x223: {  	[sflag:s21] =	ssyncadd.s32 $0xFFFFF000  }
0x224: {  	_ =	swait.ge [sflag:s21], $0x1000  }
0x225: {  	[sflag:s21] =	ssyncset.done $0x0  }
0x226: {  	[sflag:s21] =	ssyncadd.s32 $0xFFFFF000  }
0x227: {  	_ =	swait.ge [sflag:s21], $0x1000  }
0x228: {  	[sflag:s21] =	ssyncset.done $0x0  }
0x229: {  	[sflag:s21] =	ssyncadd.s32 $0xFFFFF000  }
0x22a: {  	_ =	swait.ge [sflag:s21], $0x1000  }
0x22b: {  	[sflag:s21] =	ssyncset.done $0x0  }
0x22c: {  	[sflag:s21] =	ssyncadd.s32 $0xFFFFF000  }
0x22d: {  	_ =	swait.ge [sflag:s21], $0x1000  }
0x22e: {  	[sflag:s21] =	ssyncset.done $0x0  }
0x22f: {  	[sflag:s21] =	ssyncadd.s32 $0xFFFFF000  }
0x230: {  	[bflag:$0x0] =	sbarrier.arrive $0xFFFF  }
0x231: {  	s24 =	rddreg [dreg:$0x7]  }
0x232: {  	s10 =	simm.s32 $0x14;
	s8 =	rddreg [dreg:$0xa]  }
0x233: {  	s26 =	rddreg [dreg:$0xf];
	s1 =	sor.u32 $0x1C14, s24;
	s25 =	sshrl.u32 s8, $0x3  }
0x234: {  	[hbm:s26], [sflag:s1] =	dma.local [spmem:s25], $0x9E0  }
0x235: {  	_ =	swait.ge [sflag:s10], $0x9E0  }
0x236: {  	s28 =	rddreg [dreg:$0x12]  }
0x237: {  	s30 =	rddreg [dreg:$0x10];
	s4 =	sadd.s32 $0x1, s28  }
0x238: {  	p0 =	sne.s32 s4, s30  }
.Ltmp3:
0x239: {  	_ = 	snop;
	(pc) =	sbr.rel @p0 .LBB2_1-.Ltmp3, $3  }
0x23a: {  	_ =	sdelay $0x1  }
0x23b: {  	s31 =	simm.s32 $0x11E00;
	[sflag:s10] =	ssyncset.done $0x0  }
0x23c: {  	s7 =	simm.s32 $0x9E00;
	s24 =	simm.s32 $0x10E00;
	[sflag:s10] =	ssyncadd.s32 $0xFFFFF620  }
0x23d: {  	_ =	sfence.sel $0x180000  }
0x23e: {  	[bflag:$0x0] =	sbarrier.arrive $0xFFFF  }
0x23f: {  	_ =	strace $0x90000047  }
0x240: {  	s0 =	stileid.u32;
	[bflag:$0x2] =	sbarrier.arrive $0xFFFF  }
0x241: {  	p0 =	sne.s32 s0, $0x0;
	s0 =	rddreg [dreg:$0x5]  }
0x242: {  	s0 =	sadd.s32 @!p0 $0x100000, s0  }
0x243: {  	[sflag:s0] =	ssyncadd.tile.s32 @!p0 $0x1;
	_ =	shalt  }
.Lfunc_end2:
_tile_overlayer_lowered:
.L_overlay_start_2:
0x244: {  	(tag) =	ssettag $0x2  }
0x245: {  	s0 =	rddreg [dreg:$0x0];
	s2 =	stileid.u32  }
0x246: {  	s1 =	rddreg [dreg:$0x1];
	p0 =	sne.s32 s2, $0x0  }
0x247: {  	s3 =	rddreg [dreg:$0x2];
	[bflag:$0x3] =	sbarrier.arrive $0xFFFF;
	s2 =	simm.s32 @!p0 $0x1C14  }
0x248: {  	[timem:s3], [sflag:s2] =	dma.local @!p0 [hbm:s0], s1  }
0x249: {  	s0 =	simm.s32 @!p0 $0x14  }
0x24a: {  	_ =	swait.ge @!p0 [sflag:s0], s1  }
0x24b: {  	s1 =	ssub.s32 @!p0 $0x0, s1;
	[sflag:s0] =	ssyncset.done @!p0 $0x0  }
0x24c: {  	[sflag:s0] =	ssyncadd.s32 @!p0 s1  }
0x24d: {  	[bflag:$0x3] =	sbarrier.arrive $0xFFFF  }
0x24e: {  	_ =	shalt  }

</sc_bundles>
